<compile_context>
chip_gen: v7x
topology: tpu7x:2x2x1
jax: 0.10.2.dev20260603
libtpu: 0.0.44.dev20260713+nightly
codegen_flags: <defaults>
</compile_context>

<pallas_src>
import functools

import jax
import jax.numpy as jnp
from jax import lax
from jax.experimental import pallas as pl
from jax.experimental.pallas import tpu as pltpu
from jax.experimental.pallas import tpu_sc as plsc

_N = 10000
_D = 256
_H = 4
_DK = 64
_I = 5

_NW = 32
_PER_W = 320
_NPAD = _NW * _PER_W
_CHUNK = 80
_NCHUNK = _PER_W // _CHUNK

_NT_DIMS = (((1,), (1,)), ((), ()))


@functools.lru_cache(maxsize=None)
def _make_sc_gather():
    @functools.partial(
        pl.kernel,
        mesh=plsc.VectorSubcoreMesh(core_axis_name="c", subcore_axis_name="s"),
        out_type=jax.ShapeDtypeStruct((_N, _D // 2), jnp.int32),
        scratch_types=[
            pltpu.VMEM((_PER_W,), jnp.int32),
            pltpu.VMEM((_CHUNK, _D // 2), jnp.int32),
            pltpu.VMEM((_CHUNK, _D // 2), jnp.int32),
            pltpu.SemaphoreType.DMA,
            pltpu.SemaphoreType.DMA,
            pltpu.SemaphoreType.DMA,
            pltpu.SemaphoreType.DMA,
        ],
    )
    def _sc_gather(table_hbm, idx_hbm, out_hbm, idx_v,
                   rows_a, rows_b, gs_a, gs_b, ws_a, ws_b):
        wid = lax.axis_index("s") * 2 + lax.axis_index("c")
        base = wid * _PER_W
        pltpu.sync_copy(idx_hbm.at[pl.ds(base, _PER_W)], idx_v)

        rows = (rows_a, rows_b)
        gs = (gs_a, gs_b)
        ws = (ws_a, ws_b)
        offs = [pl.multiple_of(base + c * _CHUNK, 16) for c in range(_NCHUNK)]
        conds = [offs[c] < _N for c in range(_NCHUNK)]

        def gstart(c):
            b = c % 2
            pltpu.async_copy(
                table_hbm.at[idx_v.at[pl.ds(c * _CHUNK, _CHUNK)]],
                rows[b], gs[b])

        def gwait(c):
            b = c % 2
            pltpu.make_async_copy(
                table_hbm.at[idx_v.at[pl.ds(c * _CHUNK, _CHUNK)]],
                rows[b], gs[b]).wait()

        def wstart(c):
            b = c % 2
            pltpu.async_copy(rows[b], out_hbm.at[pl.ds(offs[c], _CHUNK)],
                             ws[b])

        def wwait(c):
            b = c % 2
            pltpu.make_async_copy(rows[b], out_hbm.at[pl.ds(offs[c], _CHUNK)],
                                  ws[b]).wait()

        for c in range(_NCHUNK):
            if c >= 2:
                @pl.when(conds[c - 2])
                def _(c=c):
                    wwait(c - 2)

            @pl.when(conds[c])
            def _(c=c):
                gstart(c)

            @pl.when(conds[c])
            def _(c=c):
                gwait(c)
                wstart(c)
        for c in range(max(_NCHUNK - 2, 0), _NCHUNK):
            @pl.when(conds[c])
            def _(c=c):
                wwait(c)

    return _sc_gather


def _q_body(x_ref, wqt_ref, q_ref):
    q_ref[0] = lax.dot_general(
        wqt_ref[0].astype(jnp.bfloat16), x_ref[...].astype(jnp.bfloat16),
        _NT_DIMS, preferred_element_type=jnp.float32)


def _tc_q(x, wqt):
    return pl.pallas_call(
        _q_body,
        grid=(_H,),
        in_specs=[
            pl.BlockSpec((_N, _D), lambda h: (0, 0)),
            pl.BlockSpec((1, _DK, _D), lambda h: (h, 0, 0)),
        ],
        out_specs=pl.BlockSpec((1, _DK, _N), lambda h: (h, 0, 0)),
        out_shape=jax.ShapeDtypeStruct((_H, _DK, _N), jnp.float32),
    )(x, wqt)


def _rne_bf16_bits(u):
    sixteen = jnp.uint32(16)
    odd = lax.bitwise_and(lax.shift_right_logical(u, sixteen), jnp.uint32(1))
    return lax.shift_right_logical(u + jnp.uint32(0x7FFF) + odd, sixteen)


def _pack_body(x_ref, out_ref):
    u = lax.bitcast_convert_type(x_ref[...], jnp.uint32)
    b = _rne_bf16_bits(u)
    w = lax.bitwise_or(b[:, :_D // 2],
                       lax.shift_left(b[:, _D // 2:], jnp.uint32(16)))
    out_ref[...] = lax.bitcast_convert_type(w, jnp.int32)


def _tc_pack(x):
    bn = 2000
    return pl.pallas_call(
        _pack_body,
        grid=(_N // bn,),
        in_specs=[pl.BlockSpec((bn, _D), lambda n: (n, 0))],
        out_specs=pl.BlockSpec((bn, _D // 2), lambda n: (n, 0)),
        out_shape=jax.ShapeDtypeStruct((_N, _D // 2), jnp.int32),
    )(x)


def _unpack_to_scratch(xn_ref, xbf_ref):
    @pl.when(pl.program_id(0) == 0)
    def _():
        xi = xn_ref[...]
        lo = lax.shift_left(xi, 16)
        hi = lax.bitwise_and(xi, jnp.int32(-65536))
        xbf_ref[:, :_D // 2] = lax.bitcast_convert_type(
            lo, jnp.float32).astype(jnp.bfloat16)
        xbf_ref[:, _D // 2:] = lax.bitcast_convert_type(
            hi, jnp.float32).astype(jnp.bfloat16)


def _k_body_first(xn_ref, wkt_ref, k_ref, xbf_ref):
    _unpack_to_scratch(xn_ref, xbf_ref)
    k_ref[0, 0] = lax.dot_general(
        wkt_ref[0, 0].astype(jnp.bfloat16), xbf_ref[...],
        _NT_DIMS, preferred_element_type=jnp.float32)


def _k_body_acc(kin_ref, xn_ref, wkt_ref, k_ref, xbf_ref):
    del kin_ref
    _unpack_to_scratch(xn_ref, xbf_ref)
    k_ref[0, 0] = lax.dot_general(
        wkt_ref[0, 0].astype(jnp.bfloat16), xbf_ref[...],
        _NT_DIMS, preferred_element_type=jnp.float32)


def _tc_k_slot(i, kt, xn_i, wkt):
    out_spec = pl.BlockSpec((1, 1, _DK, _N), lambda h: (h, i, 0, 0))
    out_shape = jax.ShapeDtypeStruct((_H, _I, _DK, _N), jnp.float32)
    common = [
        pl.BlockSpec((_N, _D // 2), lambda h: (0, 0)),
        pl.BlockSpec((1, 1, _DK, _D), lambda h, _i=i: (h, _i, 0, 0)),
    ]
    scratch = [pltpu.VMEM((_N, _D), jnp.bfloat16)]
    if kt is None:
        return pl.pallas_call(
            _k_body_first,
            grid=(_H,),
            in_specs=common,
            out_specs=out_spec,
            out_shape=out_shape,
            scratch_shapes=scratch,
        )(xn_i, wkt)
    return pl.pallas_call(
        _k_body_acc,
        grid=(_H,),
        in_specs=[pl.BlockSpec(memory_space=pl.ANY)] + common,
        out_specs=out_spec,
        out_shape=out_shape,
        input_output_aliases={0: 0},
        scratch_shapes=scratch,
    )(kt, xn_i, wkt)


def kernel(x, adjacency_matrix, w_q, w_k, w_v):
    del w_v
    idx = jnp.pad(adjacency_matrix, ((0, 0), (0, _NPAD - _N)))
    x_packed = _tc_pack(x)
    gather = _make_sc_gather()
    xns = [gather(x_packed, idx[i]) for i in range(_I)]
    qt = _tc_q(x, w_q.transpose(0, 2, 1))
    wkt = w_k.transpose(0, 1, 3, 2)
    kt = None
    for i in range(_I):
        kt = _tc_k_slot(i, kt, xns[i], wkt)
    return (qt.transpose(0, 2, 1), kt.transpose(0, 1, 3, 2))

# --- scband reference (transcript-rebuilt; emitter-appended) ---
"""Pipeline reference for scband-knot-attention-56032143344243 (READ-ONLY COPY).

The authoritative reference and input builder live on the scoring server;
editing this copy changes nothing except your own understanding.
"""

import jax, jax.numpy as jnp
import numpy as np
import math

N = 10000
D = 256
H = 4
DK = 64
DV = 64
I = 5


def _xavier_uniform(key, shape):
    receptive = int(np.prod(shape[2:])) if len(shape) > 2 else 1
    fan_in = shape[1] * receptive
    fan_out = shape[0] * receptive
    b = math.sqrt(6.0 / (fan_in + fan_out))
    return jax.random.uniform(key, shape, jnp.float32, -b, b)


def setup_inputs(seed: int = 0) -> dict:
    key = jax.random.key(seed)
    k1, k2, k3, k4, k5 = jax.random.split(key, 5)
    x = jax.random.normal(k1, (N, D), dtype=jnp.float32)
    adjacency_matrix = jax.random.randint(k2, (I, N), 0, N, dtype=jnp.int32)
    w_q = _xavier_uniform(k3, (H, D, DK))
    w_k = _xavier_uniform(k4, (H, I, D, DK))
    w_v = _xavier_uniform(k5, (H, I, D, DV))
    return {"x": x, "adjacency_matrix": adjacency_matrix, "w_q": w_q, "w_k": w_k, "w_v": w_v}


def reference(x, adjacency_matrix, w_q, w_k, w_v):
    # Q projection per head: (N, D) x (H, D, DK) -> (H, N, DK)
    Q = jnp.einsum('nd,hdk->hnk', x, w_q)
    # gather neighbor features: (I, N) indices into (N, D) -> (I, N, D)
    x_neighbors = x[adjacency_matrix]
    # K projection per head and neighbor slot: (I, N, D) x (H, I, D, DK) -> (H, I, N, DK)
    # NOTE: the original torch einsum had its operand order swapped relative to the
    # subscripts ('hidk,ind' with a 3-D first operand), which would error at runtime;
    # this is the intended, shape-consistent contraction.
    K = jnp.einsum('ind,hidk->hink', x_neighbors, w_k)
    return (Q, K)

if __name__ == "__main__":
    import jax
    _d = setup_inputs()
    print(jax.jit(kernel)(*tuple(_d.values())))

</pallas_src>

<mosaic_0001>
#map = affine_map<(d0, d1) -> (0, 0)>
#map1 = affine_map<(d0, d1) -> (0)>
module attributes {stable_mosaic.version = 14 : i64} {
  func.func @_sc_gather(%arg0: i32, %arg1: i32, %arg2: memref<10000x128xi32, #tpu.memory_space<hbm>>, %arg3: memref<10240xi32, #tpu.memory_space<hbm>>, %arg4: memref<10000x128xi32, #tpu.memory_space<hbm>>, %arg5: memref<320xi32, #tpu.memory_space<vmem>>, %arg6: memref<80x128xi32, #tpu.memory_space<vmem>>, %arg7: memref<80x128xi32, #tpu.memory_space<vmem>>, %arg8: memref<!tpu.dma_semaphore, #tpu.memory_space<semaphore_mem>>, %arg9: memref<!tpu.dma_semaphore, #tpu.memory_space<semaphore_mem>>, %arg10: memref<!tpu.dma_semaphore, #tpu.memory_space<semaphore_mem>>, %arg11: memref<!tpu.dma_semaphore, #tpu.memory_space<semaphore_mem>>) attributes {dimension_semantics = [#tpu.dimension_semantics<core_parallel>, #tpu.dimension_semantics<subcore_parallel>], iteration_bounds = array<i64: 2, 16>, scalar_prefetch = 0 : i64, scratch_operands = 7 : i64, tpu.core_type = #tpu.core_type<sc_vector_subcore>, window_params = [{transform_indices = #map}, {transform_indices = #map1}, {transform_indices = #map}]} {
    %mul3A = arith.constant 2 : i32
    %mul3A_0 = arith.muli %arg1, %mul3A : i32
    %add3A = arith.addi %mul3A_0, %arg0 : i32
    %mul3A_1 = arith.constant 320 : i32
    %mul3A_2 = arith.muli %add3A, %mul3A_1 : i32
    "tpu.region"() ({
      %run_scoped3A = tpu.sem_alloc : memref<!tpu.dma_semaphore, #tpu.memory_space<semaphore_mem>>
      %dma_start3A = tpu.memref_slice %arg3[%mul3A_2] : memref<10240xi32, #tpu.memory_space<hbm>> -> memref<320xi32, #tpu.memory_space<hbm>>
      %dma_start3A_55 = tpu.memref_slice %arg3[%mul3A_2] : memref<10240xi32, #tpu.memory_space<hbm>> -> memref<320xi32, #tpu.memory_space<hbm>>
      tpu.enqueue_dma source(%dma_start3A_55 : memref<320xi32, #tpu.memory_space<hbm>>) target(%arg5 : memref<320xi32, #tpu.memory_space<vmem>>) target_semaphore(%run_scoped3A : memref<!tpu.dma_semaphore, #tpu.memory_space<semaphore_mem>>)
      %dma_wait3A = tpu.memref_slice %arg3[%mul3A_2] : memref<10240xi32, #tpu.memory_space<hbm>> -> memref<320xi32, #tpu.memory_space<hbm>>
      %dma_wait3A_56 = tpu.memref_slice %arg3[%mul3A_2] : memref<10240xi32, #tpu.memory_space<hbm>> -> memref<320xi32, #tpu.memory_space<hbm>>
      tpu.wait_dma2 semaphore(%run_scoped3A : memref<!tpu.dma_semaphore, #tpu.memory_space<semaphore_mem>>) src(%dma_wait3A_56 : memref<320xi32, #tpu.memory_space<hbm>>) dst(%arg5 : memref<320xi32, #tpu.memory_space<vmem>>)
      tpu.yield
    }) : () -> ()
    %add3A_3 = arith.constant 0 : i32
    %add3A_4 = arith.addi %mul3A_2, %add3A_3 : i32
    %multiple_of3A = tpu.assume_multiple %add3A_4, 16 : i32
    %add3A_5 = arith.constant 80 : i32
    %add3A_6 = arith.addi %mul3A_2, %add3A_5 : i32
    %multiple_of3A_7 = tpu.assume_multiple %add3A_6, 16 : i32
    %add3A_8 = arith.constant 160 : i32
    %add3A_9 = arith.addi %mul3A_2, %add3A_8 : i32
    %multiple_of3A_10 = tpu.assume_multiple %add3A_9, 16 : i32
    %add3A_11 = arith.constant 240 : i32
    %add3A_12 = arith.addi %mul3A_2, %add3A_11 : i32
    %multiple_of3A_13 = tpu.assume_multiple %add3A_12, 16 : i32
    %lt3A = arith.constant 10000 : i32
    %lt3A_14 = arith.cmpi slt, %multiple_of3A, %lt3A : i32
    %lt3A_15 = arith.constant 10000 : i32
    %lt3A_16 = arith.cmpi slt, %multiple_of3A_7, %lt3A_15 : i32
    %lt3A_17 = arith.constant 10000 : i32
    %lt3A_18 = arith.cmpi slt, %multiple_of3A_10, %lt3A_17 : i32
    %lt3A_19 = arith.constant 10000 : i32
    %lt3A_20 = arith.cmpi slt, %multiple_of3A_13, %lt3A_19 : i32
    %convert_element_type3A = arith.extui %lt3A_14 : i1 to i32
    %cond3A = arith.constant 0 : i32
    %cond3A_21 = arith.cmpi ne, %convert_element_type3A, %cond3A : i32
    scf.if %cond3A_21 {
      %dma_start3A = arith.constant 0 : i32
      %dma_start3A_55 = tpu.memref_slice %arg5[%dma_start3A] : memref<320xi32, #tpu.memory_space<vmem>> -> memref<80xi32, #tpu.memory_space<vmem>>
      %dma_start3A_56 = arith.constant 0 : i32
      %dma_start3A_57 = arith.constant 0 : i32
      %dma_start3A_58 = tpu.memref_slice %arg2[%dma_start3A_56, %dma_start3A_57] : memref<10000x128xi32, #tpu.memory_space<hbm>> -> memref<10000x128xi32, #tpu.memory_space<hbm>>
      tpu.enqueue_indirect_dma source(%dma_start3A_58 : memref<10000x128xi32, #tpu.memory_space<hbm>>) target(%arg6 : memref<80x128xi32, #tpu.memory_space<vmem>>) offsets(%dma_start3A_55 : memref<80xi32, #tpu.memory_space<vmem>>) semaphore(%arg8 : memref<!tpu.dma_semaphore, #tpu.memory_space<semaphore_mem>>)
    } else {
    }
    %convert_element_type3A_22 = arith.extui %lt3A_14 : i1 to i32
    %cond3A_23 = arith.constant 0 : i32
    %cond3A_24 = arith.cmpi ne, %convert_element_type3A_22, %cond3A_23 : i32
    scf.if %cond3A_24 {
      %dma_wait3A = arith.constant 0 : i32
      %dma_wait3A_55 = tpu.memref_slice %arg5[%dma_wait3A] : memref<320xi32, #tpu.memory_space<vmem>> -> memref<80xi32, #tpu.memory_space<vmem>>
      %dma_wait3A_56 = arith.constant 0 : i32
      %dma_wait3A_57 = arith.constant 0 : i32
      %dma_wait3A_58 = tpu.memref_slice %arg2[%dma_wait3A_56, %dma_wait3A_57] : memref<10000x128xi32, #tpu.memory_space<hbm>> -> memref<10000x128xi32, #tpu.memory_space<hbm>>
      tpu.wait_indirect_dma semaphore(%arg8 : memref<!tpu.dma_semaphore, #tpu.memory_space<semaphore_mem>>) src(%dma_wait3A_58 : memref<10000x128xi32, #tpu.memory_space<hbm>>) dst(%arg6 : memref<80x128xi32, #tpu.memory_space<vmem>>)
      %dma_start3A = arith.constant 0 : i32
      %dma_start3A_59 = tpu.memref_slice %arg4[%multiple_of3A, %dma_start3A] : memref<10000x128xi32, #tpu.memory_space<hbm>> -> memref<80x128xi32, #tpu.memory_space<hbm>>
      %dma_start3A_60 = arith.constant 0 : i32
      %dma_start3A_61 = tpu.memref_slice %arg4[%multiple_of3A, %dma_start3A_60] : memref<10000x128xi32, #tpu.memory_space<hbm>> -> memref<80x128xi32, #tpu.memory_space<hbm>>
      tpu.enqueue_dma source(%arg6 : memref<80x128xi32, #tpu.memory_space<vmem>>) target(%dma_start3A_61 : memref<80x128xi32, #tpu.memory_space<hbm>>) target_semaphore(%arg10 : memref<!tpu.dma_semaphore, #tpu.memory_space<semaphore_mem>>)
    } else {
    }
    %convert_element_type3A_25 = arith.extui %lt3A_16 : i1 to i32
    %cond3A_26 = arith.constant 0 : i32
    %cond3A_27 = arith.cmpi ne, %convert_element_type3A_25, %cond3A_26 : i32
    scf.if %cond3A_27 {
      %dma_start3A = arith.constant 80 : i32
      %dma_start3A_55 = tpu.memref_slice %arg5[%dma_start3A] : memref<320xi32, #tpu.memory_space<vmem>> -> memref<80xi32, #tpu.memory_space<vmem>>
      %dma_start3A_56 = arith.constant 0 : i32
      %dma_start3A_57 = arith.constant 0 : i32
      %dma_start3A_58 = tpu.memref_slice %arg2[%dma_start3A_56, %dma_start3A_57] : memref<10000x128xi32, #tpu.memory_space<hbm>> -> memref<10000x128xi32, #tpu.memory_space<hbm>>
      tpu.enqueue_indirect_dma source(%dma_start3A_58 : memref<10000x128xi32, #tpu.memory_space<hbm>>) target(%arg7 : memref<80x128xi32, #tpu.memory_space<vmem>>) offsets(%dma_start3A_55 : memref<80xi32, #tpu.memory_space<vmem>>) semaphore(%arg9 : memref<!tpu.dma_semaphore, #tpu.memory_space<semaphore_mem>>)
    } else {
    }
    %convert_element_type3A_28 = arith.extui %lt3A_16 : i1 to i32
    %cond3A_29 = arith.constant 0 : i32
    %cond3A_30 = arith.cmpi ne, %convert_element_type3A_28, %cond3A_29 : i32
    scf.if %cond3A_30 {
      %dma_wait3A = arith.constant 80 : i32
      %dma_wait3A_55 = tpu.memref_slice %arg5[%dma_wait3A] : memref<320xi32, #tpu.memory_space<vmem>> -> memref<80xi32, #tpu.memory_space<vmem>>
      %dma_wait3A_56 = arith.constant 0 : i32
      %dma_wait3A_57 = arith.constant 0 : i32
      %dma_wait3A_58 = tpu.memref_slice %arg2[%dma_wait3A_56, %dma_wait3A_57] : memref<10000x128xi32, #tpu.memory_space<hbm>> -> memref<10000x128xi32, #tpu.memory_space<hbm>>
      tpu.wait_indirect_dma semaphore(%arg9 : memref<!tpu.dma_semaphore, #tpu.memory_space<semaphore_mem>>) src(%dma_wait3A_58 : memref<10000x128xi32, #tpu.memory_space<hbm>>) dst(%arg7 : memref<80x128xi32, #tpu.memory_space<vmem>>)
      %dma_start3A = arith.constant 0 : i32
      %dma_start3A_59 = tpu.memref_slice %arg4[%multiple_of3A_7, %dma_start3A] : memref<10000x128xi32, #tpu.memory_space<hbm>> -> memref<80x128xi32, #tpu.memory_space<hbm>>
      %dma_start3A_60 = arith.constant 0 : i32
      %dma_start3A_61 = tpu.memref_slice %arg4[%multiple_of3A_7, %dma_start3A_60] : memref<10000x128xi32, #tpu.memory_space<hbm>> -> memref<80x128xi32, #tpu.memory_space<hbm>>
      tpu.enqueue_dma source(%arg7 : memref<80x128xi32, #tpu.memory_space<vmem>>) target(%dma_start3A_61 : memref<80x128xi32, #tpu.memory_space<hbm>>) target_semaphore(%arg11 : memref<!tpu.dma_semaphore, #tpu.memory_space<semaphore_mem>>)
    } else {
    }
    %convert_element_type3A_31 = arith.extui %lt3A_14 : i1 to i32
    %cond3A_32 = arith.constant 0 : i32
    %cond3A_33 = arith.cmpi ne, %convert_element_type3A_31, %cond3A_32 : i32
    scf.if %cond3A_33 {
      %dma_wait3A = arith.constant 0 : i32
      %dma_wait3A_55 = tpu.memref_slice %arg4[%multiple_of3A, %dma_wait3A] : memref<10000x128xi32, #tpu.memory_space<hbm>> -> memref<80x128xi32, #tpu.memory_space<hbm>>
      %dma_wait3A_56 = arith.constant 0 : i32
      %dma_wait3A_57 = tpu.memref_slice %arg4[%multiple_of3A, %dma_wait3A_56] : memref<10000x128xi32, #tpu.memory_space<hbm>> -> memref<80x128xi32, #tpu.memory_space<hbm>>
      tpu.wait_dma2 semaphore(%arg10 : memref<!tpu.dma_semaphore, #tpu.memory_space<semaphore_mem>>) src(%arg6 : memref<80x128xi32, #tpu.memory_space<vmem>>) dst(%dma_wait3A_57 : memref<80x128xi32, #tpu.memory_space<hbm>>)
    } else {
    }
    %convert_element_type3A_34 = arith.extui %lt3A_18 : i1 to i32
    %cond3A_35 = arith.constant 0 : i32
    %cond3A_36 = arith.cmpi ne, %convert_element_type3A_34, %cond3A_35 : i32
    scf.if %cond3A_36 {
      %dma_start3A = arith.constant 160 : i32
      %dma_start3A_55 = tpu.memref_slice %arg5[%dma_start3A] : memref<320xi32, #tpu.memory_space<vmem>> -> memref<80xi32, #tpu.memory_space<vmem>>
      %dma_start3A_56 = arith.constant 0 : i32
      %dma_start3A_57 = arith.constant 0 : i32
      %dma_start3A_58 = tpu.memref_slice %arg2[%dma_start3A_56, %dma_start3A_57] : memref<10000x128xi32, #tpu.memory_space<hbm>> -> memref<10000x128xi32, #tpu.memory_space<hbm>>
      tpu.enqueue_indirect_dma source(%dma_start3A_58 : memref<10000x128xi32, #tpu.memory_space<hbm>>) target(%arg6 : memref<80x128xi32, #tpu.memory_space<vmem>>) offsets(%dma_start3A_55 : memref<80xi32, #tpu.memory_space<vmem>>) semaphore(%arg8 : memref<!tpu.dma_semaphore, #tpu.memory_space<semaphore_mem>>)
    } else {
    }
    %convert_element_type3A_37 = arith.extui %lt3A_18 : i1 to i32
    %cond3A_38 = arith.constant 0 : i32
    %cond3A_39 = arith.cmpi ne, %convert_element_type3A_37, %cond3A_38 : i32
    scf.if %cond3A_39 {
      %dma_wait3A = arith.constant 160 : i32
      %dma_wait3A_55 = tpu.memref_slice %arg5[%dma_wait3A] : memref<320xi32, #tpu.memory_space<vmem>> -> memref<80xi32, #tpu.memory_space<vmem>>
      %dma_wait3A_56 = arith.constant 0 : i32
      %dma_wait3A_57 = arith.constant 0 : i32
      %dma_wait3A_58 = tpu.memref_slice %arg2[%dma_wait3A_56, %dma_wait3A_57] : memref<10000x128xi32, #tpu.memory_space<hbm>> -> memref<10000x128xi32, #tpu.memory_space<hbm>>
      tpu.wait_indirect_dma semaphore(%arg8 : memref<!tpu.dma_semaphore, #tpu.memory_space<semaphore_mem>>) src(%dma_wait3A_58 : memref<10000x128xi32, #tpu.memory_space<hbm>>) dst(%arg6 : memref<80x128xi32, #tpu.memory_space<vmem>>)
      %dma_start3A = arith.constant 0 : i32
      %dma_start3A_59 = tpu.memref_slice %arg4[%multiple_of3A_10, %dma_start3A] : memref<10000x128xi32, #tpu.memory_space<hbm>> -> memref<80x128xi32, #tpu.memory_space<hbm>>
      %dma_start3A_60 = arith.constant 0 : i32
      %dma_start3A_61 = tpu.memref_slice %arg4[%multiple_of3A_10, %dma_start3A_60] : memref<10000x128xi32, #tpu.memory_space<hbm>> -> memref<80x128xi32, #tpu.memory_space<hbm>>
      tpu.enqueue_dma source(%arg6 : memref<80x128xi32, #tpu.memory_space<vmem>>) target(%dma_start3A_61 : memref<80x128xi32, #tpu.memory_space<hbm>>) target_semaphore(%arg10 : memref<!tpu.dma_semaphore, #tpu.memory_space<semaphore_mem>>)
    } else {
    }
    %convert_element_type3A_40 = arith.extui %lt3A_16 : i1 to i32
    %cond3A_41 = arith.constant 0 : i32
    %cond3A_42 = arith.cmpi ne, %convert_element_type3A_40, %cond3A_41 : i32
    scf.if %cond3A_42 {
      %dma_wait3A = arith.constant 0 : i32
      %dma_wait3A_55 = tpu.memref_slice %arg4[%multiple_of3A_7, %dma_wait3A] : memref<10000x128xi32, #tpu.memory_space<hbm>> -> memref<80x128xi32, #tpu.memory_space<hbm>>
      %dma_wait3A_56 = arith.constant 0 : i32
      %dma_wait3A_57 = tpu.memref_slice %arg4[%multiple_of3A_7, %dma_wait3A_56] : memref<10000x128xi32, #tpu.memory_space<hbm>> -> memref<80x128xi32, #tpu.memory_space<hbm>>
      tpu.wait_dma2 semaphore(%arg11 : memref<!tpu.dma_semaphore, #tpu.memory_space<semaphore_mem>>) src(%arg7 : memref<80x128xi32, #tpu.memory_space<vmem>>) dst(%dma_wait3A_57 : memref<80x128xi32, #tpu.memory_space<hbm>>)
    } else {
    }
    %convert_element_type3A_43 = arith.extui %lt3A_20 : i1 to i32
    %cond3A_44 = arith.constant 0 : i32
    %cond3A_45 = arith.cmpi ne, %convert_element_type3A_43, %cond3A_44 : i32
    scf.if %cond3A_45 {
      %dma_start3A = arith.constant 240 : i32
      %dma_start3A_55 = tpu.memref_slice %arg5[%dma_start3A] : memref<320xi32, #tpu.memory_space<vmem>> -> memref<80xi32, #tpu.memory_space<vmem>>
      %dma_start3A_56 = arith.constant 0 : i32
      %dma_start3A_57 = arith.constant 0 : i32
      %dma_start3A_58 = tpu.memref_slice %arg2[%dma_start3A_56, %dma_start3A_57] : memref<10000x128xi32, #tpu.memory_space<hbm>> -> memref<10000x128xi32, #tpu.memory_space<hbm>>
      tpu.enqueue_indirect_dma source(%dma_start3A_58 : memref<10000x128xi32, #tpu.memory_space<hbm>>) target(%arg7 : memref<80x128xi32, #tpu.memory_space<vmem>>) offsets(%dma_start3A_55 : memref<80xi32, #tpu.memory_space<vmem>>) semaphore(%arg9 : memref<!tpu.dma_semaphore, #tpu.memory_space<semaphore_mem>>)
    } else {
    }
    %convert_element_type3A_46 = arith.extui %lt3A_20 : i1 to i32
    %cond3A_47 = arith.constant 0 : i32
    %cond3A_48 = arith.cmpi ne, %convert_element_type3A_46, %cond3A_47 : i32
    scf.if %cond3A_48 {
      %dma_wait3A = arith.constant 240 : i32
      %dma_wait3A_55 = tpu.memref_slice %arg5[%dma_wait3A] : memref<320xi32, #tpu.memory_space<vmem>> -> memref<80xi32, #tpu.memory_space<vmem>>
      %dma_wait3A_56 = arith.constant 0 : i32
      %dma_wait3A_57 = arith.constant 0 : i32
      %dma_wait3A_58 = tpu.memref_slice %arg2[%dma_wait3A_56, %dma_wait3A_57] : memref<10000x128xi32, #tpu.memory_space<hbm>> -> memref<10000x128xi32, #tpu.memory_space<hbm>>
      tpu.wait_indirect_dma semaphore(%arg9 : memref<!tpu.dma_semaphore, #tpu.memory_space<semaphore_mem>>) src(%dma_wait3A_58 : memref<10000x128xi32, #tpu.memory_space<hbm>>) dst(%arg7 : memref<80x128xi32, #tpu.memory_space<vmem>>)
      %dma_start3A = arith.constant 0 : i32
      %dma_start3A_59 = tpu.memref_slice %arg4[%multiple_of3A_13, %dma_start3A] : memref<10000x128xi32, #tpu.memory_space<hbm>> -> memref<80x128xi32, #tpu.memory_space<hbm>>
      %dma_start3A_60 = arith.constant 0 : i32
      %dma_start3A_61 = tpu.memref_slice %arg4[%multiple_of3A_13, %dma_start3A_60] : memref<10000x128xi32, #tpu.memory_space<hbm>> -> memref<80x128xi32, #tpu.memory_space<hbm>>
      tpu.enqueue_dma source(%arg7 : memref<80x128xi32, #tpu.memory_space<vmem>>) target(%dma_start3A_61 : memref<80x128xi32, #tpu.memory_space<hbm>>) target_semaphore(%arg11 : memref<!tpu.dma_semaphore, #tpu.memory_space<semaphore_mem>>)
    } else {
    }
    %convert_element_type3A_49 = arith.extui %lt3A_18 : i1 to i32
    %cond3A_50 = arith.constant 0 : i32
    %cond3A_51 = arith.cmpi ne, %convert_element_type3A_49, %cond3A_50 : i32
    scf.if %cond3A_51 {
      %dma_wait3A = arith.constant 0 : i32
      %dma_wait3A_55 = tpu.memref_slice %arg4[%multiple_of3A_10, %dma_wait3A] : memref<10000x128xi32, #tpu.memory_space<hbm>> -> memref<80x128xi32, #tpu.memory_space<hbm>>
      %dma_wait3A_56 = arith.constant 0 : i32
      %dma_wait3A_57 = tpu.memref_slice %arg4[%multiple_of3A_10, %dma_wait3A_56] : memref<10000x128xi32, #tpu.memory_space<hbm>> -> memref<80x128xi32, #tpu.memory_space<hbm>>
      tpu.wait_dma2 semaphore(%arg10 : memref<!tpu.dma_semaphore, #tpu.memory_space<semaphore_mem>>) src(%arg6 : memref<80x128xi32, #tpu.memory_space<vmem>>) dst(%dma_wait3A_57 : memref<80x128xi32, #tpu.memory_space<hbm>>)
    } else {
    }
    %convert_element_type3A_52 = arith.extui %lt3A_20 : i1 to i32
    %cond3A_53 = arith.constant 0 : i32
    %cond3A_54 = arith.cmpi ne, %convert_element_type3A_52, %cond3A_53 : i32
    scf.if %cond3A_54 {
      %dma_wait3A = arith.constant 0 : i32
      %dma_wait3A_55 = tpu.memref_slice %arg4[%multiple_of3A_13, %dma_wait3A] : memref<10000x128xi32, #tpu.memory_space<hbm>> -> memref<80x128xi32, #tpu.memory_space<hbm>>
      %dma_wait3A_56 = arith.constant 0 : i32
      %dma_wait3A_57 = tpu.memref_slice %arg4[%multiple_of3A_13, %dma_wait3A_56] : memref<10000x128xi32, #tpu.memory_space<hbm>> -> memref<80x128xi32, #tpu.memory_space<hbm>>
      tpu.wait_dma2 semaphore(%arg11 : memref<!tpu.dma_semaphore, #tpu.memory_space<semaphore_mem>>) src(%arg7 : memref<80x128xi32, #tpu.memory_space<vmem>>) dst(%dma_wait3A_57 : memref<80x128xi32, #tpu.memory_space<hbm>>)
    } else {
    }
    return
  }
}

#map = affine_map<(d0, d1) -> (0, 0)>
#map1 = affine_map<(d0, d1) -> (0)>
module attributes {stable_mosaic.version = 14 : i64} {
  func.func @_sc_gather(%arg0: i32, %arg1: i32, %arg2: memref<10000x128xi32, #tpu.memory_space<hbm>>, %arg3: memref<10240xi32, #tpu.memory_space<hbm>>, %arg4: memref<10000x128xi32, #tpu.memory_space<hbm>>, %arg5: memref<320xi32, #tpu.memory_space<vmem>>, %arg6: memref<80x128xi32, #tpu.memory_space<vmem>>, %arg7: memref<80x128xi32, #tpu.memory_space<vmem>>, %arg8: memref<!tpu.dma_semaphore, #tpu.memory_space<semaphore_mem>>, %arg9: memref<!tpu.dma_semaphore, #tpu.memory_space<semaphore_mem>>, %arg10: memref<!tpu.dma_semaphore, #tpu.memory_space<semaphore_mem>>, %arg11: memref<!tpu.dma_semaphore, #tpu.memory_space<semaphore_mem>>) attributes {dimension_semantics = [#tpu.dimension_semantics<core_parallel>, #tpu.dimension_semantics<subcore_parallel>], iteration_bounds = array<i64: 2, 16>, scalar_prefetch = 0 : i64, scratch_operands = 7 : i64, tpu.core_type = #tpu.core_type<sc_vector_subcore>, window_params = [{transform_indices = #map}, {transform_indices = #map1}, {transform_indices = #map}]} {
    %mul3A = arith.constant 2 : i32
    %mul3A_0 = arith.muli %arg1, %mul3A : i32
    %add3A = arith.addi %mul3A_0, %arg0 : i32
    %mul3A_1 = arith.constant 320 : i32
    %mul3A_2 = arith.muli %add3A, %mul3A_1 : i32
    "tpu.region"() ({
      %run_scoped3A = tpu.sem_alloc : memref<!tpu.dma_semaphore, #tpu.memory_space<semaphore_mem>>
      %dma_start3A = tpu.memref_slice %arg3[%mul3A_2] : memref<10240xi32, #tpu.memory_space<hbm>> -> memref<320xi32, #tpu.memory_space<hbm>>
      %dma_start3A_55 = tpu.memref_slice %arg3[%mul3A_2] : memref<10240xi32, #tpu.memory_space<hbm>> -> memref<320xi32, #tpu.memory_space<hbm>>
      tpu.enqueue_dma source(%dma_start3A_55 : memref<320xi32, #tpu.memory_space<hbm>>) target(%arg5 : memref<320xi32, #tpu.memory_space<vmem>>) target_semaphore(%run_scoped3A : memref<!tpu.dma_semaphore, #tpu.memory_space<semaphore_mem>>)
      %dma_wait3A = tpu.memref_slice %arg3[%mul3A_2] : memref<10240xi32, #tpu.memory_space<hbm>> -> memref<320xi32, #tpu.memory_space<hbm>>
      %dma_wait3A_56 = tpu.memref_slice %arg3[%mul3A_2] : memref<10240xi32, #tpu.memory_space<hbm>> -> memref<320xi32, #tpu.memory_space<hbm>>
      tpu.wait_dma2 semaphore(%run_scoped3A : memref<!tpu.dma_semaphore, #tpu.memory_space<semaphore_mem>>) src(%dma_wait3A_56 : memref<320xi32, #tpu.memory_space<hbm>>) dst(%arg5 : memref<320xi32, #tpu.memory_space<vmem>>)
      tpu.yield
    }) : () -> ()
    %add3A_3 = arith.constant 0 : i32
    %add3A_4 = arith.addi %mul3A_2, %add3A_3 : i32
    %multiple_of3A = tpu.assume_multiple %add3A_4, 16 : i32
    %add3A_5 = arith.constant 80 : i32
    %add3A_6 = arith.addi %mul3A_2, %add3A_5 : i32
    %multiple_of3A_7 = tpu.assume_multiple %add3A_6, 16 : i32
    %add3A_8 = arith.constant 160 : i32
    %add3A_9 = arith.addi %mul3A_2, %add3A_8 : i32
    %multiple_of3A_10 = tpu.assume_multiple %add3A_9, 16 : i32
    %add3A_11 = arith.constant 240 : i32
    %add3A_12 = arith.addi %mul3A_2, %add3A_11 : i32
    %multiple_of3A_13 = tpu.assume_multiple %add3A_12, 16 : i32
    %lt3A = arith.constant 10000 : i32
    %lt3A_14 = arith.cmpi slt, %multiple_of3A, %lt3A : i32
    %lt3A_15 = arith.constant 10000 : i32
    %lt3A_16 = arith.cmpi slt, %multiple_of3A_7, %lt3A_15 : i32
    %lt3A_17 = arith.constant 10000 : i32
    %lt3A_18 = arith.cmpi slt, %multiple_of3A_10, %lt3A_17 : i32
    %lt3A_19 = arith.constant 10000 : i32
    %lt3A_20 = arith.cmpi slt, %multiple_of3A_13, %lt3A_19 : i32
    %convert_element_type3A = arith.extui %lt3A_14 : i1 to i32
    %cond3A = arith.constant 0 : i32
    %cond3A_21 = arith.cmpi ne, %convert_element_type3A, %cond3A : i32
    scf.if %cond3A_21 {
      %dma_start3A = arith.constant 0 : i32
      %dma_start3A_55 = tpu.memref_slice %arg5[%dma_start3A] : memref<320xi32, #tpu.memory_space<vmem>> -> memref<80xi32, #tpu.memory_space<vmem>>
      %dma_start3A_56 = arith.constant 0 : i32
      %dma_start3A_57 = arith.constant 0 : i32
      %dma_start3A_58 = tpu.memref_slice %arg2[%dma_start3A_56, %dma_start3A_57] : memref<10000x128xi32, #tpu.memory_space<hbm>> -> memref<10000x128xi32, #tpu.memory_space<hbm>>
      tpu.enqueue_indirect_dma source(%dma_start3A_58 : memref<10000x128xi32, #tpu.memory_space<hbm>>) target(%arg6 : memref<80x128xi32, #tpu.memory_space<vmem>>) offsets(%dma_start3A_55 : memref<80xi32, #tpu.memory_space<vmem>>) semaphore(%arg8 : memref<!tpu.dma_semaphore, #tpu.memory_space<semaphore_mem>>)
    } else {
    }
    %convert_element_type3A_22 = arith.extui %lt3A_14 : i1 to i32
    %cond3A_23 = arith.constant 0 : i32
    %cond3A_24 = arith.cmpi ne, %convert_element_type3A_22, %cond3A_23 : i32
    scf.if %cond3A_24 {
      %dma_wait3A = arith.constant 0 : i32
      %dma_wait3A_55 = tpu.memref_slice %arg5[%dma_wait3A] : memref<320xi32, #tpu.memory_space<vmem>> -> memref<80xi32, #tpu.memory_space<vmem>>
      %dma_wait3A_56 = arith.constant 0 : i32
      %dma_wait3A_57 = arith.constant 0 : i32
      %dma_wait3A_58 = tpu.memref_slice %arg2[%dma_wait3A_56, %dma_wait3A_57] : memref<10000x128xi32, #tpu.memory_space<hbm>> -> memref<10000x128xi32, #tpu.memory_space<hbm>>
      tpu.wait_indirect_dma semaphore(%arg8 : memref<!tpu.dma_semaphore, #tpu.memory_space<semaphore_mem>>) src(%dma_wait3A_58 : memref<10000x128xi32, #tpu.memory_space<hbm>>) dst(%arg6 : memref<80x128xi32, #tpu.memory_space<vmem>>)
      %dma_start3A = arith.constant 0 : i32
      %dma_start3A_59 = tpu.memref_slice %arg4[%multiple_of3A, %dma_start3A] : memref<10000x128xi32, #tpu.memory_space<hbm>> -> memref<80x128xi32, #tpu.memory_space<hbm>>
      %dma_start3A_60 = arith.constant 0 : i32
      %dma_start3A_61 = tpu.memref_slice %arg4[%multiple_of3A, %dma_start3A_60] : memref<10000x128xi32, #tpu.memory_space<hbm>> -> memref<80x128xi32, #tpu.memory_space<hbm>>
      tpu.enqueue_dma source(%arg6 : memref<80x128xi32, #tpu.memory_space<vmem>>) target(%dma_start3A_61 : memref<80x128xi32, #tpu.memory_space<hbm>>) target_semaphore(%arg10 : memref<!tpu.dma_semaphore, #tpu.memory_space<semaphore_mem>>)
    } else {
    }
    %convert_element_type3A_25 = arith.extui %lt3A_16 : i1 to i32
    %cond3A_26 = arith.constant 0 : i32
    %cond3A_27 = arith.cmpi ne, %convert_element_type3A_25, %cond3A_26 : i32
    scf.if %cond3A_27 {
      %dma_start3A = arith.constant 80 : i32
      %dma_start3A_55 = tpu.memref_slice %arg5[%dma_start3A] : memref<320xi32, #tpu.memory_space<vmem>> -> memref<80xi32, #tpu.memory_space<vmem>>
      %dma_start3A_56 = arith.constant 0 : i32
      %dma_start3A_57 = arith.constant 0 : i32
      %dma_start3A_58 = tpu.memref_slice %arg2[%dma_start3A_56, %dma_start3A_57] : memref<10000x128xi32, #tpu.memory_space<hbm>> -> memref<10000x128xi32, #tpu.memory_space<hbm>>
      tpu.enqueue_indirect_dma source(%dma_start3A_58 : memref<10000x128xi32, #tpu.memory_space<hbm>>) target(%arg7 : memref<80x128xi32, #tpu.memory_space<vmem>>) offsets(%dma_start3A_55 : memref<80xi32, #tpu.memory_space<vmem>>) semaphore(%arg9 : memref<!tpu.dma_semaphore, #tpu.memory_space<semaphore_mem>>)
    } else {
    }
    %convert_element_type3A_28 = arith.extui %lt3A_16 : i1 to i32
    %cond3A_29 = arith.constant 0 : i32
    %cond3A_30 = arith.cmpi ne, %convert_element_type3A_28, %cond3A_29 : i32
    scf.if %cond3A_30 {
      %dma_wait3A = arith.constant 80 : i32
      %dma_wait3A_55 = tpu.memref_slice %arg5[%dma_wait3A] : memref<320xi32, #tpu.memory_space<vmem>> -> memref<80xi32, #tpu.memory_space<vmem>>
      %dma_wait3A_56 = arith.constant 0 : i32
      %dma_wait3A_57 = arith.constant 0 : i32
      %dma_wait3A_58 = tpu.memref_slice %arg2[%dma_wait3A_56, %dma_wait3A_57] : memref<10000x128xi32, #tpu.memory_space<hbm>> -> memref<10000x128xi32, #tpu.memory_space<hbm>>
      tpu.wait_indirect_dma semaphore(%arg9 : memref<!tpu.dma_semaphore, #tpu.memory_space<semaphore_mem>>) src(%dma_wait3A_58 : memref<10000x128xi32, #tpu.memory_space<hbm>>) dst(%arg7 : memref<80x128xi32, #tpu.memory_space<vmem>>)
      %dma_start3A = arith.constant 0 : i32
      %dma_start3A_59 = tpu.memref_slice %arg4[%multiple_of3A_7, %dma_start3A] : memref<10000x128xi32, #tpu.memory_space<hbm>> -> memref<80x128xi32, #tpu.memory_space<hbm>>
      %dma_start3A_60 = arith.constant 0 : i32
      %dma_start3A_61 = tpu.memref_slice %arg4[%multiple_of3A_7, %dma_start3A_60] : memref<10000x128xi32, #tpu.memory_space<hbm>> -> memref<80x128xi32, #tpu.memory_space<hbm>>
      tpu.enqueue_dma source(%arg7 : memref<80x128xi32, #tpu.memory_space<vmem>>) target(%dma_start3A_61 : memref<80x128xi32, #tpu.memory_space<hbm>>) target_semaphore(%arg11 : memref<!tpu.dma_semaphore, #tpu.memory_space<semaphore_mem>>)
    } else {
    }
    %convert_element_type3A_31 = arith.extui %lt3A_14 : i1 to i32
    %cond3A_32 = arith.constant 0 : i32
    %cond3A_33 = arith.cmpi ne, %convert_element_type3A_31, %cond3A_32 : i32
    scf.if %cond3A_33 {
      %dma_wait3A = arith.constant 0 : i32
      %dma_wait3A_55 = tpu.memref_slice %arg4[%multiple_of3A, %dma_wait3A] : memref<10000x128xi32, #tpu.memory_space<hbm>> -> memref<80x128xi32, #tpu.memory_space<hbm>>
      %dma_wait3A_56 = arith.constant 0 : i32
      %dma_wait3A_57 = tpu.memref_slice %arg4[%multiple_of3A, %dma_wait3A_56] : memref<10000x128xi32, #tpu.memory_space<hbm>> -> memref<80x128xi32, #tpu.memory_space<hbm>>
      tpu.wait_dma2 semaphore(%arg10 : memref<!tpu.dma_semaphore, #tpu.memory_space<semaphore_mem>>) src(%arg6 : memref<80x128xi32, #tpu.memory_space<vmem>>) dst(%dma_wait3A_57 : memref<80x128xi32, #tpu.memory_space<hbm>>)
    } else {
    }
    %convert_element_type3A_34 = arith.extui %lt3A_18 : i1 to i32
    %cond3A_35 = arith.constant 0 : i32
    %cond3A_36 = arith.cmpi ne, %convert_element_type3A_34, %cond3A_35 : i32
    scf.if %cond3A_36 {
      %dma_start3A = arith.constant 160 : i32
      %dma_start3A_55 = tpu.memref_slice %arg5[%dma_start3A] : memref<320xi32, #tpu.memory_space<vmem>> -> memref<80xi32, #tpu.memory_space<vmem>>
      %dma_start3A_56 = arith.constant 0 : i32
      %dma_start3A_57 = arith.constant 0 : i32
      %dma_start3A_58 = tpu.memref_slice %arg2[%dma_start3A_56, %dma_start3A_57] : memref<10000x128xi32, #tpu.memory_space<hbm>> -> memref<10000x128xi32, #tpu.memory_space<hbm>>
      tpu.enqueue_indirect_dma source(%dma_start3A_58 : memref<10000x128xi32, #tpu.memory_space<hbm>>) target(%arg6 : memref<80x128xi32, #tpu.memory_space<vmem>>) offsets(%dma_start3A_55 : memref<80xi32, #tpu.memory_space<vmem>>) semaphore(%arg8 : memref<!tpu.dma_semaphore, #tpu.memory_space<semaphore_mem>>)
    } else {
    }
    %convert_element_type3A_37 = arith.extui %lt3A_18 : i1 to i32
    %cond3A_38 = arith.constant 0 : i32
    %cond3A_39 = arith.cmpi ne, %convert_element_type3A_37, %cond3A_38 : i32
    scf.if %cond3A_39 {
      %dma_wait3A = arith.constant 160 : i32
      %dma_wait3A_55 = tpu.memref_slice %arg5[%dma_wait3A] : memref<320xi32, #tpu.memory_space<vmem>> -> memref<80xi32, #tpu.memory_space<vmem>>
      %dma_wait3A_56 = arith.constant 0 : i32
      %dma_wait3A_57 = arith.constant 0 : i32
      %dma_wait3A_58 = tpu.memref_slice %arg2[%dma_wait3A_56, %dma_wait3A_57] : memref<10000x128xi32, #tpu.memory_space<hbm>> -> memref<10000x128xi32, #tpu.memory_space<hbm>>
      tpu.wait_indirect_dma semaphore(%arg8 : memref<!tpu.dma_semaphore, #tpu.memory_space<semaphore_mem>>) src(%dma_wait3A_58 : memref<10000x128xi32, #tpu.memory_space<hbm>>) dst(%arg6 : memref<80x128xi32, #tpu.memory_space<vmem>>)
      %dma_start3A = arith.constant 0 : i32
      %dma_start3A_59 = tpu.memref_slice %arg4[%multiple_of3A_10, %dma_start3A] : memref<10000x128xi32, #tpu.memory_space<hbm>> -> memref<80x128xi32, #tpu.memory_space<hbm>>
      %dma_start3A_60 = arith.constant 0 : i32
      %dma_start3A_61 = tpu.memref_slice %arg4[%multiple_of3A_10, %dma_start3A_60] : memref<10000x128xi32, #tpu.memory_space<hbm>> -> memref<80x128xi32, #tpu.memory_space<hbm>>
      tpu.enqueue_dma source(%arg6 : memref<80x128xi32, #tpu.memory_space<vmem>>) target(%dma_start3A_61 : memref<80x128xi32, #tpu.memory_space<hbm>>) target_semaphore(%arg10 : memref<!tpu.dma_semaphore, #tpu.memory_space<semaphore_mem>>)
    } else {
    }
    %convert_element_type3A_40 = arith.extui %lt3A_16 : i1 to i32
    %cond3A_41 = arith.constant 0 : i32
    %cond3A_42 = arith.cmpi ne, %convert_element_type3A_40, %cond3A_41 : i32
    scf.if %cond3A_42 {
      %dma_wait3A = arith.constant 0 : i32
      %dma_wait3A_55 = tpu.memref_slice %arg4[%multiple_of3A_7, %dma_wait3A] : memref<10000x128xi32, #tpu.memory_space<hbm>> -> memref<80x128xi32, #tpu.memory_space<hbm>>
      %dma_wait3A_56 = arith.constant 0 : i32
      %dma_wait3A_57 = tpu.memref_slice %arg4[%multiple_of3A_7, %dma_wait3A_56] : memref<10000x128xi32, #tpu.memory_space<hbm>> -> memref<80x128xi32, #tpu.memory_space<hbm>>
      tpu.wait_dma2 semaphore(%arg11 : memref<!tpu.dma_semaphore, #tpu.memory_space<semaphore_mem>>) src(%arg7 : memref<80x128xi32, #tpu.memory_space<vmem>>) dst(%dma_wait3A_57 : memref<80x128xi32, #tpu.memory_space<hbm>>)
    } else {
    }
    %convert_element_type3A_43 = arith.extui %lt3A_20 : i1 to i32
    %cond3A_44 = arith.constant 0 : i32
    %cond3A_45 = arith.cmpi ne, %convert_element_type3A_43, %cond3A_44 : i32
    scf.if %cond3A_45 {
      %dma_start3A = arith.constant 240 : i32
      %dma_start3A_55 = tpu.memref_slice %arg5[%dma_start3A] : memref<320xi32, #tpu.memory_space<vmem>> -> memref<80xi32, #tpu.memory_space<vmem>>
      %dma_start3A_56 = arith.constant 0 : i32
      %dma_start3A_57 = arith.constant 0 : i32
      %dma_start3A_58 = tpu.memref_slice %arg2[%dma_start3A_56, %dma_start3A_57] : memref<10000x128xi32, #tpu.memory_space<hbm>> -> memref<10000x128xi32, #tpu.memory_space<hbm>>
      tpu.enqueue_indirect_dma source(%dma_start3A_58 : memref<10000x128xi32, #tpu.memory_space<hbm>>) target(%arg7 : memref<80x128xi32, #tpu.memory_space<vmem>>) offsets(%dma_start3A_55 : memref<80xi32, #tpu.memory_space<vmem>>) semaphore(%arg9 : memref<!tpu.dma_semaphore, #tpu.memory_space<semaphore_mem>>)
    } else {
    }
    %convert_element_type3A_46 = arith.extui %lt3A_20 : i1 to i32
    %cond3A_47 = arith.constant 0 : i32
    %cond3A_48 = arith.cmpi ne, %convert_element_type3A_46, %cond3A_47 : i32
    scf.if %cond3A_48 {
      %dma_wait3A = arith.constant 240 : i32
      %dma_wait3A_55 = tpu.memref_slice %arg5[%dma_wait3A] : memref<320xi32, #tpu.memory_space<vmem>> -> memref<80xi32, #tpu.memory_space<vmem>>
      %dma_wait3A_56 = arith.constant 0 : i32
      %dma_wait3A_57 = arith.constant 0 : i32
      %dma_wait3A_58 = tpu.memref_slice %arg2[%dma_wait3A_56, %dma_wait3A_57] : memref<10000x128xi32, #tpu.memory_space<hbm>> -> memref<10000x128xi32, #tpu.memory_space<hbm>>
      tpu.wait_indirect_dma semaphore(%arg9 : memref<!tpu.dma_semaphore, #tpu.memory_space<semaphore_mem>>) src(%dma_wait3A_58 : memref<10000x128xi32, #tpu.memory_space<hbm>>) dst(%arg7 : memref<80x128xi32, #tpu.memory_space<vmem>>)
      %dma_start3A = arith.constant 0 : i32
      %dma_start3A_59 = tpu.memref_slice %arg4[%multiple_of3A_13, %dma_start3A] : memref<10000x128xi32, #tpu.memory_space<hbm>> -> memref<80x128xi32, #tpu.memory_space<hbm>>
      %dma_start3A_60 = arith.constant 0 : i32
      %dma_start3A_61 = tpu.memref_slice %arg4[%multiple_of3A_13, %dma_start3A_60] : memref<10000x128xi32, #tpu.memory_space<hbm>> -> memref<80x128xi32, #tpu.memory_space<hbm>>
      tpu.enqueue_dma source(%arg7 : memref<80x128xi32, #tpu.memory_space<vmem>>) target(%dma_start3A_61 : memref<80x128xi32, #tpu.memory_space<hbm>>) target_semaphore(%arg11 : memref<!tpu.dma_semaphore, #tpu.memory_space<semaphore_mem>>)
    } else {
    }
    %convert_element_type3A_49 = arith.extui %lt3A_18 : i1 to i32
    %cond3A_50 = arith.constant 0 : i32
    %cond3A_51 = arith.cmpi ne, %convert_element_type3A_49, %cond3A_50 : i32
    scf.if %cond3A_51 {
      %dma_wait3A = arith.constant 0 : i32
      %dma_wait3A_55 = tpu.memref_slice %arg4[%multiple_of3A_10, %dma_wait3A] : memref<10000x128xi32, #tpu.memory_space<hbm>> -> memref<80x128xi32, #tpu.memory_space<hbm>>
      %dma_wait3A_56 = arith.constant 0 : i32
      %dma_wait3A_57 = tpu.memref_slice %arg4[%multiple_of3A_10, %dma_wait3A_56] : memref<10000x128xi32, #tpu.memory_space<hbm>> -> memref<80x128xi32, #tpu.memory_space<hbm>>
      tpu.wait_dma2 semaphore(%arg10 : memref<!tpu.dma_semaphore, #tpu.memory_space<semaphore_mem>>) src(%arg6 : memref<80x128xi32, #tpu.memory_space<vmem>>) dst(%dma_wait3A_57 : memref<80x128xi32, #tpu.memory_space<hbm>>)
    } else {
    }
    %convert_element_type3A_52 = arith.extui %lt3A_20 : i1 to i32
    %cond3A_53 = arith.constant 0 : i32
    %cond3A_54 = arith.cmpi ne, %convert_element_type3A_52, %cond3A_53 : i32
    scf.if %cond3A_54 {
      %dma_wait3A = arith.constant 0 : i32
      %dma_wait3A_55 = tpu.memref_slice %arg4[%multiple_of3A_13, %dma_wait3A] : memref<10000x128xi32, #tpu.memory_space<hbm>> -> memref<80x128xi32, #tpu.memory_space<hbm>>
      %dma_wait3A_56 = arith.constant 0 : i32
      %dma_wait3A_57 = tpu.memref_slice %arg4[%multiple_of3A_13, %dma_wait3A_56] : memref<10000x128xi32, #tpu.memory_space<hbm>> -> memref<80x128xi32, #tpu.memory_space<hbm>>
      tpu.wait_dma2 semaphore(%arg11 : memref<!tpu.dma_semaphore, #tpu.memory_space<semaphore_mem>>) src(%arg7 : memref<80x128xi32, #tpu.memory_space<vmem>>) dst(%dma_wait3A_57 : memref<80x128xi32, #tpu.memory_space<hbm>>)
    } else {
    }
    return
  }
}

#map = affine_map<(d0, d1) -> (0, 0)>
#map1 = affine_map<(d0, d1) -> (0)>
module attributes {stable_mosaic.version = 14 : i64} {
  func.func @_sc_gather(%arg0: i32, %arg1: i32, %arg2: memref<10000x128xi32, #tpu.memory_space<hbm>>, %arg3: memref<10240xi32, #tpu.memory_space<hbm>>, %arg4: memref<10000x128xi32, #tpu.memory_space<hbm>>, %arg5: memref<320xi32, #tpu.memory_space<vmem>>, %arg6: memref<80x128xi32, #tpu.memory_space<vmem>>, %arg7: memref<80x128xi32, #tpu.memory_space<vmem>>, %arg8: memref<!tpu.dma_semaphore, #tpu.memory_space<semaphore_mem>>, %arg9: memref<!tpu.dma_semaphore, #tpu.memory_space<semaphore_mem>>, %arg10: memref<!tpu.dma_semaphore, #tpu.memory_space<semaphore_mem>>, %arg11: memref<!tpu.dma_semaphore, #tpu.memory_space<semaphore_mem>>) attributes {dimension_semantics = [#tpu.dimension_semantics<core_parallel>, #tpu.dimension_semantics<subcore_parallel>], iteration_bounds = array<i64: 2, 16>, scalar_prefetch = 0 : i64, scratch_operands = 7 : i64, tpu.core_type = #tpu.core_type<sc_vector_subcore>, window_params = [{transform_indices = #map}, {transform_indices = #map1}, {transform_indices = #map}]} {
    %mul3A = arith.constant 2 : i32
    %mul3A_0 = arith.muli %arg1, %mul3A : i32
    %add3A = arith.addi %mul3A_0, %arg0 : i32
    %mul3A_1 = arith.constant 320 : i32
    %mul3A_2 = arith.muli %add3A, %mul3A_1 : i32
    "tpu.region"() ({
      %run_scoped3A = tpu.sem_alloc : memref<!tpu.dma_semaphore, #tpu.memory_space<semaphore_mem>>
      %dma_start3A = tpu.memref_slice %arg3[%mul3A_2] : memref<10240xi32, #tpu.memory_space<hbm>> -> memref<320xi32, #tpu.memory_space<hbm>>
      %dma_start3A_55 = tpu.memref_slice %arg3[%mul3A_2] : memref<10240xi32, #tpu.memory_space<hbm>> -> memref<320xi32, #tpu.memory_space<hbm>>
      tpu.enqueue_dma source(%dma_start3A_55 : memref<320xi32, #tpu.memory_space<hbm>>) target(%arg5 : memref<320xi32, #tpu.memory_space<vmem>>) target_semaphore(%run_scoped3A : memref<!tpu.dma_semaphore, #tpu.memory_space<semaphore_mem>>)
      %dma_wait3A = tpu.memref_slice %arg3[%mul3A_2] : memref<10240xi32, #tpu.memory_space<hbm>> -> memref<320xi32, #tpu.memory_space<hbm>>
      %dma_wait3A_56 = tpu.memref_slice %arg3[%mul3A_2] : memref<10240xi32, #tpu.memory_space<hbm>> -> memref<320xi32, #tpu.memory_space<hbm>>
      tpu.wait_dma2 semaphore(%run_scoped3A : memref<!tpu.dma_semaphore, #tpu.memory_space<semaphore_mem>>) src(%dma_wait3A_56 : memref<320xi32, #tpu.memory_space<hbm>>) dst(%arg5 : memref<320xi32, #tpu.memory_space<vmem>>)
      tpu.yield
    }) : () -> ()
    %add3A_3 = arith.constant 0 : i32
    %add3A_4 = arith.addi %mul3A_2, %add3A_3 : i32
    %multiple_of3A = tpu.assume_multiple %add3A_4, 16 : i32
    %add3A_5 = arith.constant 80 : i32
    %add3A_6 = arith.addi %mul3A_2, %add3A_5 : i32
    %multiple_of3A_7 = tpu.assume_multiple %add3A_6, 16 : i32
    %add3A_8 = arith.constant 160 : i32
    %add3A_9 = arith.addi %mul3A_2, %add3A_8 : i32
    %multiple_of3A_10 = tpu.assume_multiple %add3A_9, 16 : i32
    %add3A_11 = arith.constant 240 : i32
    %add3A_12 = arith.addi %mul3A_2, %add3A_11 : i32
    %multiple_of3A_13 = tpu.assume_multiple %add3A_12, 16 : i32
    %lt3A = arith.constant 10000 : i32
    %lt3A_14 = arith.cmpi slt, %multiple_of3A, %lt3A : i32
    %lt3A_15 = arith.constant 10000 : i32
    %lt3A_16 = arith.cmpi slt, %multiple_of3A_7, %lt3A_15 : i32
    %lt3A_17 = arith.constant 10000 : i32
    %lt3A_18 = arith.cmpi slt, %multiple_of3A_10, %lt3A_17 : i32
    %lt3A_19 = arith.constant 10000 : i32
    %lt3A_20 = arith.cmpi slt, %multiple_of3A_13, %lt3A_19 : i32
    %convert_element_type3A = arith.extui %lt3A_14 : i1 to i32
    %cond3A = arith.constant 0 : i32
    %cond3A_21 = arith.cmpi ne, %convert_element_type3A, %cond3A : i32
    scf.if %cond3A_21 {
      %dma_start3A = arith.constant 0 : i32
      %dma_start3A_55 = tpu.memref_slice %arg5[%dma_start3A] : memref<320xi32, #tpu.memory_space<vmem>> -> memref<80xi32, #tpu.memory_space<vmem>>
      %dma_start3A_56 = arith.constant 0 : i32
      %dma_start3A_57 = arith.constant 0 : i32
      %dma_start3A_58 = tpu.memref_slice %arg2[%dma_start3A_56, %dma_start3A_57] : memref<10000x128xi32, #tpu.memory_space<hbm>> -> memref<10000x128xi32, #tpu.memory_space<hbm>>
      tpu.enqueue_indirect_dma source(%dma_start3A_58 : memref<10000x128xi32, #tpu.memory_space<hbm>>) target(%arg6 : memref<80x128xi32, #tpu.memory_space<vmem>>) offsets(%dma_start3A_55 : memref<80xi32, #tpu.memory_space<vmem>>) semaphore(%arg8 : memref<!tpu.dma_semaphore, #tpu.memory_space<semaphore_mem>>)
    } else {
    }
    %convert_element_type3A_22 = arith.extui %lt3A_14 : i1 to i32
    %cond3A_23 = arith.constant 0 : i32
    %cond3A_24 = arith.cmpi ne, %convert_element_type3A_22, %cond3A_23 : i32
    scf.if %cond3A_24 {
      %dma_wait3A = arith.constant 0 : i32
      %dma_wait3A_55 = tpu.memref_slice %arg5[%dma_wait3A] : memref<320xi32, #tpu.memory_space<vmem>> -> memref<80xi32, #tpu.memory_space<vmem>>
      %dma_wait3A_56 = arith.constant 0 : i32
      %dma_wait3A_57 = arith.constant 0 : i32
      %dma_wait3A_58 = tpu.memref_slice %arg2[%dma_wait3A_56, %dma_wait3A_57] : memref<10000x128xi32, #tpu.memory_space<hbm>> -> memref<10000x128xi32, #tpu.memory_space<hbm>>
      tpu.wait_indirect_dma semaphore(%arg8 : memref<!tpu.dma_semaphore, #tpu.memory_space<semaphore_mem>>) src(%dma_wait3A_58 : memref<10000x128xi32, #tpu.memory_space<hbm>>) dst(%arg6 : memref<80x128xi32, #tpu.memory_space<vmem>>)
      %dma_start3A = arith.constant 0 : i32
      %dma_start3A_59 = tpu.memref_slice %arg4[%multiple_of3A, %dma_start3A] : memref<10000x128xi32, #tpu.memory_space<hbm>> -> memref<80x128xi32, #tpu.memory_space<hbm>>
      %dma_start3A_60 = arith.constant 0 : i32
      %dma_start3A_61 = tpu.memref_slice %arg4[%multiple_of3A, %dma_start3A_60] : memref<10000x128xi32, #tpu.memory_space<hbm>> -> memref<80x128xi32, #tpu.memory_space<hbm>>
      tpu.enqueue_dma source(%arg6 : memref<80x128xi32, #tpu.memory_space<vmem>>) target(%dma_start3A_61 : memref<80x128xi32, #tpu.memory_space<hbm>>) target_semaphore(%arg10 : memref<!tpu.dma_semaphore, #tpu.memory_space<semaphore_mem>>)
    } else {
    }
    %convert_element_type3A_25 = arith.extui %lt3A_16 : i1 to i32
    %cond3A_26 = arith.constant 0 : i32
    %cond3A_27 = arith.cmpi ne, %convert_element_type3A_25, %cond3A_26 : i32
    scf.if %cond3A_27 {
      %dma_start3A = arith.constant 80 : i32
      %dma_start3A_55 = tpu.memref_slice %arg5[%dma_start3A] : memref<320xi32, #tpu.memory_space<vmem>> -> memref<80xi32, #tpu.memory_space<vmem>>
      %dma_start3A_56 = arith.constant 0 : i32
      %dma_start3A_57 = arith.constant 0 : i32
      %dma_start3A_58 = tpu.memref_slice %arg2[%dma_start3A_56, %dma_start3A_57] : memref<10000x128xi32, #tpu.memory_space<hbm>> -> memref<10000x128xi32, #tpu.memory_space<hbm>>
      tpu.enqueue_indirect_dma source(%dma_start3A_58 : memref<10000x128xi32, #tpu.memory_space<hbm>>) target(%arg7 : memref<80x128xi32, #tpu.memory_space<vmem>>) offsets(%dma_start3A_55 : memref<80xi32, #tpu.memory_space<vmem>>) semaphore(%arg9 : memref<!tpu.dma_semaphore, #tpu.memory_space<semaphore_mem>>)
    } else {
    }
    %convert_element_type3A_28 = arith.extui %lt3A_16 : i1 to i32
    %cond3A_29 = arith.constant 0 : i32
    %cond3A_30 = arith.cmpi ne, %convert_element_type3A_28, %cond3A_29 : i32
    scf.if %cond3A_30 {
      %dma_wait3A = arith.constant 80 : i32
      %dma_wait3A_55 = tpu.memref_slice %arg5[%dma_wait3A] : memref<320xi32, #tpu.memory_space<vmem>> -> memref<80xi32, #tpu.memory_space<vmem>>
      %dma_wait3A_56 = arith.constant 0 : i32
      %dma_wait3A_57 = arith.constant 0 : i32
      %dma_wait3A_58 = tpu.memref_slice %arg2[%dma_wait3A_56, %dma_wait3A_57] : memref<10000x128xi32, #tpu.memory_space<hbm>> -> memref<10000x128xi32, #tpu.memory_space<hbm>>
      tpu.wait_indirect_dma semaphore(%arg9 : memref<!tpu.dma_semaphore, #tpu.memory_space<semaphore_mem>>) src(%dma_wait3A_58 : memref<10000x128xi32, #tpu.memory_space<hbm>>) dst(%arg7 : memref<80x128xi32, #tpu.memory_space<vmem>>)
      %dma_start3A = arith.constant 0 : i32
      %dma_start3A_59 = tpu.memref_slice %arg4[%multiple_of3A_7, %dma_start3A] : memref<10000x128xi32, #tpu.memory_space<hbm>> -> memref<80x128xi32, #tpu.memory_space<hbm>>
      %dma_start3A_60 = arith.constant 0 : i32
      %dma_start3A_61 = tpu.memref_slice %arg4[%multiple_of3A_7, %dma_start3A_60] : memref<10000x128xi32, #tpu.memory_space<hbm>> -> memref<80x128xi32, #tpu.memory_space<hbm>>
      tpu.enqueue_dma source(%arg7 : memref<80x128xi32, #tpu.memory_space<vmem>>) target(%dma_start3A_61 : memref<80x128xi32, #tpu.memory_space<hbm>>) target_semaphore(%arg11 : memref<!tpu.dma_semaphore, #tpu.memory_space<semaphore_mem>>)
    } else {
    }
    %convert_element_type3A_31 = arith.extui %lt3A_14 : i1 to i32
    %cond3A_32 = arith.constant 0 : i32
    %cond3A_33 = arith.cmpi ne, %convert_element_type3A_31, %cond3A_32 : i32
    scf.if %cond3A_33 {
      %dma_wait3A = arith.constant 0 : i32
      %dma_wait3A_55 = tpu.memref_slice %arg4[%multiple_of3A, %dma_wait3A] : memref<10000x128xi32, #tpu.memory_space<hbm>> -> memref<80x128xi32, #tpu.memory_space<hbm>>
      %dma_wait3A_56 = arith.constant 0 : i32
      %dma_wait3A_57 = tpu.memref_slice %arg4[%multiple_of3A, %dma_wait3A_56] : memref<10000x128xi32, #tpu.memory_space<hbm>> -> memref<80x128xi32, #tpu.memory_space<hbm>>
      tpu.wait_dma2 semaphore(%arg10 : memref<!tpu.dma_semaphore, #tpu.memory_space<semaphore_mem>>) src(%arg6 : memref<80x128xi32, #tpu.memory_space<vmem>>) dst(%dma_wait3A_57 : memref<80x128xi32, #tpu.memory_space<hbm>>)
    } else {
    }
    %convert_element_type3A_34 = arith.extui %lt3A_18 : i1 to i32
    %cond3A_35 = arith.constant 0 : i32
    %cond3A_36 = arith.cmpi ne, %convert_element_type3A_34, %cond3A_35 : i32
    scf.if %cond3A_36 {
      %dma_start3A = arith.constant 160 : i32
      %dma_start3A_55 = tpu.memref_slice %arg5[%dma_start3A] : memref<320xi32, #tpu.memory_space<vmem>> -> memref<80xi32, #tpu.memory_space<vmem>>
      %dma_start3A_56 = arith.constant 0 : i32
      %dma_start3A_57 = arith.constant 0 : i32
      %dma_start3A_58 = tpu.memref_slice %arg2[%dma_start3A_56, %dma_start3A_57] : memref<10000x128xi32, #tpu.memory_space<hbm>> -> memref<10000x128xi32, #tpu.memory_space<hbm>>
      tpu.enqueue_indirect_dma source(%dma_start3A_58 : memref<10000x128xi32, #tpu.memory_space<hbm>>) target(%arg6 : memref<80x128xi32, #tpu.memory_space<vmem>>) offsets(%dma_start3A_55 : memref<80xi32, #tpu.memory_space<vmem>>) semaphore(%arg8 : memref<!tpu.dma_semaphore, #tpu.memory_space<semaphore_mem>>)
    } else {
    }
    %convert_element_type3A_37 = arith.extui %lt3A_18 : i1 to i32
    %cond3A_38 = arith.constant 0 : i32
    %cond3A_39 = arith.cmpi ne, %convert_element_type3A_37, %cond3A_38 : i32
    scf.if %cond3A_39 {
      %dma_wait3A = arith.constant 160 : i32
      %dma_wait3A_55 = tpu.memref_slice %arg5[%dma_wait3A] : memref<320xi32, #tpu.memory_space<vmem>> -> memref<80xi32, #tpu.memory_space<vmem>>
      %dma_wait3A_56 = arith.constant 0 : i32
      %dma_wait3A_57 = arith.constant 0 : i32
      %dma_wait3A_58 = tpu.memref_slice %arg2[%dma_wait3A_56, %dma_wait3A_57] : memref<10000x128xi32, #tpu.memory_space<hbm>> -> memref<10000x128xi32, #tpu.memory_space<hbm>>
      tpu.wait_indirect_dma semaphore(%arg8 : memref<!tpu.dma_semaphore, #tpu.memory_space<semaphore_mem>>) src(%dma_wait3A_58 : memref<10000x128xi32, #tpu.memory_space<hbm>>) dst(%arg6 : memref<80x128xi32, #tpu.memory_space<vmem>>)
      %dma_start3A = arith.constant 0 : i32
      %dma_start3A_59 = tpu.memref_slice %arg4[%multiple_of3A_10, %dma_start3A] : memref<10000x128xi32, #tpu.memory_space<hbm>> -> memref<80x128xi32, #tpu.memory_space<hbm>>
      %dma_start3A_60 = arith.constant 0 : i32
      %dma_start3A_61 = tpu.memref_slice %arg4[%multiple_of3A_10, %dma_start3A_60] : memref<10000x128xi32, #tpu.memory_space<hbm>> -> memref<80x128xi32, #tpu.memory_space<hbm>>
      tpu.enqueue_dma source(%arg6 : memref<80x128xi32, #tpu.memory_space<vmem>>) target(%dma_start3A_61 : memref<80x128xi32, #tpu.memory_space<hbm>>) target_semaphore(%arg10 : memref<!tpu.dma_semaphore, #tpu.memory_space<semaphore_mem>>)
    } else {
    }
    %convert_element_type3A_40 = arith.extui %lt3A_16 : i1 to i32
    %cond3A_41 = arith.constant 0 : i32
    %cond3A_42 = arith.cmpi ne, %convert_element_type3A_40, %cond3A_41 : i32
    scf.if %cond3A_42 {
      %dma_wait3A = arith.constant 0 : i32
      %dma_wait3A_55 = tpu.memref_slice %arg4[%multiple_of3A_7, %dma_wait3A] : memref<10000x128xi32, #tpu.memory_space<hbm>> -> memref<80x128xi32, #tpu.memory_space<hbm>>
      %dma_wait3A_56 = arith.constant 0 : i32
      %dma_wait3A_57 = tpu.memref_slice %arg4[%multiple_of3A_7, %dma_wait3A_56] : memref<10000x128xi32, #tpu.memory_space<hbm>> -> memref<80x128xi32, #tpu.memory_space<hbm>>
      tpu.wait_dma2 semaphore(%arg11 : memref<!tpu.dma_semaphore, #tpu.memory_space<semaphore_mem>>) src(%arg7 : memref<80x128xi32, #tpu.memory_space<vmem>>) dst(%dma_wait3A_57 : memref<80x128xi32, #tpu.memory_space<hbm>>)
    } else {
    }
    %convert_element_type3A_43 = arith.extui %lt3A_20 : i1 to i32
    %cond3A_44 = arith.constant 0 : i32
    %cond3A_45 = arith.cmpi ne, %convert_element_type3A_43, %cond3A_44 : i32
    scf.if %cond3A_45 {
      %dma_start3A = arith.constant 240 : i32
      %dma_start3A_55 = tpu.memref_slice %arg5[%dma_start3A] : memref<320xi32, #tpu.memory_space<vmem>> -> memref<80xi32, #tpu.memory_space<vmem>>
      %dma_start3A_56 = arith.constant 0 : i32
      %dma_start3A_57 = arith.constant 0 : i32
      %dma_start3A_58 = tpu.memref_slice %arg2[%dma_start3A_56, %dma_start3A_57] : memref<10000x128xi32, #tpu.memory_space<hbm>> -> memref<10000x128xi32, #tpu.memory_space<hbm>>
      tpu.enqueue_indirect_dma source(%dma_start3A_58 : memref<10000x128xi32, #tpu.memory_space<hbm>>) target(%arg7 : memref<80x128xi32, #tpu.memory_space<vmem>>) offsets(%dma_start3A_55 : memref<80xi32, #tpu.memory_space<vmem>>) semaphore(%arg9 : memref<!tpu.dma_semaphore, #tpu.memory_space<semaphore_mem>>)
    } else {
    }
    %convert_element_type3A_46 = arith.extui %lt3A_20 : i1 to i32
    %cond3A_47 = arith.constant 0 : i32
    %cond3A_48 = arith.cmpi ne, %convert_element_type3A_46, %cond3A_47 : i32
    scf.if %cond3A_48 {
      %dma_wait3A = arith.constant 240 : i32
      %dma_wait3A_55 = tpu.memref_slice %arg5[%dma_wait3A] : memref<320xi32, #tpu.memory_space<vmem>> -> memref<80xi32, #tpu.memory_space<vmem>>
      %dma_wait3A_56 = arith.constant 0 : i32
      %dma_wait3A_57 = arith.constant 0 : i32
      %dma_wait3A_58 = tpu.memref_slice %arg2[%dma_wait3A_56, %dma_wait3A_57] : memref<10000x128xi32, #tpu.memory_space<hbm>> -> memref<10000x128xi32, #tpu.memory_space<hbm>>
      tpu.wait_indirect_dma semaphore(%arg9 : memref<!tpu.dma_semaphore, #tpu.memory_space<semaphore_mem>>) src(%dma_wait3A_58 : memref<10000x128xi32, #tpu.memory_space<hbm>>) dst(%arg7 : memref<80x128xi32, #tpu.memory_space<vmem>>)
      %dma_start3A = arith.constant 0 : i32
      %dma_start3A_59 = tpu.memref_slice %arg4[%multiple_of3A_13, %dma_start3A] : memref<10000x128xi32, #tpu.memory_space<hbm>> -> memref<80x128xi32, #tpu.memory_space<hbm>>
      %dma_start3A_60 = arith.constant 0 : i32
      %dma_start3A_61 = tpu.memref_slice %arg4[%multiple_of3A_13, %dma_start3A_60] : memref<10000x128xi32, #tpu.memory_space<hbm>> -> memref<80x128xi32, #tpu.memory_space<hbm>>
      tpu.enqueue_dma source(%arg7 : memref<80x128xi32, #tpu.memory_space<vmem>>) target(%dma_start3A_61 : memref<80x128xi32, #tpu.memory_space<hbm>>) target_semaphore(%arg11 : memref<!tpu.dma_semaphore, #tpu.memory_space<semaphore_mem>>)
    } else {
    }
    %convert_element_type3A_49 = arith.extui %lt3A_18 : i1 to i32
    %cond3A_50 = arith.constant 0 : i32
    %cond3A_51 = arith.cmpi ne, %convert_element_type3A_49, %cond3A_50 : i32
    scf.if %cond3A_51 {
      %dma_wait3A = arith.constant 0 : i32
      %dma_wait3A_55 = tpu.memref_slice %arg4[%multiple_of3A_10, %dma_wait3A] : memref<10000x128xi32, #tpu.memory_space<hbm>> -> memref<80x128xi32, #tpu.memory_space<hbm>>
      %dma_wait3A_56 = arith.constant 0 : i32
      %dma_wait3A_57 = tpu.memref_slice %arg4[%multiple_of3A_10, %dma_wait3A_56] : memref<10000x128xi32, #tpu.memory_space<hbm>> -> memref<80x128xi32, #tpu.memory_space<hbm>>
      tpu.wait_dma2 semaphore(%arg10 : memref<!tpu.dma_semaphore, #tpu.memory_space<semaphore_mem>>) src(%arg6 : memref<80x128xi32, #tpu.memory_space<vmem>>) dst(%dma_wait3A_57 : memref<80x128xi32, #tpu.memory_space<hbm>>)
    } else {
    }
    %convert_element_type3A_52 = arith.extui %lt3A_20 : i1 to i32
    %cond3A_53 = arith.constant 0 : i32
    %cond3A_54 = arith.cmpi ne, %convert_element_type3A_52, %cond3A_53 : i32
    scf.if %cond3A_54 {
      %dma_wait3A = arith.constant 0 : i32
      %dma_wait3A_55 = tpu.memref_slice %arg4[%multiple_of3A_13, %dma_wait3A] : memref<10000x128xi32, #tpu.memory_space<hbm>> -> memref<80x128xi32, #tpu.memory_space<hbm>>
      %dma_wait3A_56 = arith.constant 0 : i32
      %dma_wait3A_57 = tpu.memref_slice %arg4[%multiple_of3A_13, %dma_wait3A_56] : memref<10000x128xi32, #tpu.memory_space<hbm>> -> memref<80x128xi32, #tpu.memory_space<hbm>>
      tpu.wait_dma2 semaphore(%arg11 : memref<!tpu.dma_semaphore, #tpu.memory_space<semaphore_mem>>) src(%arg7 : memref<80x128xi32, #tpu.memory_space<vmem>>) dst(%dma_wait3A_57 : memref<80x128xi32, #tpu.memory_space<hbm>>)
    } else {
    }
    return
  }
}

#map = affine_map<(d0, d1) -> (0, 0)>
#map1 = affine_map<(d0, d1) -> (0)>
module attributes {stable_mosaic.version = 14 : i64} {
  func.func @_sc_gather(%arg0: i32, %arg1: i32, %arg2: memref<10000x128xi32, #tpu.memory_space<hbm>>, %arg3: memref<10240xi32, #tpu.memory_space<hbm>>, %arg4: memref<10000x128xi32, #tpu.memory_space<hbm>>, %arg5: memref<320xi32, #tpu.memory_space<vmem>>, %arg6: memref<80x128xi32, #tpu.memory_space<vmem>>, %arg7: memref<80x128xi32, #tpu.memory_space<vmem>>, %arg8: memref<!tpu.dma_semaphore, #tpu.memory_space<semaphore_mem>>, %arg9: memref<!tpu.dma_semaphore, #tpu.memory_space<semaphore_mem>>, %arg10: memref<!tpu.dma_semaphore, #tpu.memory_space<semaphore_mem>>, %arg11: memref<!tpu.dma_semaphore, #tpu.memory_space<semaphore_mem>>) attributes {dimension_semantics = [#tpu.dimension_semantics<core_parallel>, #tpu.dimension_semantics<subcore_parallel>], iteration_bounds = array<i64: 2, 16>, scalar_prefetch = 0 : i64, scratch_operands = 7 : i64, tpu.core_type = #tpu.core_type<sc_vector_subcore>, window_params = [{transform_indices = #map}, {transform_indices = #map1}, {transform_indices = #map}]} {
    %mul3A = arith.constant 2 : i32
    %mul3A_0 = arith.muli %arg1, %mul3A : i32
    %add3A = arith.addi %mul3A_0, %arg0 : i32
    %mul3A_1 = arith.constant 320 : i32
    %mul3A_2 = arith.muli %add3A, %mul3A_1 : i32
    "tpu.region"() ({
      %run_scoped3A = tpu.sem_alloc : memref<!tpu.dma_semaphore, #tpu.memory_space<semaphore_mem>>
      %dma_start3A = tpu.memref_slice %arg3[%mul3A_2] : memref<10240xi32, #tpu.memory_space<hbm>> -> memref<320xi32, #tpu.memory_space<hbm>>
      %dma_start3A_55 = tpu.memref_slice %arg3[%mul3A_2] : memref<10240xi32, #tpu.memory_space<hbm>> -> memref<320xi32, #tpu.memory_space<hbm>>
      tpu.enqueue_dma source(%dma_start3A_55 : memref<320xi32, #tpu.memory_space<hbm>>) target(%arg5 : memref<320xi32, #tpu.memory_space<vmem>>) target_semaphore(%run_scoped3A : memref<!tpu.dma_semaphore, #tpu.memory_space<semaphore_mem>>)
      %dma_wait3A = tpu.memref_slice %arg3[%mul3A_2] : memref<10240xi32, #tpu.memory_space<hbm>> -> memref<320xi32, #tpu.memory_space<hbm>>
      %dma_wait3A_56 = tpu.memref_slice %arg3[%mul3A_2] : memref<10240xi32, #tpu.memory_space<hbm>> -> memref<320xi32, #tpu.memory_space<hbm>>
      tpu.wait_dma2 semaphore(%run_scoped3A : memref<!tpu.dma_semaphore, #tpu.memory_space<semaphore_mem>>) src(%dma_wait3A_56 : memref<320xi32, #tpu.memory_space<hbm>>) dst(%arg5 : memref<320xi32, #tpu.memory_space<vmem>>)
      tpu.yield
    }) : () -> ()
    %add3A_3 = arith.constant 0 : i32
    %add3A_4 = arith.addi %mul3A_2, %add3A_3 : i32
    %multiple_of3A = tpu.assume_multiple %add3A_4, 16 : i32
    %add3A_5 = arith.constant 80 : i32
    %add3A_6 = arith.addi %mul3A_2, %add3A_5 : i32
    %multiple_of3A_7 = tpu.assume_multiple %add3A_6, 16 : i32
    %add3A_8 = arith.constant 160 : i32
    %add3A_9 = arith.addi %mul3A_2, %add3A_8 : i32
    %multiple_of3A_10 = tpu.assume_multiple %add3A_9, 16 : i32
    %add3A_11 = arith.constant 240 : i32
    %add3A_12 = arith.addi %mul3A_2, %add3A_11 : i32
    %multiple_of3A_13 = tpu.assume_multiple %add3A_12, 16 : i32
    %lt3A = arith.constant 10000 : i32
    %lt3A_14 = arith.cmpi slt, %multiple_of3A, %lt3A : i32
    %lt3A_15 = arith.constant 10000 : i32
    %lt3A_16 = arith.cmpi slt, %multiple_of3A_7, %lt3A_15 : i32
    %lt3A_17 = arith.constant 10000 : i32
    %lt3A_18 = arith.cmpi slt, %multiple_of3A_10, %lt3A_17 : i32
    %lt3A_19 = arith.constant 10000 : i32
    %lt3A_20 = arith.cmpi slt, %multiple_of3A_13, %lt3A_19 : i32
    %convert_element_type3A = arith.extui %lt3A_14 : i1 to i32
    %cond3A = arith.constant 0 : i32
    %cond3A_21 = arith.cmpi ne, %convert_element_type3A, %cond3A : i32
    scf.if %cond3A_21 {
      %dma_start3A = arith.constant 0 : i32
      %dma_start3A_55 = tpu.memref_slice %arg5[%dma_start3A] : memref<320xi32, #tpu.memory_space<vmem>> -> memref<80xi32, #tpu.memory_space<vmem>>
      %dma_start3A_56 = arith.constant 0 : i32
      %dma_start3A_57 = arith.constant 0 : i32
      %dma_start3A_58 = tpu.memref_slice %arg2[%dma_start3A_56, %dma_start3A_57] : memref<10000x128xi32, #tpu.memory_space<hbm>> -> memref<10000x128xi32, #tpu.memory_space<hbm>>
      tpu.enqueue_indirect_dma source(%dma_start3A_58 : memref<10000x128xi32, #tpu.memory_space<hbm>>) target(%arg6 : memref<80x128xi32, #tpu.memory_space<vmem>>) offsets(%dma_start3A_55 : memref<80xi32, #tpu.memory_space<vmem>>) semaphore(%arg8 : memref<!tpu.dma_semaphore, #tpu.memory_space<semaphore_mem>>)
    } else {
    }
    %convert_element_type3A_22 = arith.extui %lt3A_14 : i1 to i32
    %cond3A_23 = arith.constant 0 : i32
    %cond3A_24 = arith.cmpi ne, %convert_element_type3A_22, %cond3A_23 : i32
    scf.if %cond3A_24 {
      %dma_wait3A = arith.constant 0 : i32
      %dma_wait3A_55 = tpu.memref_slice %arg5[%dma_wait3A] : memref<320xi32, #tpu.memory_space<vmem>> -> memref<80xi32, #tpu.memory_space<vmem>>
      %dma_wait3A_56 = arith.constant 0 : i32
      %dma_wait3A_57 = arith.constant 0 : i32
      %dma_wait3A_58 = tpu.memref_slice %arg2[%dma_wait3A_56, %dma_wait3A_57] : memref<10000x128xi32, #tpu.memory_space<hbm>> -> memref<10000x128xi32, #tpu.memory_space<hbm>>
      tpu.wait_indirect_dma semaphore(%arg8 : memref<!tpu.dma_semaphore, #tpu.memory_space<semaphore_mem>>) src(%dma_wait3A_58 : memref<10000x128xi32, #tpu.memory_space<hbm>>) dst(%arg6 : memref<80x128xi32, #tpu.memory_space<vmem>>)
      %dma_start3A = arith.constant 0 : i32
      %dma_start3A_59 = tpu.memref_slice %arg4[%multiple_of3A, %dma_start3A] : memref<10000x128xi32, #tpu.memory_space<hbm>> -> memref<80x128xi32, #tpu.memory_space<hbm>>
      %dma_start3A_60 = arith.constant 0 : i32
      %dma_start3A_61 = tpu.memref_slice %arg4[%multiple_of3A, %dma_start3A_60] : memref<10000x128xi32, #tpu.memory_space<hbm>> -> memref<80x128xi32, #tpu.memory_space<hbm>>
      tpu.enqueue_dma source(%arg6 : memref<80x128xi32, #tpu.memory_space<vmem>>) target(%dma_start3A_61 : memref<80x128xi32, #tpu.memory_space<hbm>>) target_semaphore(%arg10 : memref<!tpu.dma_semaphore, #tpu.memory_space<semaphore_mem>>)
    } else {
    }
    %convert_element_type3A_25 = arith.extui %lt3A_16 : i1 to i32
    %cond3A_26 = arith.constant 0 : i32
    %cond3A_27 = arith.cmpi ne, %convert_element_type3A_25, %cond3A_26 : i32
    scf.if %cond3A_27 {
      %dma_start3A = arith.constant 80 : i32
      %dma_start3A_55 = tpu.memref_slice %arg5[%dma_start3A] : memref<320xi32, #tpu.memory_space<vmem>> -> memref<80xi32, #tpu.memory_space<vmem>>
      %dma_start3A_56 = arith.constant 0 : i32
      %dma_start3A_57 = arith.constant 0 : i32
      %dma_start3A_58 = tpu.memref_slice %arg2[%dma_start3A_56, %dma_start3A_57] : memref<10000x128xi32, #tpu.memory_space<hbm>> -> memref<10000x128xi32, #tpu.memory_space<hbm>>
      tpu.enqueue_indirect_dma source(%dma_start3A_58 : memref<10000x128xi32, #tpu.memory_space<hbm>>) target(%arg7 : memref<80x128xi32, #tpu.memory_space<vmem>>) offsets(%dma_start3A_55 : memref<80xi32, #tpu.memory_space<vmem>>) semaphore(%arg9 : memref<!tpu.dma_semaphore, #tpu.memory_space<semaphore_mem>>)
    } else {
    }
    %convert_element_type3A_28 = arith.extui %lt3A_16 : i1 to i32
    %cond3A_29 = arith.constant 0 : i32
    %cond3A_30 = arith.cmpi ne, %convert_element_type3A_28, %cond3A_29 : i32
    scf.if %cond3A_30 {
      %dma_wait3A = arith.constant 80 : i32
      %dma_wait3A_55 = tpu.memref_slice %arg5[%dma_wait3A] : memref<320xi32, #tpu.memory_space<vmem>> -> memref<80xi32, #tpu.memory_space<vmem>>
      %dma_wait3A_56 = arith.constant 0 : i32
      %dma_wait3A_57 = arith.constant 0 : i32
      %dma_wait3A_58 = tpu.memref_slice %arg2[%dma_wait3A_56, %dma_wait3A_57] : memref<10000x128xi32, #tpu.memory_space<hbm>> -> memref<10000x128xi32, #tpu.memory_space<hbm>>
      tpu.wait_indirect_dma semaphore(%arg9 : memref<!tpu.dma_semaphore, #tpu.memory_space<semaphore_mem>>) src(%dma_wait3A_58 : memref<10000x128xi32, #tpu.memory_space<hbm>>) dst(%arg7 : memref<80x128xi32, #tpu.memory_space<vmem>>)
      %dma_start3A = arith.constant 0 : i32
      %dma_start3A_59 = tpu.memref_slice %arg4[%multiple_of3A_7, %dma_start3A] : memref<10000x128xi32, #tpu.memory_space<hbm>> -> memref<80x128xi32, #tpu.memory_space<hbm>>
      %dma_start3A_60 = arith.constant 0 : i32
      %dma_start3A_61 = tpu.memref_slice %arg4[%multiple_of3A_7, %dma_start3A_60] : memref<10000x128xi32, #tpu.memory_space<hbm>> -> memref<80x128xi32, #tpu.memory_space<hbm>>
      tpu.enqueue_dma source(%arg7 : memref<80x128xi32, #tpu.memory_space<vmem>>) target(%dma_start3A_61 : memref<80x128xi32, #tpu.memory_space<hbm>>) target_semaphore(%arg11 : memref<!tpu.dma_semaphore, #tpu.memory_space<semaphore_mem>>)
    } else {
    }
    %convert_element_type3A_31 = arith.extui %lt3A_14 : i1 to i32
    %cond3A_32 = arith.constant 0 : i32
    %cond3A_33 = arith.cmpi ne, %convert_element_type3A_31, %cond3A_32 : i32
    scf.if %cond3A_33 {
      %dma_wait3A = arith.constant 0 : i32
      %dma_wait3A_55 = tpu.memref_slice %arg4[%multiple_of3A, %dma_wait3A] : memref<10000x128xi32, #tpu.memory_space<hbm>> -> memref<80x128xi32, #tpu.memory_space<hbm>>
      %dma_wait3A_56 = arith.constant 0 : i32
      %dma_wait3A_57 = tpu.memref_slice %arg4[%multiple_of3A, %dma_wait3A_56] : memref<10000x128xi32, #tpu.memory_space<hbm>> -> memref<80x128xi32, #tpu.memory_space<hbm>>
      tpu.wait_dma2 semaphore(%arg10 : memref<!tpu.dma_semaphore, #tpu.memory_space<semaphore_mem>>) src(%arg6 : memref<80x128xi32, #tpu.memory_space<vmem>>) dst(%dma_wait3A_57 : memref<80x128xi32, #tpu.memory_space<hbm>>)
    } else {
    }
    %convert_element_type3A_34 = arith.extui %lt3A_18 : i1 to i32
    %cond3A_35 = arith.constant 0 : i32
    %cond3A_36 = arith.cmpi ne, %convert_element_type3A_34, %cond3A_35 : i32
    scf.if %cond3A_36 {
      %dma_start3A = arith.constant 160 : i32
      %dma_start3A_55 = tpu.memref_slice %arg5[%dma_start3A] : memref<320xi32, #tpu.memory_space<vmem>> -> memref<80xi32, #tpu.memory_space<vmem>>
      %dma_start3A_56 = arith.constant 0 : i32
      %dma_start3A_57 = arith.constant 0 : i32
      %dma_start3A_58 = tpu.memref_slice %arg2[%dma_start3A_56, %dma_start3A_57] : memref<10000x128xi32, #tpu.memory_space<hbm>> -> memref<10000x128xi32, #tpu.memory_space<hbm>>
      tpu.enqueue_indirect_dma source(%dma_start3A_58 : memref<10000x128xi32, #tpu.memory_space<hbm>>) target(%arg6 : memref<80x128xi32, #tpu.memory_space<vmem>>) offsets(%dma_start3A_55 : memref<80xi32, #tpu.memory_space<vmem>>) semaphore(%arg8 : memref<!tpu.dma_semaphore, #tpu.memory_space<semaphore_mem>>)
    } else {
    }
    %convert_element_type3A_37 = arith.extui %lt3A_18 : i1 to i32
    %cond3A_38 = arith.constant 0 : i32
    %cond3A_39 = arith.cmpi ne, %convert_element_type3A_37, %cond3A_38 : i32
    scf.if %cond3A_39 {
      %dma_wait3A = arith.constant 160 : i32
      %dma_wait3A_55 = tpu.memref_slice %arg5[%dma_wait3A] : memref<320xi32, #tpu.memory_space<vmem>> -> memref<80xi32, #tpu.memory_space<vmem>>
      %dma_wait3A_56 = arith.constant 0 : i32
      %dma_wait3A_57 = arith.constant 0 : i32
      %dma_wait3A_58 = tpu.memref_slice %arg2[%dma_wait3A_56, %dma_wait3A_57] : memref<10000x128xi32, #tpu.memory_space<hbm>> -> memref<10000x128xi32, #tpu.memory_space<hbm>>
      tpu.wait_indirect_dma semaphore(%arg8 : memref<!tpu.dma_semaphore, #tpu.memory_space<semaphore_mem>>) src(%dma_wait3A_58 : memref<10000x128xi32, #tpu.memory_space<hbm>>) dst(%arg6 : memref<80x128xi32, #tpu.memory_space<vmem>>)
      %dma_start3A = arith.constant 0 : i32
      %dma_start3A_59 = tpu.memref_slice %arg4[%multiple_of3A_10, %dma_start3A] : memref<10000x128xi32, #tpu.memory_space<hbm>> -> memref<80x128xi32, #tpu.memory_space<hbm>>
      %dma_start3A_60 = arith.constant 0 : i32
      %dma_start3A_61 = tpu.memref_slice %arg4[%multiple_of3A_10, %dma_start3A_60] : memref<10000x128xi32, #tpu.memory_space<hbm>> -> memref<80x128xi32, #tpu.memory_space<hbm>>
      tpu.enqueue_dma source(%arg6 : memref<80x128xi32, #tpu.memory_space<vmem>>) target(%dma_start3A_61 : memref<80x128xi32, #tpu.memory_space<hbm>>) target_semaphore(%arg10 : memref<!tpu.dma_semaphore, #tpu.memory_space<semaphore_mem>>)
    } else {
    }
    %convert_element_type3A_40 = arith.extui %lt3A_16 : i1 to i32
    %cond3A_41 = arith.constant 0 : i32
    %cond3A_42 = arith.cmpi ne, %convert_element_type3A_40, %cond3A_41 : i32
    scf.if %cond3A_42 {
      %dma_wait3A = arith.constant 0 : i32
      %dma_wait3A_55 = tpu.memref_slice %arg4[%multiple_of3A_7, %dma_wait3A] : memref<10000x128xi32, #tpu.memory_space<hbm>> -> memref<80x128xi32, #tpu.memory_space<hbm>>
      %dma_wait3A_56 = arith.constant 0 : i32
      %dma_wait3A_57 = tpu.memref_slice %arg4[%multiple_of3A_7, %dma_wait3A_56] : memref<10000x128xi32, #tpu.memory_space<hbm>> -> memref<80x128xi32, #tpu.memory_space<hbm>>
      tpu.wait_dma2 semaphore(%arg11 : memref<!tpu.dma_semaphore, #tpu.memory_space<semaphore_mem>>) src(%arg7 : memref<80x128xi32, #tpu.memory_space<vmem>>) dst(%dma_wait3A_57 : memref<80x128xi32, #tpu.memory_space<hbm>>)
    } else {
    }
    %convert_element_type3A_43 = arith.extui %lt3A_20 : i1 to i32
    %cond3A_44 = arith.constant 0 : i32
    %cond3A_45 = arith.cmpi ne, %convert_element_type3A_43, %cond3A_44 : i32
    scf.if %cond3A_45 {
      %dma_start3A = arith.constant 240 : i32
      %dma_start3A_55 = tpu.memref_slice %arg5[%dma_start3A] : memref<320xi32, #tpu.memory_space<vmem>> -> memref<80xi32, #tpu.memory_space<vmem>>
      %dma_start3A_56 = arith.constant 0 : i32
      %dma_start3A_57 = arith.constant 0 : i32
      %dma_start3A_58 = tpu.memref_slice %arg2[%dma_start3A_56, %dma_start3A_57] : memref<10000x128xi32, #tpu.memory_space<hbm>> -> memref<10000x128xi32, #tpu.memory_space<hbm>>
      tpu.enqueue_indirect_dma source(%dma_start3A_58 : memref<10000x128xi32, #tpu.memory_space<hbm>>) target(%arg7 : memref<80x128xi32, #tpu.memory_space<vmem>>) offsets(%dma_start3A_55 : memref<80xi32, #tpu.memory_space<vmem>>) semaphore(%arg9 : memref<!tpu.dma_semaphore, #tpu.memory_space<semaphore_mem>>)
    } else {
    }
    %convert_element_type3A_46 = arith.extui %lt3A_20 : i1 to i32
    %cond3A_47 = arith.constant 0 : i32
    %cond3A_48 = arith.cmpi ne, %convert_element_type3A_46, %cond3A_47 : i32
    scf.if %cond3A_48 {
      %dma_wait3A = arith.constant 240 : i32
      %dma_wait3A_55 = tpu.memref_slice %arg5[%dma_wait3A] : memref<320xi32, #tpu.memory_space<vmem>> -> memref<80xi32, #tpu.memory_space<vmem>>
      %dma_wait3A_56 = arith.constant 0 : i32
      %dma_wait3A_57 = arith.constant 0 : i32
      %dma_wait3A_58 = tpu.memref_slice %arg2[%dma_wait3A_56, %dma_wait3A_57] : memref<10000x128xi32, #tpu.memory_space<hbm>> -> memref<10000x128xi32, #tpu.memory_space<hbm>>
      tpu.wait_indirect_dma semaphore(%arg9 : memref<!tpu.dma_semaphore, #tpu.memory_space<semaphore_mem>>) src(%dma_wait3A_58 : memref<10000x128xi32, #tpu.memory_space<hbm>>) dst(%arg7 : memref<80x128xi32, #tpu.memory_space<vmem>>)
      %dma_start3A = arith.constant 0 : i32
      %dma_start3A_59 = tpu.memref_slice %arg4[%multiple_of3A_13, %dma_start3A] : memref<10000x128xi32, #tpu.memory_space<hbm>> -> memref<80x128xi32, #tpu.memory_space<hbm>>
      %dma_start3A_60 = arith.constant 0 : i32
      %dma_start3A_61 = tpu.memref_slice %arg4[%multiple_of3A_13, %dma_start3A_60] : memref<10000x128xi32, #tpu.memory_space<hbm>> -> memref<80x128xi32, #tpu.memory_space<hbm>>
      tpu.enqueue_dma source(%arg7 : memref<80x128xi32, #tpu.memory_space<vmem>>) target(%dma_start3A_61 : memref<80x128xi32, #tpu.memory_space<hbm>>) target_semaphore(%arg11 : memref<!tpu.dma_semaphore, #tpu.memory_space<semaphore_mem>>)
    } else {
    }
    %convert_element_type3A_49 = arith.extui %lt3A_18 : i1 to i32
    %cond3A_50 = arith.constant 0 : i32
    %cond3A_51 = arith.cmpi ne, %convert_element_type3A_49, %cond3A_50 : i32
    scf.if %cond3A_51 {
      %dma_wait3A = arith.constant 0 : i32
      %dma_wait3A_55 = tpu.memref_slice %arg4[%multiple_of3A_10, %dma_wait3A] : memref<10000x128xi32, #tpu.memory_space<hbm>> -> memref<80x128xi32, #tpu.memory_space<hbm>>
      %dma_wait3A_56 = arith.constant 0 : i32
      %dma_wait3A_57 = tpu.memref_slice %arg4[%multiple_of3A_10, %dma_wait3A_56] : memref<10000x128xi32, #tpu.memory_space<hbm>> -> memref<80x128xi32, #tpu.memory_space<hbm>>
      tpu.wait_dma2 semaphore(%arg10 : memref<!tpu.dma_semaphore, #tpu.memory_space<semaphore_mem>>) src(%arg6 : memref<80x128xi32, #tpu.memory_space<vmem>>) dst(%dma_wait3A_57 : memref<80x128xi32, #tpu.memory_space<hbm>>)
    } else {
    }
    %convert_element_type3A_52 = arith.extui %lt3A_20 : i1 to i32
    %cond3A_53 = arith.constant 0 : i32
    %cond3A_54 = arith.cmpi ne, %convert_element_type3A_52, %cond3A_53 : i32
    scf.if %cond3A_54 {
      %dma_wait3A = arith.constant 0 : i32
      %dma_wait3A_55 = tpu.memref_slice %arg4[%multiple_of3A_13, %dma_wait3A] : memref<10000x128xi32, #tpu.memory_space<hbm>> -> memref<80x128xi32, #tpu.memory_space<hbm>>
      %dma_wait3A_56 = arith.constant 0 : i32
      %dma_wait3A_57 = tpu.memref_slice %arg4[%multiple_of3A_13, %dma_wait3A_56] : memref<10000x128xi32, #tpu.memory_space<hbm>> -> memref<80x128xi32, #tpu.memory_space<hbm>>
      tpu.wait_dma2 semaphore(%arg11 : memref<!tpu.dma_semaphore, #tpu.memory_space<semaphore_mem>>) src(%arg7 : memref<80x128xi32, #tpu.memory_space<vmem>>) dst(%dma_wait3A_57 : memref<80x128xi32, #tpu.memory_space<hbm>>)
    } else {
    }
    return
  }
}

#map = affine_map<(d0, d1) -> (0, 0)>
#map1 = affine_map<(d0, d1) -> (0)>
module attributes {stable_mosaic.version = 14 : i64} {
  func.func @_sc_gather(%arg0: i32, %arg1: i32, %arg2: memref<10000x128xi32, #tpu.memory_space<hbm>>, %arg3: memref<10240xi32, #tpu.memory_space<hbm>>, %arg4: memref<10000x128xi32, #tpu.memory_space<hbm>>, %arg5: memref<320xi32, #tpu.memory_space<vmem>>, %arg6: memref<80x128xi32, #tpu.memory_space<vmem>>, %arg7: memref<80x128xi32, #tpu.memory_space<vmem>>, %arg8: memref<!tpu.dma_semaphore, #tpu.memory_space<semaphore_mem>>, %arg9: memref<!tpu.dma_semaphore, #tpu.memory_space<semaphore_mem>>, %arg10: memref<!tpu.dma_semaphore, #tpu.memory_space<semaphore_mem>>, %arg11: memref<!tpu.dma_semaphore, #tpu.memory_space<semaphore_mem>>) attributes {dimension_semantics = [#tpu.dimension_semantics<core_parallel>, #tpu.dimension_semantics<subcore_parallel>], iteration_bounds = array<i64: 2, 16>, scalar_prefetch = 0 : i64, scratch_operands = 7 : i64, tpu.core_type = #tpu.core_type<sc_vector_subcore>, window_params = [{transform_indices = #map}, {transform_indices = #map1}, {transform_indices = #map}]} {
    %mul3A = arith.constant 2 : i32
    %mul3A_0 = arith.muli %arg1, %mul3A : i32
    %add3A = arith.addi %mul3A_0, %arg0 : i32
    %mul3A_1 = arith.constant 320 : i32
    %mul3A_2 = arith.muli %add3A, %mul3A_1 : i32
    "tpu.region"() ({
      %run_scoped3A = tpu.sem_alloc : memref<!tpu.dma_semaphore, #tpu.memory_space<semaphore_mem>>
      %dma_start3A = tpu.memref_slice %arg3[%mul3A_2] : memref<10240xi32, #tpu.memory_space<hbm>> -> memref<320xi32, #tpu.memory_space<hbm>>
      %dma_start3A_55 = tpu.memref_slice %arg3[%mul3A_2] : memref<10240xi32, #tpu.memory_space<hbm>> -> memref<320xi32, #tpu.memory_space<hbm>>
      tpu.enqueue_dma source(%dma_start3A_55 : memref<320xi32, #tpu.memory_space<hbm>>) target(%arg5 : memref<320xi32, #tpu.memory_space<vmem>>) target_semaphore(%run_scoped3A : memref<!tpu.dma_semaphore, #tpu.memory_space<semaphore_mem>>)
      %dma_wait3A = tpu.memref_slice %arg3[%mul3A_2] : memref<10240xi32, #tpu.memory_space<hbm>> -> memref<320xi32, #tpu.memory_space<hbm>>
      %dma_wait3A_56 = tpu.memref_slice %arg3[%mul3A_2] : memref<10240xi32, #tpu.memory_space<hbm>> -> memref<320xi32, #tpu.memory_space<hbm>>
      tpu.wait_dma2 semaphore(%run_scoped3A : memref<!tpu.dma_semaphore, #tpu.memory_space<semaphore_mem>>) src(%dma_wait3A_56 : memref<320xi32, #tpu.memory_space<hbm>>) dst(%arg5 : memref<320xi32, #tpu.memory_space<vmem>>)
      tpu.yield
    }) : () -> ()
    %add3A_3 = arith.constant 0 : i32
    %add3A_4 = arith.addi %mul3A_2, %add3A_3 : i32
    %multiple_of3A = tpu.assume_multiple %add3A_4, 16 : i32
    %add3A_5 = arith.constant 80 : i32
    %add3A_6 = arith.addi %mul3A_2, %add3A_5 : i32
    %multiple_of3A_7 = tpu.assume_multiple %add3A_6, 16 : i32
    %add3A_8 = arith.constant 160 : i32
    %add3A_9 = arith.addi %mul3A_2, %add3A_8 : i32
    %multiple_of3A_10 = tpu.assume_multiple %add3A_9, 16 : i32
    %add3A_11 = arith.constant 240 : i32
    %add3A_12 = arith.addi %mul3A_2, %add3A_11 : i32
    %multiple_of3A_13 = tpu.assume_multiple %add3A_12, 16 : i32
    %lt3A = arith.constant 10000 : i32
    %lt3A_14 = arith.cmpi slt, %multiple_of3A, %lt3A : i32
    %lt3A_15 = arith.constant 10000 : i32
    %lt3A_16 = arith.cmpi slt, %multiple_of3A_7, %lt3A_15 : i32
    %lt3A_17 = arith.constant 10000 : i32
    %lt3A_18 = arith.cmpi slt, %multiple_of3A_10, %lt3A_17 : i32
    %lt3A_19 = arith.constant 10000 : i32
    %lt3A_20 = arith.cmpi slt, %multiple_of3A_13, %lt3A_19 : i32
    %convert_element_type3A = arith.extui %lt3A_14 : i1 to i32
    %cond3A = arith.constant 0 : i32
    %cond3A_21 = arith.cmpi ne, %convert_element_type3A, %cond3A : i32
    scf.if %cond3A_21 {
      %dma_start3A = arith.constant 0 : i32
      %dma_start3A_55 = tpu.memref_slice %arg5[%dma_start3A] : memref<320xi32, #tpu.memory_space<vmem>> -> memref<80xi32, #tpu.memory_space<vmem>>
      %dma_start3A_56 = arith.constant 0 : i32
      %dma_start3A_57 = arith.constant 0 : i32
      %dma_start3A_58 = tpu.memref_slice %arg2[%dma_start3A_56, %dma_start3A_57] : memref<10000x128xi32, #tpu.memory_space<hbm>> -> memref<10000x128xi32, #tpu.memory_space<hbm>>
      tpu.enqueue_indirect_dma source(%dma_start3A_58 : memref<10000x128xi32, #tpu.memory_space<hbm>>) target(%arg6 : memref<80x128xi32, #tpu.memory_space<vmem>>) offsets(%dma_start3A_55 : memref<80xi32, #tpu.memory_space<vmem>>) semaphore(%arg8 : memref<!tpu.dma_semaphore, #tpu.memory_space<semaphore_mem>>)
    } else {
    }
    %convert_element_type3A_22 = arith.extui %lt3A_14 : i1 to i32
    %cond3A_23 = arith.constant 0 : i32
    %cond3A_24 = arith.cmpi ne, %convert_element_type3A_22, %cond3A_23 : i32
    scf.if %cond3A_24 {
      %dma_wait3A = arith.constant 0 : i32
      %dma_wait3A_55 = tpu.memref_slice %arg5[%dma_wait3A] : memref<320xi32, #tpu.memory_space<vmem>> -> memref<80xi32, #tpu.memory_space<vmem>>
      %dma_wait3A_56 = arith.constant 0 : i32
      %dma_wait3A_57 = arith.constant 0 : i32
      %dma_wait3A_58 = tpu.memref_slice %arg2[%dma_wait3A_56, %dma_wait3A_57] : memref<10000x128xi32, #tpu.memory_space<hbm>> -> memref<10000x128xi32, #tpu.memory_space<hbm>>
      tpu.wait_indirect_dma semaphore(%arg8 : memref<!tpu.dma_semaphore, #tpu.memory_space<semaphore_mem>>) src(%dma_wait3A_58 : memref<10000x128xi32, #tpu.memory_space<hbm>>) dst(%arg6 : memref<80x128xi32, #tpu.memory_space<vmem>>)
      %dma_start3A = arith.constant 0 : i32
      %dma_start3A_59 = tpu.memref_slice %arg4[%multiple_of3A, %dma_start3A] : memref<10000x128xi32, #tpu.memory_space<hbm>> -> memref<80x128xi32, #tpu.memory_space<hbm>>
      %dma_start3A_60 = arith.constant 0 : i32
      %dma_start3A_61 = tpu.memref_slice %arg4[%multiple_of3A, %dma_start3A_60] : memref<10000x128xi32, #tpu.memory_space<hbm>> -> memref<80x128xi32, #tpu.memory_space<hbm>>
      tpu.enqueue_dma source(%arg6 : memref<80x128xi32, #tpu.memory_space<vmem>>) target(%dma_start3A_61 : memref<80x128xi32, #tpu.memory_space<hbm>>) target_semaphore(%arg10 : memref<!tpu.dma_semaphore, #tpu.memory_space<semaphore_mem>>)
    } else {
    }
    %convert_element_type3A_25 = arith.extui %lt3A_16 : i1 to i32
    %cond3A_26 = arith.constant 0 : i32
    %cond3A_27 = arith.cmpi ne, %convert_element_type3A_25, %cond3A_26 : i32
    scf.if %cond3A_27 {
      %dma_start3A = arith.constant 80 : i32
      %dma_start3A_55 = tpu.memref_slice %arg5[%dma_start3A] : memref<320xi32, #tpu.memory_space<vmem>> -> memref<80xi32, #tpu.memory_space<vmem>>
      %dma_start3A_56 = arith.constant 0 : i32
      %dma_start3A_57 = arith.constant 0 : i32
      %dma_start3A_58 = tpu.memref_slice %arg2[%dma_start3A_56, %dma_start3A_57] : memref<10000x128xi32, #tpu.memory_space<hbm>> -> memref<10000x128xi32, #tpu.memory_space<hbm>>
      tpu.enqueue_indirect_dma source(%dma_start3A_58 : memref<10000x128xi32, #tpu.memory_space<hbm>>) target(%arg7 : memref<80x128xi32, #tpu.memory_space<vmem>>) offsets(%dma_start3A_55 : memref<80xi32, #tpu.memory_space<vmem>>) semaphore(%arg9 : memref<!tpu.dma_semaphore, #tpu.memory_space<semaphore_mem>>)
    } else {
    }
    %convert_element_type3A_28 = arith.extui %lt3A_16 : i1 to i32
    %cond3A_29 = arith.constant 0 : i32
    %cond3A_30 = arith.cmpi ne, %convert_element_type3A_28, %cond3A_29 : i32
    scf.if %cond3A_30 {
      %dma_wait3A = arith.constant 80 : i32
      %dma_wait3A_55 = tpu.memref_slice %arg5[%dma_wait3A] : memref<320xi32, #tpu.memory_space<vmem>> -> memref<80xi32, #tpu.memory_space<vmem>>
      %dma_wait3A_56 = arith.constant 0 : i32
      %dma_wait3A_57 = arith.constant 0 : i32
      %dma_wait3A_58 = tpu.memref_slice %arg2[%dma_wait3A_56, %dma_wait3A_57] : memref<10000x128xi32, #tpu.memory_space<hbm>> -> memref<10000x128xi32, #tpu.memory_space<hbm>>
      tpu.wait_indirect_dma semaphore(%arg9 : memref<!tpu.dma_semaphore, #tpu.memory_space<semaphore_mem>>) src(%dma_wait3A_58 : memref<10000x128xi32, #tpu.memory_space<hbm>>) dst(%arg7 : memref<80x128xi32, #tpu.memory_space<vmem>>)
      %dma_start3A = arith.constant 0 : i32
      %dma_start3A_59 = tpu.memref_slice %arg4[%multiple_of3A_7, %dma_start3A] : memref<10000x128xi32, #tpu.memory_space<hbm>> -> memref<80x128xi32, #tpu.memory_space<hbm>>
      %dma_start3A_60 = arith.constant 0 : i32
      %dma_start3A_61 = tpu.memref_slice %arg4[%multiple_of3A_7, %dma_start3A_60] : memref<10000x128xi32, #tpu.memory_space<hbm>> -> memref<80x128xi32, #tpu.memory_space<hbm>>
      tpu.enqueue_dma source(%arg7 : memref<80x128xi32, #tpu.memory_space<vmem>>) target(%dma_start3A_61 : memref<80x128xi32, #tpu.memory_space<hbm>>) target_semaphore(%arg11 : memref<!tpu.dma_semaphore, #tpu.memory_space<semaphore_mem>>)
    } else {
    }
    %convert_element_type3A_31 = arith.extui %lt3A_14 : i1 to i32
    %cond3A_32 = arith.constant 0 : i32
    %cond3A_33 = arith.cmpi ne, %convert_element_type3A_31, %cond3A_32 : i32
    scf.if %cond3A_33 {
      %dma_wait3A = arith.constant 0 : i32
      %dma_wait3A_55 = tpu.memref_slice %arg4[%multiple_of3A, %dma_wait3A] : memref<10000x128xi32, #tpu.memory_space<hbm>> -> memref<80x128xi32, #tpu.memory_space<hbm>>
      %dma_wait3A_56 = arith.constant 0 : i32
      %dma_wait3A_57 = tpu.memref_slice %arg4[%multiple_of3A, %dma_wait3A_56] : memref<10000x128xi32, #tpu.memory_space<hbm>> -> memref<80x128xi32, #tpu.memory_space<hbm>>
      tpu.wait_dma2 semaphore(%arg10 : memref<!tpu.dma_semaphore, #tpu.memory_space<semaphore_mem>>) src(%arg6 : memref<80x128xi32, #tpu.memory_space<vmem>>) dst(%dma_wait3A_57 : memref<80x128xi32, #tpu.memory_space<hbm>>)
    } else {
    }
    %convert_element_type3A_34 = arith.extui %lt3A_18 : i1 to i32
    %cond3A_35 = arith.constant 0 : i32
    %cond3A_36 = arith.cmpi ne, %convert_element_type3A_34, %cond3A_35 : i32
    scf.if %cond3A_36 {
      %dma_start3A = arith.constant 160 : i32
      %dma_start3A_55 = tpu.memref_slice %arg5[%dma_start3A] : memref<320xi32, #tpu.memory_space<vmem>> -> memref<80xi32, #tpu.memory_space<vmem>>
      %dma_start3A_56 = arith.constant 0 : i32
      %dma_start3A_57 = arith.constant 0 : i32
      %dma_start3A_58 = tpu.memref_slice %arg2[%dma_start3A_56, %dma_start3A_57] : memref<10000x128xi32, #tpu.memory_space<hbm>> -> memref<10000x128xi32, #tpu.memory_space<hbm>>
      tpu.enqueue_indirect_dma source(%dma_start3A_58 : memref<10000x128xi32, #tpu.memory_space<hbm>>) target(%arg6 : memref<80x128xi32, #tpu.memory_space<vmem>>) offsets(%dma_start3A_55 : memref<80xi32, #tpu.memory_space<vmem>>) semaphore(%arg8 : memref<!tpu.dma_semaphore, #tpu.memory_space<semaphore_mem>>)
    } else {
    }
    %convert_element_type3A_37 = arith.extui %lt3A_18 : i1 to i32
    %cond3A_38 = arith.constant 0 : i32
    %cond3A_39 = arith.cmpi ne, %convert_element_type3A_37, %cond3A_38 : i32
    scf.if %cond3A_39 {
      %dma_wait3A = arith.constant 160 : i32
      %dma_wait3A_55 = tpu.memref_slice %arg5[%dma_wait3A] : memref<320xi32, #tpu.memory_space<vmem>> -> memref<80xi32, #tpu.memory_space<vmem>>
      %dma_wait3A_56 = arith.constant 0 : i32
      %dma_wait3A_57 = arith.constant 0 : i32
      %dma_wait3A_58 = tpu.memref_slice %arg2[%dma_wait3A_56, %dma_wait3A_57] : memref<10000x128xi32, #tpu.memory_space<hbm>> -> memref<10000x128xi32, #tpu.memory_space<hbm>>
      tpu.wait_indirect_dma semaphore(%arg8 : memref<!tpu.dma_semaphore, #tpu.memory_space<semaphore_mem>>) src(%dma_wait3A_58 : memref<10000x128xi32, #tpu.memory_space<hbm>>) dst(%arg6 : memref<80x128xi32, #tpu.memory_space<vmem>>)
      %dma_start3A = arith.constant 0 : i32
      %dma_start3A_59 = tpu.memref_slice %arg4[%multiple_of3A_10, %dma_start3A] : memref<10000x128xi32, #tpu.memory_space<hbm>> -> memref<80x128xi32, #tpu.memory_space<hbm>>
      %dma_start3A_60 = arith.constant 0 : i32
      %dma_start3A_61 = tpu.memref_slice %arg4[%multiple_of3A_10, %dma_start3A_60] : memref<10000x128xi32, #tpu.memory_space<hbm>> -> memref<80x128xi32, #tpu.memory_space<hbm>>
      tpu.enqueue_dma source(%arg6 : memref<80x128xi32, #tpu.memory_space<vmem>>) target(%dma_start3A_61 : memref<80x128xi32, #tpu.memory_space<hbm>>) target_semaphore(%arg10 : memref<!tpu.dma_semaphore, #tpu.memory_space<semaphore_mem>>)
    } else {
    }
    %convert_element_type3A_40 = arith.extui %lt3A_16 : i1 to i32
    %cond3A_41 = arith.constant 0 : i32
    %cond3A_42 = arith.cmpi ne, %convert_element_type3A_40, %cond3A_41 : i32
    scf.if %cond3A_42 {
      %dma_wait3A = arith.constant 0 : i32
      %dma_wait3A_55 = tpu.memref_slice %arg4[%multiple_of3A_7, %dma_wait3A] : memref<10000x128xi32, #tpu.memory_space<hbm>> -> memref<80x128xi32, #tpu.memory_space<hbm>>
      %dma_wait3A_56 = arith.constant 0 : i32
      %dma_wait3A_57 = tpu.memref_slice %arg4[%multiple_of3A_7, %dma_wait3A_56] : memref<10000x128xi32, #tpu.memory_space<hbm>> -> memref<80x128xi32, #tpu.memory_space<hbm>>
      tpu.wait_dma2 semaphore(%arg11 : memref<!tpu.dma_semaphore, #tpu.memory_space<semaphore_mem>>) src(%arg7 : memref<80x128xi32, #tpu.memory_space<vmem>>) dst(%dma_wait3A_57 : memref<80x128xi32, #tpu.memory_space<hbm>>)
    } else {
    }
    %convert_element_type3A_43 = arith.extui %lt3A_20 : i1 to i32
    %cond3A_44 = arith.constant 0 : i32
    %cond3A_45 = arith.cmpi ne, %convert_element_type3A_43, %cond3A_44 : i32
    scf.if %cond3A_45 {
      %dma_start3A = arith.constant 240 : i32
      %dma_start3A_55 = tpu.memref_slice %arg5[%dma_start3A] : memref<320xi32, #tpu.memory_space<vmem>> -> memref<80xi32, #tpu.memory_space<vmem>>
      %dma_start3A_56 = arith.constant 0 : i32
      %dma_start3A_57 = arith.constant 0 : i32
      %dma_start3A_58 = tpu.memref_slice %arg2[%dma_start3A_56, %dma_start3A_57] : memref<10000x128xi32, #tpu.memory_space<hbm>> -> memref<10000x128xi32, #tpu.memory_space<hbm>>
      tpu.enqueue_indirect_dma source(%dma_start3A_58 : memref<10000x128xi32, #tpu.memory_space<hbm>>) target(%arg7 : memref<80x128xi32, #tpu.memory_space<vmem>>) offsets(%dma_start3A_55 : memref<80xi32, #tpu.memory_space<vmem>>) semaphore(%arg9 : memref<!tpu.dma_semaphore, #tpu.memory_space<semaphore_mem>>)
    } else {
    }
    %convert_element_type3A_46 = arith.extui %lt3A_20 : i1 to i32
    %cond3A_47 = arith.constant 0 : i32
    %cond3A_48 = arith.cmpi ne, %convert_element_type3A_46, %cond3A_47 : i32
    scf.if %cond3A_48 {
      %dma_wait3A = arith.constant 240 : i32
      %dma_wait3A_55 = tpu.memref_slice %arg5[%dma_wait3A] : memref<320xi32, #tpu.memory_space<vmem>> -> memref<80xi32, #tpu.memory_space<vmem>>
      %dma_wait3A_56 = arith.constant 0 : i32
      %dma_wait3A_57 = arith.constant 0 : i32
      %dma_wait3A_58 = tpu.memref_slice %arg2[%dma_wait3A_56, %dma_wait3A_57] : memref<10000x128xi32, #tpu.memory_space<hbm>> -> memref<10000x128xi32, #tpu.memory_space<hbm>>
      tpu.wait_indirect_dma semaphore(%arg9 : memref<!tpu.dma_semaphore, #tpu.memory_space<semaphore_mem>>) src(%dma_wait3A_58 : memref<10000x128xi32, #tpu.memory_space<hbm>>) dst(%arg7 : memref<80x128xi32, #tpu.memory_space<vmem>>)
      %dma_start3A = arith.constant 0 : i32
      %dma_start3A_59 = tpu.memref_slice %arg4[%multiple_of3A_13, %dma_start3A] : memref<10000x128xi32, #tpu.memory_space<hbm>> -> memref<80x128xi32, #tpu.memory_space<hbm>>
      %dma_start3A_60 = arith.constant 0 : i32
      %dma_start3A_61 = tpu.memref_slice %arg4[%multiple_of3A_13, %dma_start3A_60] : memref<10000x128xi32, #tpu.memory_space<hbm>> -> memref<80x128xi32, #tpu.memory_space<hbm>>
      tpu.enqueue_dma source(%arg7 : memref<80x128xi32, #tpu.memory_space<vmem>>) target(%dma_start3A_61 : memref<80x128xi32, #tpu.memory_space<hbm>>) target_semaphore(%arg11 : memref<!tpu.dma_semaphore, #tpu.memory_space<semaphore_mem>>)
    } else {
    }
    %convert_element_type3A_49 = arith.extui %lt3A_18 : i1 to i32
    %cond3A_50 = arith.constant 0 : i32
    %cond3A_51 = arith.cmpi ne, %convert_element_type3A_49, %cond3A_50 : i32
    scf.if %cond3A_51 {
      %dma_wait3A = arith.constant 0 : i32
      %dma_wait3A_55 = tpu.memref_slice %arg4[%multiple_of3A_10, %dma_wait3A] : memref<10000x128xi32, #tpu.memory_space<hbm>> -> memref<80x128xi32, #tpu.memory_space<hbm>>
      %dma_wait3A_56 = arith.constant 0 : i32
      %dma_wait3A_57 = tpu.memref_slice %arg4[%multiple_of3A_10, %dma_wait3A_56] : memref<10000x128xi32, #tpu.memory_space<hbm>> -> memref<80x128xi32, #tpu.memory_space<hbm>>
      tpu.wait_dma2 semaphore(%arg10 : memref<!tpu.dma_semaphore, #tpu.memory_space<semaphore_mem>>) src(%arg6 : memref<80x128xi32, #tpu.memory_space<vmem>>) dst(%dma_wait3A_57 : memref<80x128xi32, #tpu.memory_space<hbm>>)
    } else {
    }
    %convert_element_type3A_52 = arith.extui %lt3A_20 : i1 to i32
    %cond3A_53 = arith.constant 0 : i32
    %cond3A_54 = arith.cmpi ne, %convert_element_type3A_52, %cond3A_53 : i32
    scf.if %cond3A_54 {
      %dma_wait3A = arith.constant 0 : i32
      %dma_wait3A_55 = tpu.memref_slice %arg4[%multiple_of3A_13, %dma_wait3A] : memref<10000x128xi32, #tpu.memory_space<hbm>> -> memref<80x128xi32, #tpu.memory_space<hbm>>
      %dma_wait3A_56 = arith.constant 0 : i32
      %dma_wait3A_57 = tpu.memref_slice %arg4[%multiple_of3A_13, %dma_wait3A_56] : memref<10000x128xi32, #tpu.memory_space<hbm>> -> memref<80x128xi32, #tpu.memory_space<hbm>>
      tpu.wait_dma2 semaphore(%arg11 : memref<!tpu.dma_semaphore, #tpu.memory_space<semaphore_mem>>) src(%arg7 : memref<80x128xi32, #tpu.memory_space<vmem>>) dst(%dma_wait3A_57 : memref<80x128xi32, #tpu.memory_space<hbm>>)
    } else {
    }
    return
  }
}

module attributes {stable_mosaic.version = 14 : i64} {
  func.func @_k_body_first(%arg0: i32, %arg1: memref<10000x128xi32, #tpu.memory_space<vmem>>, %arg2: memref<1x1x64x256xf32, #tpu.memory_space<vmem>>, %arg3: memref<1x1x64x10000xf32, #tpu.memory_space<vmem>>, %arg4: memref<10000x256xbf16, #tpu.memory_space<vmem>>) attributes {dimension_semantics = [#tpu.dimension_semantics<arbitrary>], iteration_bounds = array<i64: 4>, scalar_prefetch = 0 : i64, scratch_operands = 1 : i64, tpu.core_type = #tpu.core_type<tc>, window_params = [{pipeline_mode = #tpu.pipeline_mode<synchronous>, transform_indices = @transform_0, window_bounds = array<i64: 10000, 128>}, {transform_indices = @transform_1, window_bounds = array<i64: 1, 1, 64, 256>}, {transform_indices = @transform_2, window_bounds = array<i64: 1, 1, 64, 10000>}]} {
    %eq3A = arith.constant 0 : i32
    %eq3A_0 = arith.cmpi eq, %arg0, %eq3A : i32
    %convert_element_type3A = arith.extui %eq3A_0 : i1 to i32
    %cond3A = arith.constant 0 : i32
    %cond3A_1 = arith.cmpi ne, %convert_element_type3A, %cond3A : i32
    scf.if %cond3A_1 {
      %get3A_18 = arith.constant 0 : index
      %get3A_19 = arith.constant 0 : index
      %get3A_20 = vector.load %arg1[%get3A_18, %get3A_19] : memref<10000x128xi32, #tpu.memory_space<vmem>>, vector<10000x128xi32>
      %shift_left3A = arith.constant 16 : i32
      %shift_left3A_21 = vector.broadcast %shift_left3A : i32 to vector<10000x128xi32>
      %shift_left3A_22 = arith.shli %get3A_20, %shift_left3A_21 : vector<10000x128xi32>
      %and3A = arith.constant -65536 : i32
      %and3A_23 = vector.broadcast %and3A : i32 to vector<10000x128xi32>
      %and3A_24 = arith.andi %get3A_20, %and3A_23 : vector<10000x128xi32>
      %bitcast_convert_type3A = tpu.bitcast %shift_left3A_22 : vector<10000x128xi32> -> vector<10000x128xf32>
      %convert_element_type3A_25 = arith.truncf %bitcast_convert_type3A : vector<10000x128xf32> to vector<10000x128xbf16>
      %swap3A_26 = arith.constant 0 : index
      %swap3A_27 = arith.constant 0 : index
      %swap3A_28 = vector.load %arg4[%swap3A_26, %swap3A_27] : memref<10000x256xbf16, #tpu.memory_space<vmem>>, vector<10000x128xbf16>
      tpu.vector_store %arg4[%swap3A_26, %swap3A_27], %convert_element_type3A_25 {strides = array<i32>} : memref<10000x256xbf16, #tpu.memory_space<vmem>>, vector<10000x128xbf16>,
      %bitcast_convert_type3A_29 = tpu.bitcast %and3A_24 : vector<10000x128xi32> -> vector<10000x128xf32>
      %convert_element_type3A_30 = arith.truncf %bitcast_convert_type3A_29 : vector<10000x128xf32> to vector<10000x128xbf16>
      %swap3A_31 = arith.constant 0 : index
      %swap3A_32 = arith.constant 128 : index
      %swap3A_33 = vector.load %arg4[%swap3A_31, %swap3A_32] : memref<10000x256xbf16, #tpu.memory_space<vmem>>, vector<10000x128xbf16>
      tpu.vector_store %arg4[%swap3A_31, %swap3A_32], %convert_element_type3A_30 {strides = array<i32>} : memref<10000x256xbf16, #tpu.memory_space<vmem>>, vector<10000x128xbf16>,
    } else {
    }
    %get3A = arith.constant 0 : index
    %get3A_2 = arith.constant 0 : index
    %get3A_3 = arith.constant 0 : index
    %get3A_4 = arith.constant 0 : index
    %get3A_5 = vector.load %arg2[%get3A, %get3A_2, %get3A_3, %get3A_4] : memref<1x1x64x256xf32, #tpu.memory_space<vmem>>, vector<1x1x64x256xf32>
    %get3A_6 = vector.shape_cast %get3A_5 : vector<1x1x64x256xf32> to vector<64x256xf32>
    %convert_element_type3A_7 = arith.truncf %get3A_6 : vector<64x256xf32> to vector<64x256xbf16>
    %get3A_8 = arith.constant 0 : index
    %get3A_9 = arith.constant 0 : index
    %get3A_10 = vector.load %arg4[%get3A_8, %get3A_9] : memref<10000x256xbf16, #tpu.memory_space<vmem>>, vector<10000x256xbf16>
    %dot_general3A = arith.constant dense<0.000000e+00> : vector<64x10000xf32>
    %dot_general3A_11 = tpu.matmul %convert_element_type3A_7, %get3A_10, %dot_general3A {dimension_numbers = #tpu.dot_dimension_numbers<[1], [1], [0], [0], [0, 0, 1, 0], [], []>, transpose_lhs_hint = false} : vector<64x256xbf16>, vector<10000x256xbf16>, vector<64x10000xf32> -> vector<64x10000xf32>
    %swap3A = arith.constant 0 : index
    %swap3A_12 = arith.constant 0 : index
    %swap3A_13 = arith.constant 0 : index
    %swap3A_14 = arith.constant 0 : index
    %swap3A_15 = vector.load %arg3[%swap3A, %swap3A_12, %swap3A_13, %swap3A_14] : memref<1x1x64x10000xf32, #tpu.memory_space<vmem>>, vector<1x1x64x10000xf32>
    %swap3A_16 = vector.shape_cast %swap3A_15 : vector<1x1x64x10000xf32> to vector<64x10000xf32>
    %swap3A_17 = vector.shape_cast %dot_general3A_11 : vector<64x10000xf32> to vector<1x1x64x10000xf32>
    tpu.vector_store %arg3[%swap3A, %swap3A_12, %swap3A_13, %swap3A_14], %swap3A_17 {strides = array<i32>} : memref<1x1x64x10000xf32, #tpu.memory_space<vmem>>, vector<1x1x64x10000xf32>,
    return
  }
  func.func @transform_0(%arg0: i32) -> (i32, i32) {
    %c0_i32 = arith.constant 0 : i32
    %c0_i32_0 = arith.constant 0 : i32
    %c0_i32_1 = arith.constant 0 : i32
    return %c0_i32, %c0_i32_0 : i32, i32
  }
  func.func @transform_1(%arg0: i32) -> (i32, i32, i32, i32) {
    %c0_i32 = arith.constant 0 : i32
    %c0_i32_0 = arith.constant 0 : i32
    %c0_i32_1 = arith.constant 0 : i32
    %c0_i32_2 = arith.constant 0 : i32
    return %arg0, %c0_i32, %c0_i32_0, %c0_i32_1 : i32, i32, i32, i32
  }
  func.func @transform_2(%arg0: i32) -> (i32, i32, i32, i32) {
    %c0_i32 = arith.constant 0 : i32
    %c0_i32_0 = arith.constant 0 : i32
    %c0_i32_1 = arith.constant 0 : i32
    %c0_i32_2 = arith.constant 0 : i32
    return %arg0, %c0_i32, %c0_i32_0, %c0_i32_1 : i32, i32, i32, i32
  }
}

module attributes {stable_mosaic.version = 14 : i64} {
  func.func @_pack_body(%arg0: i32, %arg1: memref<2000x256xf32, #tpu.memory_space<vmem>>, %arg2: memref<2000x128xi32, #tpu.memory_space<vmem>>) attributes {dimension_semantics = [#tpu.dimension_semantics<arbitrary>], iteration_bounds = array<i64: 5>, scalar_prefetch = 0 : i64, scratch_operands = 0 : i64, tpu.core_type = #tpu.core_type<tc>, window_params = [{transform_indices = @transform_0, window_bounds = array<i64: 2000, 256>}, {transform_indices = @transform_1, window_bounds = array<i64: 2000, 128>}]} {
    %get3A = arith.constant 0 : index
    %get3A_0 = arith.constant 0 : index
    %get3A_1 = vector.load %arg1[%get3A, %get3A_0] : memref<2000x256xf32, #tpu.memory_space<vmem>>, vector<2000x256xf32>
    %bitcast_convert_type3A = tpu.bitcast %get3A_1 : vector<2000x256xf32> -> vector<2000x256xi32>
    %shift_right_logical3A = arith.constant 16 : i32
    %shift_right_logical3A_2 = vector.broadcast %shift_right_logical3A : i32 to vector<2000x256xi32>
    %shift_right_logical3A_3 = arith.shrui %bitcast_convert_type3A, %shift_right_logical3A_2 : vector<2000x256xi32>
    %and3A = arith.constant 1 : i32
    %and3A_4 = vector.broadcast %and3A : i32 to vector<2000x256xi32>
    %and3A_5 = arith.andi %shift_right_logical3A_3, %and3A_4 : vector<2000x256xi32>
    %add3A = arith.constant 32767 : i32
    %add3A_6 = vector.broadcast %add3A : i32 to vector<2000x256xi32>
    %add3A_7 = arith.addi %bitcast_convert_type3A, %add3A_6 : vector<2000x256xi32>
    %add3A_8 = arith.addi %add3A_7, %and3A_5 : vector<2000x256xi32>
    %shift_right_logical3A_9 = arith.constant 16 : i32
    %shift_right_logical3A_10 = vector.broadcast %shift_right_logical3A_9 : i32 to vector<2000x256xi32>
    %shift_right_logical3A_11 = arith.shrui %add3A_8, %shift_right_logical3A_10 : vector<2000x256xi32>
    %slice3A = vector.extract_strided_slice %shift_right_logical3A_11 {offsets = [0, 0], sizes = [2000, 128], strides = [1, 1]} : vector<2000x256xi32> to vector<2000x128xi32>
    %slice3A_12 = vector.extract_strided_slice %shift_right_logical3A_11 {offsets = [0, 128], sizes = [2000, 128], strides = [1, 1]} : vector<2000x256xi32> to vector<2000x128xi32>
    %shift_left3A = arith.constant 16 : i32
    %shift_left3A_13 = vector.broadcast %shift_left3A : i32 to vector<2000x128xi32>
    %shift_left3A_14 = arith.shli %slice3A_12, %shift_left3A_13 : vector<2000x128xi32>
    %or3A = arith.ori %slice3A, %shift_left3A_14 : vector<2000x128xi32>
    %bitcast_convert_type3A_15 = tpu.bitcast %or3A : vector<2000x128xi32> -> vector<2000x128xi32>
    %swap3A = arith.constant 0 : index
    %swap3A_16 = arith.constant 0 : index
    %swap3A_17 = vector.load %arg2[%swap3A, %swap3A_16] : memref<2000x128xi32, #tpu.memory_space<vmem>>, vector<2000x128xi32>
    tpu.vector_store %arg2[%swap3A, %swap3A_16], %bitcast_convert_type3A_15 {strides = array<i32>} : memref<2000x128xi32, #tpu.memory_space<vmem>>, vector<2000x128xi32>,
    return
  }
  func.func @transform_0(%arg0: i32) -> (i32, i32) {
    %c0_i32 = arith.constant 0 : i32
    %c0_i32_0 = arith.constant 0 : i32
    return %arg0, %c0_i32 : i32, i32
  }
  func.func @transform_1(%arg0: i32) -> (i32, i32) {
    %c0_i32 = arith.constant 0 : i32
    %c0_i32_0 = arith.constant 0 : i32
    return %arg0, %c0_i32 : i32, i32
  }
}

module attributes {stable_mosaic.version = 14 : i64} {
  func.func @_q_body(%arg0: i32, %arg1: memref<10000x256xf32, #tpu.memory_space<vmem>>, %arg2: memref<1x64x256xf32, #tpu.memory_space<vmem>>, %arg3: memref<1x64x10000xf32, #tpu.memory_space<vmem>>) attributes {dimension_semantics = [#tpu.dimension_semantics<arbitrary>], iteration_bounds = array<i64: 4>, scalar_prefetch = 0 : i64, scratch_operands = 0 : i64, tpu.core_type = #tpu.core_type<tc>, window_params = [{pipeline_mode = #tpu.pipeline_mode<synchronous>, transform_indices = @transform_0, window_bounds = array<i64: 10000, 256>}, {transform_indices = @transform_1, window_bounds = array<i64: 1, 64, 256>}, {transform_indices = @transform_2, window_bounds = array<i64: 1, 64, 10000>}]} {
    %get3A = arith.constant 0 : index
    %get3A_0 = arith.constant 0 : index
    %get3A_1 = arith.constant 0 : index
    %get3A_2 = vector.load %arg2[%get3A, %get3A_0, %get3A_1] : memref<1x64x256xf32, #tpu.memory_space<vmem>>, vector<1x64x256xf32>
    %get3A_3 = vector.shape_cast %get3A_2 : vector<1x64x256xf32> to vector<64x256xf32>
    %convert_element_type3A = arith.truncf %get3A_3 : vector<64x256xf32> to vector<64x256xbf16>
    %get3A_4 = arith.constant 0 : index
    %get3A_5 = arith.constant 0 : index
    %get3A_6 = vector.load %arg1[%get3A_4, %get3A_5] : memref<10000x256xf32, #tpu.memory_space<vmem>>, vector<10000x256xf32>
    %convert_element_type3A_7 = arith.truncf %get3A_6 : vector<10000x256xf32> to vector<10000x256xbf16>
    %dot_general3A = arith.constant dense<0.000000e+00> : vector<64x10000xf32>
    %dot_general3A_8 = tpu.matmul %convert_element_type3A, %convert_element_type3A_7, %dot_general3A {dimension_numbers = #tpu.dot_dimension_numbers<[1], [1], [0], [0], [0, 0, 1, 0], [], []>, transpose_lhs_hint = false} : vector<64x256xbf16>, vector<10000x256xbf16>, vector<64x10000xf32> -> vector<64x10000xf32>
    %swap3A = arith.constant 0 : index
    %swap3A_9 = arith.constant 0 : index
    %swap3A_10 = arith.constant 0 : index
    %swap3A_11 = vector.load %arg3[%swap3A, %swap3A_9, %swap3A_10] : memref<1x64x10000xf32, #tpu.memory_space<vmem>>, vector<1x64x10000xf32>
    %swap3A_12 = vector.shape_cast %swap3A_11 : vector<1x64x10000xf32> to vector<64x10000xf32>
    %swap3A_13 = vector.shape_cast %dot_general3A_8 : vector<64x10000xf32> to vector<1x64x10000xf32>
    tpu.vector_store %arg3[%swap3A, %swap3A_9, %swap3A_10], %swap3A_13 {strides = array<i32>} : memref<1x64x10000xf32, #tpu.memory_space<vmem>>, vector<1x64x10000xf32>,
    return
  }
  func.func @transform_0(%arg0: i32) -> (i32, i32) {
    %c0_i32 = arith.constant 0 : i32
    %c0_i32_0 = arith.constant 0 : i32
    %c0_i32_1 = arith.constant 0 : i32
    return %c0_i32, %c0_i32_0 : i32, i32
  }
  func.func @transform_1(%arg0: i32) -> (i32, i32, i32) {
    %c0_i32 = arith.constant 0 : i32
    %c0_i32_0 = arith.constant 0 : i32
    %c0_i32_1 = arith.constant 0 : i32
    return %arg0, %c0_i32, %c0_i32_0 : i32, i32, i32
  }
  func.func @transform_2(%arg0: i32) -> (i32, i32, i32) {
    %c0_i32 = arith.constant 0 : i32
    %c0_i32_0 = arith.constant 0 : i32
    %c0_i32_1 = arith.constant 0 : i32
    return %arg0, %c0_i32, %c0_i32_0 : i32, i32, i32
  }
}

module attributes {stable_mosaic.version = 14 : i64} {
  func.func @_k_body_acc(%arg0: i32, %arg1: memref<4x5x64x10000xf32, #tpu.memory_space<any>>, %arg2: memref<10000x128xi32, #tpu.memory_space<vmem>>, %arg3: memref<1x1x64x256xf32, #tpu.memory_space<vmem>>, %arg4: memref<1x1x64x10000xf32, #tpu.memory_space<vmem>>, %arg5: memref<10000x256xbf16, #tpu.memory_space<vmem>>) attributes {dimension_semantics = [#tpu.dimension_semantics<arbitrary>], iteration_bounds = array<i64: 4>, scalar_prefetch = 0 : i64, scratch_operands = 1 : i64, tpu.core_type = #tpu.core_type<tc>, window_params = [{}, {pipeline_mode = #tpu.pipeline_mode<synchronous>, transform_indices = @transform_1, window_bounds = array<i64: 10000, 128>}, {transform_indices = @transform_2, window_bounds = array<i64: 1, 1, 64, 256>}, {transform_indices = @transform_3, window_bounds = array<i64: 1, 1, 64, 10000>}]} {
    %eq3A = arith.constant 0 : i32
    %eq3A_0 = arith.cmpi eq, %arg0, %eq3A : i32
    %convert_element_type3A = arith.extui %eq3A_0 : i1 to i32
    %cond3A = arith.constant 0 : i32
    %cond3A_1 = arith.cmpi ne, %convert_element_type3A, %cond3A : i32
    scf.if %cond3A_1 {
      %get3A_18 = arith.constant 0 : index
      %get3A_19 = arith.constant 0 : index
      %get3A_20 = vector.load %arg2[%get3A_18, %get3A_19] : memref<10000x128xi32, #tpu.memory_space<vmem>>, vector<10000x128xi32>
      %shift_left3A = arith.constant 16 : i32
      %shift_left3A_21 = vector.broadcast %shift_left3A : i32 to vector<10000x128xi32>
      %shift_left3A_22 = arith.shli %get3A_20, %shift_left3A_21 : vector<10000x128xi32>
      %and3A = arith.constant -65536 : i32
      %and3A_23 = vector.broadcast %and3A : i32 to vector<10000x128xi32>
      %and3A_24 = arith.andi %get3A_20, %and3A_23 : vector<10000x128xi32>
      %bitcast_convert_type3A = tpu.bitcast %shift_left3A_22 : vector<10000x128xi32> -> vector<10000x128xf32>
      %convert_element_type3A_25 = arith.truncf %bitcast_convert_type3A : vector<10000x128xf32> to vector<10000x128xbf16>
      %swap3A_26 = arith.constant 0 : index
      %swap3A_27 = arith.constant 0 : index
      %swap3A_28 = vector.load %arg5[%swap3A_26, %swap3A_27] : memref<10000x256xbf16, #tpu.memory_space<vmem>>, vector<10000x128xbf16>
      tpu.vector_store %arg5[%swap3A_26, %swap3A_27], %convert_element_type3A_25 {strides = array<i32>} : memref<10000x256xbf16, #tpu.memory_space<vmem>>, vector<10000x128xbf16>,
      %bitcast_convert_type3A_29 = tpu.bitcast %and3A_24 : vector<10000x128xi32> -> vector<10000x128xf32>
      %convert_element_type3A_30 = arith.truncf %bitcast_convert_type3A_29 : vector<10000x128xf32> to vector<10000x128xbf16>
      %swap3A_31 = arith.constant 0 : index
      %swap3A_32 = arith.constant 128 : index
      %swap3A_33 = vector.load %arg5[%swap3A_31, %swap3A_32] : memref<10000x256xbf16, #tpu.memory_space<vmem>>, vector<10000x128xbf16>
      tpu.vector_store %arg5[%swap3A_31, %swap3A_32], %convert_element_type3A_30 {strides = array<i32>} : memref<10000x256xbf16, #tpu.memory_space<vmem>>, vector<10000x128xbf16>,
    } else {
    }
    %get3A = arith.constant 0 : index
    %get3A_2 = arith.constant 0 : index
    %get3A_3 = arith.constant 0 : index
    %get3A_4 = arith.constant 0 : index
    %get3A_5 = vector.load %arg3[%get3A, %get3A_2, %get3A_3, %get3A_4] : memref<1x1x64x256xf32, #tpu.memory_space<vmem>>, vector<1x1x64x256xf32>
    %get3A_6 = vector.shape_cast %get3A_5 : vector<1x1x64x256xf32> to vector<64x256xf32>
    %convert_element_type3A_7 = arith.truncf %get3A_6 : vector<64x256xf32> to vector<64x256xbf16>
    %get3A_8 = arith.constant 0 : index
    %get3A_9 = arith.constant 0 : index
    %get3A_10 = vector.load %arg5[%get3A_8, %get3A_9] : memref<10000x256xbf16, #tpu.memory_space<vmem>>, vector<10000x256xbf16>
    %dot_general3A = arith.constant dense<0.000000e+00> : vector<64x10000xf32>
    %dot_general3A_11 = tpu.matmul %convert_element_type3A_7, %get3A_10, %dot_general3A {dimension_numbers = #tpu.dot_dimension_numbers<[1], [1], [0], [0], [0, 0, 1, 0], [], []>, transpose_lhs_hint = false} : vector<64x256xbf16>, vector<10000x256xbf16>, vector<64x10000xf32> -> vector<64x10000xf32>
    %swap3A = arith.constant 0 : index
    %swap3A_12 = arith.constant 0 : index
    %swap3A_13 = arith.constant 0 : index
    %swap3A_14 = arith.constant 0 : index
    %swap3A_15 = vector.load %arg4[%swap3A, %swap3A_12, %swap3A_13, %swap3A_14] : memref<1x1x64x10000xf32, #tpu.memory_space<vmem>>, vector<1x1x64x10000xf32>
    %swap3A_16 = vector.shape_cast %swap3A_15 : vector<1x1x64x10000xf32> to vector<64x10000xf32>
    %swap3A_17 = vector.shape_cast %dot_general3A_11 : vector<64x10000xf32> to vector<1x1x64x10000xf32>
    tpu.vector_store %arg4[%swap3A, %swap3A_12, %swap3A_13, %swap3A_14], %swap3A_17 {strides = array<i32>} : memref<1x1x64x10000xf32, #tpu.memory_space<vmem>>, vector<1x1x64x10000xf32>,
    return
  }
  func.func @transform_1(%arg0: i32) -> (i32, i32) {
    %c0_i32 = arith.constant 0 : i32
    %c0_i32_0 = arith.constant 0 : i32
    %c0_i32_1 = arith.constant 0 : i32
    return %c0_i32, %c0_i32_0 : i32, i32
  }
  func.func @transform_2(%arg0: i32) -> (i32, i32, i32, i32) {
    %c1_i32 = arith.constant 1 : i32
    %c0_i32 = arith.constant 0 : i32
    %c0_i32_0 = arith.constant 0 : i32
    %c0_i32_1 = arith.constant 0 : i32
    return %arg0, %c1_i32, %c0_i32, %c0_i32_0 : i32, i32, i32, i32
  }
  func.func @transform_3(%arg0: i32) -> (i32, i32, i32, i32) {
    %c1_i32 = arith.constant 1 : i32
    %c0_i32 = arith.constant 0 : i32
    %c0_i32_0 = arith.constant 0 : i32
    %c0_i32_1 = arith.constant 0 : i32
    return %arg0, %c1_i32, %c0_i32, %c0_i32_0 : i32, i32, i32, i32
  }
}

module attributes {stable_mosaic.version = 14 : i64} {
  func.func @_k_body_acc(%arg0: i32, %arg1: memref<4x5x64x10000xf32, #tpu.memory_space<any>>, %arg2: memref<10000x128xi32, #tpu.memory_space<vmem>>, %arg3: memref<1x1x64x256xf32, #tpu.memory_space<vmem>>, %arg4: memref<1x1x64x10000xf32, #tpu.memory_space<vmem>>, %arg5: memref<10000x256xbf16, #tpu.memory_space<vmem>>) attributes {dimension_semantics = [#tpu.dimension_semantics<arbitrary>], iteration_bounds = array<i64: 4>, scalar_prefetch = 0 : i64, scratch_operands = 1 : i64, tpu.core_type = #tpu.core_type<tc>, window_params = [{}, {pipeline_mode = #tpu.pipeline_mode<synchronous>, transform_indices = @transform_1, window_bounds = array<i64: 10000, 128>}, {transform_indices = @transform_2, window_bounds = array<i64: 1, 1, 64, 256>}, {transform_indices = @transform_3, window_bounds = array<i64: 1, 1, 64, 10000>}]} {
    %eq3A = arith.constant 0 : i32
    %eq3A_0 = arith.cmpi eq, %arg0, %eq3A : i32
    %convert_element_type3A = arith.extui %eq3A_0 : i1 to i32
    %cond3A = arith.constant 0 : i32
    %cond3A_1 = arith.cmpi ne, %convert_element_type3A, %cond3A : i32
    scf.if %cond3A_1 {
      %get3A_18 = arith.constant 0 : index
      %get3A_19 = arith.constant 0 : index
      %get3A_20 = vector.load %arg2[%get3A_18, %get3A_19] : memref<10000x128xi32, #tpu.memory_space<vmem>>, vector<10000x128xi32>
      %shift_left3A = arith.constant 16 : i32
      %shift_left3A_21 = vector.broadcast %shift_left3A : i32 to vector<10000x128xi32>
      %shift_left3A_22 = arith.shli %get3A_20, %shift_left3A_21 : vector<10000x128xi32>
      %and3A = arith.constant -65536 : i32
      %and3A_23 = vector.broadcast %and3A : i32 to vector<10000x128xi32>
      %and3A_24 = arith.andi %get3A_20, %and3A_23 : vector<10000x128xi32>
      %bitcast_convert_type3A = tpu.bitcast %shift_left3A_22 : vector<10000x128xi32> -> vector<10000x128xf32>
      %convert_element_type3A_25 = arith.truncf %bitcast_convert_type3A : vector<10000x128xf32> to vector<10000x128xbf16>
      %swap3A_26 = arith.constant 0 : index
      %swap3A_27 = arith.constant 0 : index
      %swap3A_28 = vector.load %arg5[%swap3A_26, %swap3A_27] : memref<10000x256xbf16, #tpu.memory_space<vmem>>, vector<10000x128xbf16>
      tpu.vector_store %arg5[%swap3A_26, %swap3A_27], %convert_element_type3A_25 {strides = array<i32>} : memref<10000x256xbf16, #tpu.memory_space<vmem>>, vector<10000x128xbf16>,
      %bitcast_convert_type3A_29 = tpu.bitcast %and3A_24 : vector<10000x128xi32> -> vector<10000x128xf32>
      %convert_element_type3A_30 = arith.truncf %bitcast_convert_type3A_29 : vector<10000x128xf32> to vector<10000x128xbf16>
      %swap3A_31 = arith.constant 0 : index
      %swap3A_32 = arith.constant 128 : index
      %swap3A_33 = vector.load %arg5[%swap3A_31, %swap3A_32] : memref<10000x256xbf16, #tpu.memory_space<vmem>>, vector<10000x128xbf16>
      tpu.vector_store %arg5[%swap3A_31, %swap3A_32], %convert_element_type3A_30 {strides = array<i32>} : memref<10000x256xbf16, #tpu.memory_space<vmem>>, vector<10000x128xbf16>,
    } else {
    }
    %get3A = arith.constant 0 : index
    %get3A_2 = arith.constant 0 : index
    %get3A_3 = arith.constant 0 : index
    %get3A_4 = arith.constant 0 : index
    %get3A_5 = vector.load %arg3[%get3A, %get3A_2, %get3A_3, %get3A_4] : memref<1x1x64x256xf32, #tpu.memory_space<vmem>>, vector<1x1x64x256xf32>
    %get3A_6 = vector.shape_cast %get3A_5 : vector<1x1x64x256xf32> to vector<64x256xf32>
    %convert_element_type3A_7 = arith.truncf %get3A_6 : vector<64x256xf32> to vector<64x256xbf16>
    %get3A_8 = arith.constant 0 : index
    %get3A_9 = arith.constant 0 : index
    %get3A_10 = vector.load %arg5[%get3A_8, %get3A_9] : memref<10000x256xbf16, #tpu.memory_space<vmem>>, vector<10000x256xbf16>
    %dot_general3A = arith.constant dense<0.000000e+00> : vector<64x10000xf32>
    %dot_general3A_11 = tpu.matmul %convert_element_type3A_7, %get3A_10, %dot_general3A {dimension_numbers = #tpu.dot_dimension_numbers<[1], [1], [0], [0], [0, 0, 1, 0], [], []>, transpose_lhs_hint = false} : vector<64x256xbf16>, vector<10000x256xbf16>, vector<64x10000xf32> -> vector<64x10000xf32>
    %swap3A = arith.constant 0 : index
    %swap3A_12 = arith.constant 0 : index
    %swap3A_13 = arith.constant 0 : index
    %swap3A_14 = arith.constant 0 : index
    %swap3A_15 = vector.load %arg4[%swap3A, %swap3A_12, %swap3A_13, %swap3A_14] : memref<1x1x64x10000xf32, #tpu.memory_space<vmem>>, vector<1x1x64x10000xf32>
    %swap3A_16 = vector.shape_cast %swap3A_15 : vector<1x1x64x10000xf32> to vector<64x10000xf32>
    %swap3A_17 = vector.shape_cast %dot_general3A_11 : vector<64x10000xf32> to vector<1x1x64x10000xf32>
    tpu.vector_store %arg4[%swap3A, %swap3A_12, %swap3A_13, %swap3A_14], %swap3A_17 {strides = array<i32>} : memref<1x1x64x10000xf32, #tpu.memory_space<vmem>>, vector<1x1x64x10000xf32>,
    return
  }
  func.func @transform_1(%arg0: i32) -> (i32, i32) {
    %c0_i32 = arith.constant 0 : i32
    %c0_i32_0 = arith.constant 0 : i32
    %c0_i32_1 = arith.constant 0 : i32
    return %c0_i32, %c0_i32_0 : i32, i32
  }
  func.func @transform_2(%arg0: i32) -> (i32, i32, i32, i32) {
    %c2_i32 = arith.constant 2 : i32
    %c0_i32 = arith.constant 0 : i32
    %c0_i32_0 = arith.constant 0 : i32
    %c0_i32_1 = arith.constant 0 : i32
    return %arg0, %c2_i32, %c0_i32, %c0_i32_0 : i32, i32, i32, i32
  }
  func.func @transform_3(%arg0: i32) -> (i32, i32, i32, i32) {
    %c2_i32 = arith.constant 2 : i32
    %c0_i32 = arith.constant 0 : i32
    %c0_i32_0 = arith.constant 0 : i32
    %c0_i32_1 = arith.constant 0 : i32
    return %arg0, %c2_i32, %c0_i32, %c0_i32_0 : i32, i32, i32, i32
  }
}

module attributes {stable_mosaic.version = 14 : i64} {
  func.func @_k_body_acc(%arg0: i32, %arg1: memref<4x5x64x10000xf32, #tpu.memory_space<any>>, %arg2: memref<10000x128xi32, #tpu.memory_space<vmem>>, %arg3: memref<1x1x64x256xf32, #tpu.memory_space<vmem>>, %arg4: memref<1x1x64x10000xf32, #tpu.memory_space<vmem>>, %arg5: memref<10000x256xbf16, #tpu.memory_space<vmem>>) attributes {dimension_semantics = [#tpu.dimension_semantics<arbitrary>], iteration_bounds = array<i64: 4>, scalar_prefetch = 0 : i64, scratch_operands = 1 : i64, tpu.core_type = #tpu.core_type<tc>, window_params = [{}, {pipeline_mode = #tpu.pipeline_mode<synchronous>, transform_indices = @transform_1, window_bounds = array<i64: 10000, 128>}, {transform_indices = @transform_2, window_bounds = array<i64: 1, 1, 64, 256>}, {transform_indices = @transform_3, window_bounds = array<i64: 1, 1, 64, 10000>}]} {
    %eq3A = arith.constant 0 : i32
    %eq3A_0 = arith.cmpi eq, %arg0, %eq3A : i32
    %convert_element_type3A = arith.extui %eq3A_0 : i1 to i32
    %cond3A = arith.constant 0 : i32
    %cond3A_1 = arith.cmpi ne, %convert_element_type3A, %cond3A : i32
    scf.if %cond3A_1 {
      %get3A_18 = arith.constant 0 : index
      %get3A_19 = arith.constant 0 : index
      %get3A_20 = vector.load %arg2[%get3A_18, %get3A_19] : memref<10000x128xi32, #tpu.memory_space<vmem>>, vector<10000x128xi32>
      %shift_left3A = arith.constant 16 : i32
      %shift_left3A_21 = vector.broadcast %shift_left3A : i32 to vector<10000x128xi32>
      %shift_left3A_22 = arith.shli %get3A_20, %shift_left3A_21 : vector<10000x128xi32>
      %and3A = arith.constant -65536 : i32
      %and3A_23 = vector.broadcast %and3A : i32 to vector<10000x128xi32>
      %and3A_24 = arith.andi %get3A_20, %and3A_23 : vector<10000x128xi32>
      %bitcast_convert_type3A = tpu.bitcast %shift_left3A_22 : vector<10000x128xi32> -> vector<10000x128xf32>
      %convert_element_type3A_25 = arith.truncf %bitcast_convert_type3A : vector<10000x128xf32> to vector<10000x128xbf16>
      %swap3A_26 = arith.constant 0 : index
      %swap3A_27 = arith.constant 0 : index
      %swap3A_28 = vector.load %arg5[%swap3A_26, %swap3A_27] : memref<10000x256xbf16, #tpu.memory_space<vmem>>, vector<10000x128xbf16>
      tpu.vector_store %arg5[%swap3A_26, %swap3A_27], %convert_element_type3A_25 {strides = array<i32>} : memref<10000x256xbf16, #tpu.memory_space<vmem>>, vector<10000x128xbf16>,
      %bitcast_convert_type3A_29 = tpu.bitcast %and3A_24 : vector<10000x128xi32> -> vector<10000x128xf32>
      %convert_element_type3A_30 = arith.truncf %bitcast_convert_type3A_29 : vector<10000x128xf32> to vector<10000x128xbf16>
      %swap3A_31 = arith.constant 0 : index
      %swap3A_32 = arith.constant 128 : index
      %swap3A_33 = vector.load %arg5[%swap3A_31, %swap3A_32] : memref<10000x256xbf16, #tpu.memory_space<vmem>>, vector<10000x128xbf16>
      tpu.vector_store %arg5[%swap3A_31, %swap3A_32], %convert_element_type3A_30 {strides = array<i32>} : memref<10000x256xbf16, #tpu.memory_space<vmem>>, vector<10000x128xbf16>,
    } else {
    }
    %get3A = arith.constant 0 : index
    %get3A_2 = arith.constant 0 : index
    %get3A_3 = arith.constant 0 : index
    %get3A_4 = arith.constant 0 : index
    %get3A_5 = vector.load %arg3[%get3A, %get3A_2, %get3A_3, %get3A_4] : memref<1x1x64x256xf32, #tpu.memory_space<vmem>>, vector<1x1x64x256xf32>
    %get3A_6 = vector.shape_cast %get3A_5 : vector<1x1x64x256xf32> to vector<64x256xf32>
    %convert_element_type3A_7 = arith.truncf %get3A_6 : vector<64x256xf32> to vector<64x256xbf16>
    %get3A_8 = arith.constant 0 : index
    %get3A_9 = arith.constant 0 : index
    %get3A_10 = vector.load %arg5[%get3A_8, %get3A_9] : memref<10000x256xbf16, #tpu.memory_space<vmem>>, vector<10000x256xbf16>
    %dot_general3A = arith.constant dense<0.000000e+00> : vector<64x10000xf32>
    %dot_general3A_11 = tpu.matmul %convert_element_type3A_7, %get3A_10, %dot_general3A {dimension_numbers = #tpu.dot_dimension_numbers<[1], [1], [0], [0], [0, 0, 1, 0], [], []>, transpose_lhs_hint = false} : vector<64x256xbf16>, vector<10000x256xbf16>, vector<64x10000xf32> -> vector<64x10000xf32>
    %swap3A = arith.constant 0 : index
    %swap3A_12 = arith.constant 0 : index
    %swap3A_13 = arith.constant 0 : index
    %swap3A_14 = arith.constant 0 : index
    %swap3A_15 = vector.load %arg4[%swap3A, %swap3A_12, %swap3A_13, %swap3A_14] : memref<1x1x64x10000xf32, #tpu.memory_space<vmem>>, vector<1x1x64x10000xf32>
    %swap3A_16 = vector.shape_cast %swap3A_15 : vector<1x1x64x10000xf32> to vector<64x10000xf32>
    %swap3A_17 = vector.shape_cast %dot_general3A_11 : vector<64x10000xf32> to vector<1x1x64x10000xf32>
    tpu.vector_store %arg4[%swap3A, %swap3A_12, %swap3A_13, %swap3A_14], %swap3A_17 {strides = array<i32>} : memref<1x1x64x10000xf32, #tpu.memory_space<vmem>>, vector<1x1x64x10000xf32>,
    return
  }
  func.func @transform_1(%arg0: i32) -> (i32, i32) {
    %c0_i32 = arith.constant 0 : i32
    %c0_i32_0 = arith.constant 0 : i32
    %c0_i32_1 = arith.constant 0 : i32
    return %c0_i32, %c0_i32_0 : i32, i32
  }
  func.func @transform_2(%arg0: i32) -> (i32, i32, i32, i32) {
    %c3_i32 = arith.constant 3 : i32
    %c0_i32 = arith.constant 0 : i32
    %c0_i32_0 = arith.constant 0 : i32
    %c0_i32_1 = arith.constant 0 : i32
    return %arg0, %c3_i32, %c0_i32, %c0_i32_0 : i32, i32, i32, i32
  }
  func.func @transform_3(%arg0: i32) -> (i32, i32, i32, i32) {
    %c3_i32 = arith.constant 3 : i32
    %c0_i32 = arith.constant 0 : i32
    %c0_i32_0 = arith.constant 0 : i32
    %c0_i32_1 = arith.constant 0 : i32
    return %arg0, %c3_i32, %c0_i32, %c0_i32_0 : i32, i32, i32, i32
  }
}

module attributes {stable_mosaic.version = 14 : i64} {
  func.func @_k_body_acc(%arg0: i32, %arg1: memref<4x5x64x10000xf32, #tpu.memory_space<any>>, %arg2: memref<10000x128xi32, #tpu.memory_space<vmem>>, %arg3: memref<1x1x64x256xf32, #tpu.memory_space<vmem>>, %arg4: memref<1x1x64x10000xf32, #tpu.memory_space<vmem>>, %arg5: memref<10000x256xbf16, #tpu.memory_space<vmem>>) attributes {dimension_semantics = [#tpu.dimension_semantics<arbitrary>], iteration_bounds = array<i64: 4>, scalar_prefetch = 0 : i64, scratch_operands = 1 : i64, tpu.core_type = #tpu.core_type<tc>, window_params = [{}, {pipeline_mode = #tpu.pipeline_mode<synchronous>, transform_indices = @transform_1, window_bounds = array<i64: 10000, 128>}, {transform_indices = @transform_2, window_bounds = array<i64: 1, 1, 64, 256>}, {transform_indices = @transform_3, window_bounds = array<i64: 1, 1, 64, 10000>}]} {
    %eq3A = arith.constant 0 : i32
    %eq3A_0 = arith.cmpi eq, %arg0, %eq3A : i32
    %convert_element_type3A = arith.extui %eq3A_0 : i1 to i32
    %cond3A = arith.constant 0 : i32
    %cond3A_1 = arith.cmpi ne, %convert_element_type3A, %cond3A : i32
    scf.if %cond3A_1 {
      %get3A_18 = arith.constant 0 : index
      %get3A_19 = arith.constant 0 : index
      %get3A_20 = vector.load %arg2[%get3A_18, %get3A_19] : memref<10000x128xi32, #tpu.memory_space<vmem>>, vector<10000x128xi32>
      %shift_left3A = arith.constant 16 : i32
      %shift_left3A_21 = vector.broadcast %shift_left3A : i32 to vector<10000x128xi32>
      %shift_left3A_22 = arith.shli %get3A_20, %shift_left3A_21 : vector<10000x128xi32>
      %and3A = arith.constant -65536 : i32
      %and3A_23 = vector.broadcast %and3A : i32 to vector<10000x128xi32>
      %and3A_24 = arith.andi %get3A_20, %and3A_23 : vector<10000x128xi32>
      %bitcast_convert_type3A = tpu.bitcast %shift_left3A_22 : vector<10000x128xi32> -> vector<10000x128xf32>
      %convert_element_type3A_25 = arith.truncf %bitcast_convert_type3A : vector<10000x128xf32> to vector<10000x128xbf16>
      %swap3A_26 = arith.constant 0 : index
      %swap3A_27 = arith.constant 0 : index
      %swap3A_28 = vector.load %arg5[%swap3A_26, %swap3A_27] : memref<10000x256xbf16, #tpu.memory_space<vmem>>, vector<10000x128xbf16>
      tpu.vector_store %arg5[%swap3A_26, %swap3A_27], %convert_element_type3A_25 {strides = array<i32>} : memref<10000x256xbf16, #tpu.memory_space<vmem>>, vector<10000x128xbf16>,
      %bitcast_convert_type3A_29 = tpu.bitcast %and3A_24 : vector<10000x128xi32> -> vector<10000x128xf32>
      %convert_element_type3A_30 = arith.truncf %bitcast_convert_type3A_29 : vector<10000x128xf32> to vector<10000x128xbf16>
      %swap3A_31 = arith.constant 0 : index
      %swap3A_32 = arith.constant 128 : index
      %swap3A_33 = vector.load %arg5[%swap3A_31, %swap3A_32] : memref<10000x256xbf16, #tpu.memory_space<vmem>>, vector<10000x128xbf16>
      tpu.vector_store %arg5[%swap3A_31, %swap3A_32], %convert_element_type3A_30 {strides = array<i32>} : memref<10000x256xbf16, #tpu.memory_space<vmem>>, vector<10000x128xbf16>,
    } else {
    }
    %get3A = arith.constant 0 : index
    %get3A_2 = arith.constant 0 : index
    %get3A_3 = arith.constant 0 : index
    %get3A_4 = arith.constant 0 : index
    %get3A_5 = vector.load %arg3[%get3A, %get3A_2, %get3A_3, %get3A_4] : memref<1x1x64x256xf32, #tpu.memory_space<vmem>>, vector<1x1x64x256xf32>
    %get3A_6 = vector.shape_cast %get3A_5 : vector<1x1x64x256xf32> to vector<64x256xf32>
    %convert_element_type3A_7 = arith.truncf %get3A_6 : vector<64x256xf32> to vector<64x256xbf16>
    %get3A_8 = arith.constant 0 : index
    %get3A_9 = arith.constant 0 : index
    %get3A_10 = vector.load %arg5[%get3A_8, %get3A_9] : memref<10000x256xbf16, #tpu.memory_space<vmem>>, vector<10000x256xbf16>
    %dot_general3A = arith.constant dense<0.000000e+00> : vector<64x10000xf32>
    %dot_general3A_11 = tpu.matmul %convert_element_type3A_7, %get3A_10, %dot_general3A {dimension_numbers = #tpu.dot_dimension_numbers<[1], [1], [0], [0], [0, 0, 1, 0], [], []>, transpose_lhs_hint = false} : vector<64x256xbf16>, vector<10000x256xbf16>, vector<64x10000xf32> -> vector<64x10000xf32>
    %swap3A = arith.constant 0 : index
    %swap3A_12 = arith.constant 0 : index
    %swap3A_13 = arith.constant 0 : index
    %swap3A_14 = arith.constant 0 : index
    %swap3A_15 = vector.load %arg4[%swap3A, %swap3A_12, %swap3A_13, %swap3A_14] : memref<1x1x64x10000xf32, #tpu.memory_space<vmem>>, vector<1x1x64x10000xf32>
    %swap3A_16 = vector.shape_cast %swap3A_15 : vector<1x1x64x10000xf32> to vector<64x10000xf32>
    %swap3A_17 = vector.shape_cast %dot_general3A_11 : vector<64x10000xf32> to vector<1x1x64x10000xf32>
    tpu.vector_store %arg4[%swap3A, %swap3A_12, %swap3A_13, %swap3A_14], %swap3A_17 {strides = array<i32>} : memref<1x1x64x10000xf32, #tpu.memory_space<vmem>>, vector<1x1x64x10000xf32>,
    return
  }
  func.func @transform_1(%arg0: i32) -> (i32, i32) {
    %c0_i32 = arith.constant 0 : i32
    %c0_i32_0 = arith.constant 0 : i32
    %c0_i32_1 = arith.constant 0 : i32
    return %c0_i32, %c0_i32_0 : i32, i32
  }
  func.func @transform_2(%arg0: i32) -> (i32, i32, i32, i32) {
    %c4_i32 = arith.constant 4 : i32
    %c0_i32 = arith.constant 0 : i32
    %c0_i32_0 = arith.constant 0 : i32
    %c0_i32_1 = arith.constant 0 : i32
    return %arg0, %c4_i32, %c0_i32, %c0_i32_0 : i32, i32, i32, i32
  }
  func.func @transform_3(%arg0: i32) -> (i32, i32, i32, i32) {
    %c4_i32 = arith.constant 4 : i32
    %c0_i32 = arith.constant 0 : i32
    %c0_i32_0 = arith.constant 0 : i32
    %c0_i32_1 = arith.constant 0 : i32
    return %arg0, %c4_i32, %c0_i32, %c0_i32_0 : i32, i32, i32, i32
  }
}

</mosaic_0001>

<sc_bundles>
// kernel: kernel.14.cloned.1.call-start
scs
__scs_entry_jumppad:
0x0: {  	(pc) =	sbr.rel $0x88, $3  }
0x1: {  	(tag) =	ssettag $0x0;
	lr =	simm.s32 $0x1  }
0x2: {  	[smem:$0x3F9D] =	sst lr;
	_ =	strace $0xD0000000  }
0x3: {  	_ = 	snop  }
0x4: {  	_ = 	snop  }
0x5: {  	_ = 	snop  }
0x6: {  	_ = 	snop  }
0x7: {  	_ = 	snop  }
__scs_overlays_trampoline_lowered:
0x8: {  	[smem:$0x3FAC] =	sst s0  }
0x9: {  	[smem:$0x3FAD] =	sst s1  }
0xa: {  	[smem:$0x3FAE] =	sst s2  }
0xb: {  	[smem:$0x3FAF] =	sst s3  }
0xc: {  	[smem:$0x3FB0] =	sst s4  }
0xd: {  	[smem:$0x3FB1] =	sst s5  }
0xe: {  	[smem:$0x3FB2] =	sst s6  }
0xf: {  	[smem:$0x3FB3] =	sst s7  }
0x10: {  	[smem:$0x3FB4] =	sst s8  }
0x11: {  	[smem:$0x3FB5] =	sst s9;
	s0 =	simm.s32 @!p0 $0x0  }
0x12: {  	s1 =	sld [smem:$0x3F9B];
	s0 =	simm.s32 @p0 $0x1  }
0x13: {  	[smem:$0x3FB6] =	sst s0;
	s0 =	simm.s32 @!p1 $0x0  }
0x14: {  	s2 =	sld [smem:$0x3F9A];
	s0 =	simm.s32 @p1 $0x1  }
0x15: {  	[smem:$0x3FB7] =	sst s0;
	s0 =	simm.s32 @!p2 $0x0  }
0x16: {  	s3 =	sld [smem:$0x3FDB];
	s0 =	simm.s32 @p2 $0x1  }
0x17: {  	s4 =	simm.s32 $0x1BF5;
	[smem:$0x3FB9] =	sst s0  }
0x18: {  	s0 =	sld [smem:$0x3F9C];
	_ =	swait.ge [sflag:s4], $0x0  }
0x19: {  	s7 =	sld [smem:$0x3F9D]  }
0x1a: {  	s8 =	sadd.s32 $0xFFFFE003, lr  }
0x1b: {  	s9 =	sadd.s32 $0xFFFFFEF7, lr;
	s5 =	simm.s32 $0xFFFFFFFF;
	p2 =	slt.u32 s8, $0xFFFFF086  }
0x1c: {  	p1 =	slt.u32 s9, $0xF7A;
	s5 =	simm.s32 @!p2 $0x0  }
0x1d: {  	s5 =	simm.s32 @p1 $0x1;
	p0 =	seq.s32 s7, s2  }
0x1e: {  	s7 =	smul.u32 @!p0 $0xF7A, s2;
	p2 =	seq.s32 @!p0 s5, $0x0  }
0x1f: {  	s9 =	smul.u32 $0xF7A, s1;
	s8 =	simm.s32 @!p0 $0x1BF5;
	p2 =	por !p2, p0  }
0x20: {  	[sflag:s8] =	ssyncset.s32 @!p0 $0xFFFFF086;
	s6 =	sadd.s32 @!p0 s3, s7;
	s7 =	simm.s32 @!p0 $0x108  }
0x21: {  	s3 =	sadd.s32 s3, s9;
	s6 =	sadd.s32 @!p0 $0x88, s6;
	s7 =	simm.s32 @p2 $0x1082  }
0x22: {  	[simem:s7], [sflag:s8] =	dma.local @!p0 [hbm:s6], $0xF7A  }
0x23: {  	s9 =	sor.u32 $0xD0000000, s2;
	s6 =	simm.s32 $0x108;
	_ =	swait.ge @!p0 [sflag:s8], $0x0  }
0x24: {  	s3 =	sadd.s32 $0x88, s3;
	s6 =	simm.s32 @!p1 $0x1082;
	[sflag:s4] =	ssyncset.s32 $0xFFFFF086  }
0x25: {  	[simem:s6], [sflag:s4] =	dma.local [hbm:s3], $0xF7A  }
0x26: {  	[smem:$0x3F9D] =	sst s1;
	(tag) =	ssettag s2;
	_ =	strace s9  }
0x27: {  	s1 =	sld [smem:$0x3FAD]  }
0x28: {  	s2 =	sld [smem:$0x3FAE]  }
0x29: {  	s4 =	sld [smem:$0x3FB0]  }
0x2a: {  	p0 =	seq.s32 s5, $0x0;
	s5 =	sld [smem:$0x3FB1]  }
0x2b: {  	s6 =	sld [smem:$0x3FB2]  }
0x2c: {  	s7 =	sld [smem:$0x3FB3]  }
0x2d: {  	s3 =	simm.s32 $0x108;
	s8 =	sld [smem:$0x3FB4]  }
0x2e: {  	s3 =	simm.s32 @!p0 $0x1082;
	s9 =	sld [smem:$0x3FB5]  }
0x2f: {  	lr =	sadd.s32 s0, s3;
	s0 =	sld [smem:$0x3FAC]  }
0x30: {  	s3 =	sld [smem:$0x3FAF]  }
0x31: {  	[smem:$0x3FB8] =	sst s10  }
0x32: {  	s10 =	sld [smem:$0x3FB6];
	_ =	sdelay $0x3  }
0x33: {  	p0 =	seq.s32 s10, $0x1;
	s10 =	sld [smem:$0x3FB8];
	_ =	sdelay $0x3  }
0x34: {  	[smem:$0x3FB8] =	sst s10  }
0x35: {  	s10 =	sld [smem:$0x3FB7];
	_ =	sdelay $0x3  }
0x36: {  	p1 =	seq.s32 s10, $0x1;
	s10 =	sld [smem:$0x3FB8];
	_ =	sdelay $0x3  }
0x37: {  	[smem:$0x3FB8] =	sst s10  }
0x38: {  	s10 =	sld [smem:$0x3FB9]  }
0x39: {  	_ = 	snop;
	(pc) =	sbr.ind lr, $3  }
0x3a: {  	_ = 	snop  }
0x3b: {  	_ = 	snop  }
0x3c: {  	p2 =	seq.s32 s10, $0x1;
	s10 =	sld [smem:$0x3FB8]  }
0x3d: {  	_ =	shalt  }
0x3e: {  	_ =	shalt  }
0x3f: {  	_ =	shalt  }
0x40: {  	_ =	shalt  }
0x41: {  	_ =	shalt  }
0x42: {  	_ =	shalt  }
0x43: {  	_ =	shalt  }
0x44: {  	_ =	shalt  }
0x45: {  	_ =	shalt  }
0x46: {  	_ =	shalt  }
0x47: {  	_ =	shalt  }
0x48: {  	_ =	shalt  }
0x49: {  	_ =	shalt  }
0x4a: {  	_ =	shalt  }
0x4b: {  	_ =	shalt  }
0x4c: {  	_ =	shalt  }
0x4d: {  	_ =	shalt  }
0x4e: {  	_ =	shalt  }
0x4f: {  	_ =	shalt  }
0x50: {  	_ =	shalt  }
0x51: {  	_ =	shalt  }
0x52: {  	_ =	shalt  }
0x53: {  	_ =	shalt  }
0x54: {  	_ =	shalt  }
0x55: {  	_ =	shalt  }
0x56: {  	_ =	shalt  }
0x57: {  	_ =	shalt  }
0x58: {  	_ =	shalt  }
0x59: {  	_ =	shalt  }
0x5a: {  	_ =	shalt  }
0x5b: {  	_ =	shalt  }
0x5c: {  	_ =	shalt  }
0x5d: {  	_ =	shalt  }
0x5e: {  	_ =	shalt  }
0x5f: {  	_ =	shalt  }
0x60: {  	_ =	shalt  }
0x61: {  	_ =	shalt  }
0x62: {  	_ =	shalt  }
0x63: {  	_ =	shalt  }
0x64: {  	_ =	shalt  }
0x65: {  	_ =	shalt  }
0x66: {  	_ =	shalt  }
0x67: {  	_ =	shalt  }
0x68: {  	_ =	shalt  }
0x69: {  	_ =	shalt  }
0x6a: {  	_ =	shalt  }
0x6b: {  	_ =	shalt  }
0x6c: {  	_ =	shalt  }
0x6d: {  	_ =	shalt  }
0x6e: {  	_ =	shalt  }
0x6f: {  	_ =	shalt  }
0x70: {  	_ =	shalt  }
0x71: {  	_ =	shalt  }
0x72: {  	_ =	shalt  }
0x73: {  	_ =	shalt  }
0x74: {  	_ =	shalt  }
0x75: {  	_ =	shalt  }
0x76: {  	_ =	shalt  }
0x77: {  	_ =	shalt  }
0x78: {  	_ =	shalt  }
0x79: {  	_ =	shalt  }
0x7a: {  	_ =	shalt  }
0x7b: {  	_ =	shalt  }
0x7c: {  	_ =	shalt  }
0x7d: {  	_ =	shalt  }
0x7e: {  	_ =	shalt  }
0x7f: {  	_ =	shalt  }
0x80: {  	_ =	shalt  }
0x81: {  	_ =	shalt  }
0x82: {  	_ =	shalt  }
0x83: {  	_ =	shalt  }
0x84: {  	_ =	shalt  }
0x85: {  	_ =	shalt  }
0x86: {  	_ =	shalt  }
0x87: {  	_ =	shalt  }
.Lfunc_end0:
.L_simem_size_0:
called_computation_lowered:
.L_overlay_start_0:
0x88: {  	s2 =	sld [smem:$0x3FD9]  }
0x89: {  	s3 =	sld [smem:$0x3FFE];
	_ =	sdelay $0x1  }
0x8a: {  	s1 =	srdreg.scid  }
0x8b: {  	s0 =	sand.u32 $0x1, s1  }
0x8c: {  	s14 =	sshll.u32 s0, $0xA;
	s2 =	sadd.s32 s3, s2  }
0x8d: {  	s2 =	sadd.s32 s2, s14  }
0x8e: {  	[smem:$0x3FC4] =	sst s2  }
0x8f: {  	_ = 	snop  }
0x90: {  	s2 =	sld [smem:$0x3FD0];
	_ =	sdelay $0x2  }
0x91: {  	s15 =	simm.s32 $0xE;
	s4 =	simm.s32 $0x10  }
0x92: {  	[smem:s4], [sflag:s15] =	dma.local [hbm:s2], $0x1  }
0x93: {  	_ =	swait.eq [sflag:s15], $0x1  }
0x94: {  	[sflag:s15] =	ssyncset.done $0x0  }
0x95: {  	[sflag:s15] =	ssyncadd.s32 $0xFFFFFFFF  }
0x96: {  	s16 =	sld [smem:$0x11];
	(tm) =	ssettm $0x1  }
0x97: {  	s17 =	sld [smem:$0x3FFB];
	_ =	sdelay $0x3  }
0x98: {  	_ =	strace s17  }
0x99: {  	s3 =	sld [smem:$0x3FFC];
	_ =	sdelay $0x3  }
0x9a: {  	_ =	strace s3  }
0x9b: {  	s3 =	sld [smem:$0x3FFD];
	_ =	sdelay $0x3  }
0x9c: {  	_ =	strace s3  }
0x9d: {  	_ =	strace $0x8FFFFFFF  }
0x9e: {  	s18 =	sld [smem:$0x3FDB];
	_ =	sdelay $0x1  }
0x9f: {  	s19 =	simm.s32 $_scs_section_size  }
0xa0: {  	s5 =	simm.s32 $_size__tile_overlayer_lowered;
	s6 =	simm.s32 $_tile_overlayer_lowered  }
0xa1: {  	s22 =	simm.s32 $0x1BFF;
	s21 =	sshll.u32 s6, $0x1;
	s3 =	sadd.s32 s19, s18  }
0xa2: {  	s7 =	simm.s32 $0x0;
	s20 =	sshll.u32 s5, $0x1;
	s5 =	sadd.s32 s21, s3  }
0xa3: {  	[timem:s7], [sflag:s22] =	dma.local [hbm:s5], s20  }
0xa4: {  	_ =	swait.ge [sflag:s22], s20  }
0xa5: {  	s4 =	ssub.s32 $0x0, s20;
	[sflag:s22] =	ssyncset.done $0x0  }
0xa6: {  	[sflag:s22] =	ssyncadd.s32 s4;
	_ =	sdelay $0x1  }
0xa7: {  	s23 =	simm.s32 $0x1B8B  }
0xa8: {  	_ =	swait.ge [sflag:s23], $0x1  }
0xa9: {  	[sflag:s23] =	ssyncset.done $0x0  }
0xaa: {  	s25 =	simm.s32 $0x1B8E;
	s24 =	sld [smem:$0x3FFE];
	[sflag:s23] =	ssyncadd.s32 $0xFFFFFFFF  }
0xab: {  	s26 =	simm.s32 $execute0_lowered;
	[smem:$0x3FD2] =	sst s25  }
0xac: {  	s5 =	sshll.u32 s26, $0x1;
	_ =	strace $0x80000046;
	[dreg:$0x1] =	wrdreg $0xFFFFFFFF  }
0xad: {  	s28 =	simm.s32 $_size_execute0_lowered;
	s3 =	sadd.s32 s3, s5;
	[dreg:$0x0] =	wrdreg $0x0  }
0xae: {  	s5 =	sshll.u32 s28, $0x1;
	[dreg:$0x2] =	wrdreg s3  }
0xaf: {  	[dreg:$0x3] =	wrdreg s5  }
0xb0: {  	[dreg:$0x4] =	wrdreg $0xC0  }
0xb1: {  	_ =	task [dreg:s7], $0x5FFFF  }
0xb2: {  	[dreg:$0x1] =	wrdreg $0xFFFFFFFF  }
0xb3: {  	[dreg:$0x0] =	wrdreg $0x60  }
0xb4: {  	[dreg:$0x2] =	wrdreg s24  }
0xb5: {  	[dreg:$0x3] =	wrdreg s16  }
0xb6: {  	[dreg:$0x4] =	wrdreg $0x9  }
0xb7: {  	_ =	task.clear_ibuf [dreg:s7], $0x5FFFF;
	_ =	strace $0x90000046  }
0xb8: {  	s29 =	simm.s32 $0x9;
	_ =	strace $0x80000048  }
0xb9: {  	_ =	swait.ge [sflag:s29], $0x1  }
0xba: {  	[sflag:s29] =	ssyncadd.s32 $0xFFFFFFFF  }
0xbb: {  	_ =	strace $0x90000048  }
0xbc: {  	_ =	sfence  }
0xbd: {  	s30 =	sld [smem:$0x0];
	_ =	sdelay $0x2  }
0xbe: {  	s31 =	sshll.u32 s1, $0xD;
	s1 =	sshrl.u32 s1, $0x2  }
0xbf: {  	s3 =	sand.u32 $0x4000, s31;
	s1 =	sadd.s32 s1, s30  }
0xc0: {  	s0 =	sor.u32 s3, s0;
	s1 =	sshll.u32 s1, $0x11  }
0xc1: {  	s0 =	sor.u32 s1, s0  }
0xc2: {  	s0 =	sadd.s32 $0x8F2B, s0  }
0xc3: {  	[sflag:s0] =	ssyncadd.remote.s32 $0x1  }
0xc4: {  	_ =	sfence.sel $0xFFFF  }
0xc5: {  	[dreg:$0x0] =	wrdreg $0xFFFFFFFF;
	(pc) =	sbr.abs _section_cstart, $3  }
0xc6: {  	[dreg:$0x1] =	wrdreg $0xFFFFFFFF  }
0xc7: {  	_ =	task.clear_ibuf [dreg:s7], $0x2FFFF;
	_ =	strace $0x9FFFFFFF  }
0xc8: {  	(tm) =	ssettm $0x7FFFFFFF  }
0xc9: {  	_ =	shalt  }
tec
execute0_lowered:
.L_overlay_start_1:
0x0: {  	(tag) =	ssettag $0x1  }
0x1: {  	s1 =	srdreg.scid;
	s0 =	stileid.u32  }
0x2: {  	s22 =	sand.u32 $0x1, s1;
	s31 =	sshll.u32 s0, $0x1  }
0x3: {  	s10 =	sor.u32 s22, s31  }
0x4: {  	s5 =	rddreg [dreg:$0x0];
	s3 =	smul.u32 $0x28, s10  }
0x5: {  	s9 =	rddreg [dreg:$0x1];
	s2 =	simm.s32 $0x0  }
0x6: {  	s4 =	simm.s32 $0x5;
	[smem:$0x7FF] =	sst s2;
	s3 =	sadd.s32 s3, s5  }
0x7: {  	s1 =	rddreg [dreg:$0x2];
	_ =	strace $0x80000047;
	s3 =	sadd.s32 $0x2A800, s3  }
0x8: {  	[tilespmem:s2], [sflag:$0x5] =	stream.linear.gather [hbm4b:s3+s2], $0x140, $0x38;
	[tilespmem:$0x5180] =	vst v63  }
0x9: {  	_ =	swait.ge [sflag:s4], $0x140  }
0xa: {  	s6 =	simm.s32 $0x50;
	s7 =	simm.s32 $0x180;
	[sflag:s4] =	ssyncset.done $0x0  }
0xb: {  	s8 =	simm.s32 $0x1;
	s5 =	sadd.s32 $0x3600, s5;
	[sflag:s4] =	ssyncadd.s32 $0xFFFFFEC0  }
0xc: {  	[tilespmem:s7], [sflag:$0x1] =	stream.indirect.gather [hbm4b:s5+s6], $0x80, s2, s6, $0xb8;
	[tilespmem:$0x5180] =	vst v63  }
0xd: {  	s11 =	smul.u32 $0x1400, s10;
	_ =	swait.ge [sflag:s8], $0x2800  }
0xe: {  	[sflag:s8] =	ssyncset.done $0x0  }
0xf: {  	p0 =	seq.s32 s10, $0x1F;
	s9 =	sadd.s32 s9, s11;
	[sflag:s8] =	ssyncadd.s32 $0xFFFFD800  }
0x10: {  	[hbm4b:s9+s2] =	stream.linear.scatter [tilespmem:s7], [sflag:$0x3], $0x2800, $0x38;
	[tilespmem:$0x5180] =	vst v63  }
0x11: {  	s10 =	simm.s32 @!p0 $0x50;
	s12 =	simm.s32 @!p0 $0x2;
	s11 =	simm.s32 @!p0 $0x2980  }
0x12: {  	[tilespmem:s11], [sflag:$0x2] =	stream.indirect.gather @!p0 [hbm4b:s5+s10], $0x80, s10, s10, $0xb8;
	[tilespmem:$0x5180] =	vst v63  }
0x13: {  	_ =	swait.ge @!p0 [sflag:s12], $0x2800  }
0x14: {  	s14 =	simm.s32 @!p0 $0x0;
	[sflag:s12] =	ssyncset.done @!p0 $0x0  }
0x15: {  	s15 =	simm.s32 @!p0 $0x3;
	s13 =	sadd.s32 $0x500, s9;
	[sflag:s12] =	ssyncadd.s32 @!p0 $0xFFFFD800  }
0x16: {  	[hbm4b:s13+s14] =	stream.linear.scatter @!p0 [tilespmem:s11], [sflag:$0x4], $0x2800, $0x38;
	[tilespmem:$0x5180] =	vst v63  }
0x17: {  	_ =	swait.ge @!p0 [sflag:s15], $0x2800  }
0x18: {  	s16 =	simm.s32 @!p0 $0x1;
	[sflag:s15] =	ssyncset.done @!p0 $0x0  }
0x19: {  	s17 =	simm.s32 @!p0 $0xA0;
	s18 =	simm.s32 @!p0 $0x180;
	[sflag:s15] =	ssyncadd.s32 @!p0 $0xFFFFD800  }
0x1a: {  	[tilespmem:s18], [sflag:$0x1] =	stream.indirect.gather @!p0 [hbm4b:s5+s10], $0x80, s17, s10, $0xb8;
	[tilespmem:$0x5180] =	vst v63  }
0x1b: {  	_ =	swait.ge @!p0 [sflag:s16], $0x2800  }
0x1c: {  	[sflag:s16] =	ssyncset.done @!p0 $0x0  }
0x1d: {  	s20 =	simm.s32 @!p0 $0x4;
	s19 =	sadd.s32 $0xA00, s9;
	[sflag:s16] =	ssyncadd.s32 @!p0 $0xFFFFD800  }
0x1e: {  	[hbm4b:s19+s14] =	stream.linear.scatter @!p0 [tilespmem:s18], [sflag:$0x3], $0x2800, $0x38;
	[tilespmem:$0x5180] =	vst v63  }
0x1f: {  	s23 =	ssub.s32 $0x2, s22;
	_ =	swait.ge @!p0 [sflag:s20], $0x2800  }
0x20: {  	s24 =	sshrl.u32 s23, $0x1;
	[sflag:s20] =	ssyncset.done @!p0 $0x0  }
0x21: {  	s21 =	simm.s32 @!p0 $0xF0;
	s23 =	ssub.s32 s23, s24;
	[sflag:s20] =	ssyncadd.s32 @!p0 $0xFFFFD800  }
0x22: {  	[tilespmem:s11], [sflag:$0x2] =	stream.indirect.gather @!p0 [hbm4b:s5+s10], $0x80, s21, s10, $0xb8;
	[tilespmem:$0x5180] =	vst v63  }
0x23: {  	s24 =	smax.u32 s23, $0x1;
	_ =	swait.ge @!p0 [sflag:s12], $0x2800  }
0x24: {  	s24 =	sadd.s32 $0xFFFFFFFF, s24;
	[sflag:s12] =	ssyncset.done @!p0 $0x0  }
0x25: {  	s22 =	sadd.s32 $0xF00, s9;
	p1 =	sne.s32 s24, $0x0;
	[sflag:s12] =	ssyncadd.s32 @!p0 $0xFFFFD800  }
0x26: {  	[hbm4b:s22+s14] =	stream.linear.scatter @!p0 [tilespmem:s11], [sflag:$0x4], $0x2800, $0x38;
	[tilespmem:$0x5180] =	vst v63  }
.Ltmp0:
0x27: {  	_ =	swait.ge @!p0 [sflag:s15], $0x2800;
	(pc) =	sbr.rel @!p1 .LBB2_2-.Ltmp0, $4  }
0x28: {  	s23 =	simm.s32 @!p0 $0x4;
	[sflag:s15] =	ssyncset.done @!p0 $0x0  }
0x29: {  	s23 =	simm.s32 @p0 $0x3;
	[sflag:s15] =	ssyncadd.s32 @!p0 $0xFFFFD800  }
0x2a: {  	_ =	swait.ge [sflag:s23], $0x2800  }
0x2b: {  	[sflag:s23] =	ssyncset.done $0x0  }
.LBB2_1:
0x2c: {  	s24 =	sadd.s32 $0xFFFFFFFF, s24;
	[sflag:s23] =	ssyncadd.s32 $0xFFFFD800  }
0x2d: {  	[tilespmem:s2], [sflag:$0x5] =	stream.linear.gather [hbm4b:s3+s2], $0x140, $0x38;
	[tilespmem:$0x5180] =	vst v63  }
0x2e: {  	p1 =	sne.s32 s24, $0x0;
	_ =	swait.ge [sflag:s4], $0x140  }
0x2f: {  	[sflag:s4] =	ssyncset.done $0x0  }
0x30: {  	[sflag:s4] =	ssyncadd.s32 $0xFFFFFEC0  }
0x31: {  	[tilespmem:s7], [sflag:$0x1] =	stream.indirect.gather [hbm4b:s5+s6], $0x80, s2, s6, $0xb8;
	[tilespmem:$0x5180] =	vst v63  }
0x32: {  	_ =	swait.ge [sflag:s8], $0x2800  }
0x33: {  	[sflag:s8] =	ssyncset.done $0x0  }
0x34: {  	[sflag:s8] =	ssyncadd.s32 $0xFFFFD800  }
0x35: {  	[hbm4b:s9+s2] =	stream.linear.scatter [tilespmem:s7], [sflag:$0x3], $0x2800, $0x38;
	[tilespmem:$0x5180] =	vst v63  }
0x36: {  	_ = 	snop  }
0x37: {  	[tilespmem:s11], [sflag:$0x2] =	stream.indirect.gather @!p0 [hbm4b:s5+s10], $0x80, s10, s10, $0xb8;
	[tilespmem:$0x5180] =	vst v63  }
0x38: {  	_ =	swait.ge @!p0 [sflag:s12], $0x2800  }
0x39: {  	[sflag:s12] =	ssyncset.done @!p0 $0x0  }
0x3a: {  	[sflag:s12] =	ssyncadd.s32 @!p0 $0xFFFFD800  }
0x3b: {  	[hbm4b:s13+s14] =	stream.linear.scatter @!p0 [tilespmem:s11], [sflag:$0x4], $0x2800, $0x38;
	[tilespmem:$0x5180] =	vst v63  }
0x3c: {  	_ =	swait.ge @!p0 [sflag:s15], $0x2800  }
0x3d: {  	[sflag:s15] =	ssyncset.done @!p0 $0x0  }
0x3e: {  	[sflag:s15] =	ssyncadd.s32 @!p0 $0xFFFFD800  }
0x3f: {  	[tilespmem:s18], [sflag:$0x1] =	stream.indirect.gather @!p0 [hbm4b:s5+s10], $0x80, s17, s10, $0xb8;
	[tilespmem:$0x5180] =	vst v63  }
0x40: {  	_ =	swait.ge @!p0 [sflag:s16], $0x2800  }
0x41: {  	[sflag:s16] =	ssyncset.done @!p0 $0x0  }
0x42: {  	[sflag:s16] =	ssyncadd.s32 @!p0 $0xFFFFD800  }
0x43: {  	[hbm4b:s19+s14] =	stream.linear.scatter @!p0 [tilespmem:s18], [sflag:$0x3], $0x2800, $0x38;
	[tilespmem:$0x5180] =	vst v63  }
0x44: {  	_ =	swait.ge @!p0 [sflag:s20], $0x2800  }
0x45: {  	[sflag:s20] =	ssyncset.done @!p0 $0x0  }
0x46: {  	[sflag:s20] =	ssyncadd.s32 @!p0 $0xFFFFD800  }
0x47: {  	[tilespmem:s11], [sflag:$0x2] =	stream.indirect.gather @!p0 [hbm4b:s5+s10], $0x80, s21, s10, $0xb8;
	[tilespmem:$0x5180] =	vst v63  }
0x48: {  	_ =	swait.ge @!p0 [sflag:s12], $0x2800  }
0x49: {  	[sflag:s12] =	ssyncset.done @!p0 $0x0  }
0x4a: {  	[sflag:s12] =	ssyncadd.s32 @!p0 $0xFFFFD800  }
0x4b: {  	[hbm4b:s22+s14] =	stream.linear.scatter @!p0 [tilespmem:s11], [sflag:$0x4], $0x2800, $0x38;
	[tilespmem:$0x5180] =	vst v63  }
.Ltmp1:
0x4c: {  	_ =	swait.ge @!p0 [sflag:s15], $0x2800;
	(pc) =	sbr.rel @p1 .LBB2_1-.Ltmp1, $4  }
0x4d: {  	[sflag:s15] =	ssyncset.done @!p0 $0x0  }
0x4e: {  	[sflag:s15] =	ssyncadd.s32 @!p0 $0xFFFFD800  }
0x4f: {  	_ =	swait.ge [sflag:s23], $0x2800  }
0x50: {  	[sflag:s23] =	ssyncset.done $0x0  }
.LBB2_2:
0x51: {  	[sflag:s23] =	ssyncadd.s32 $0xFFFFD800  }
0x52: {  	_ =	sfence.sel $0x180000  }
0x53: {  	[bflag:$0x0] =	sbarrier.arrive $0xFFFF  }
0x54: {  	p0 =	sne.s32 s0, $0x0;
	_ =	strace $0x90000047  }
0x55: {  	s0 =	sadd.s32 @!p0 $0x100000, s1;
	[bflag:$0x2] =	sbarrier.arrive $0xFFFF  }
0x56: {  	[sflag:s0] =	ssyncadd.tile.s32 @!p0 $0x1;
	_ =	shalt  }
.Lfunc_end2:
_tile_overlayer_lowered:
.L_overlay_start_2:
0x57: {  	(tag) =	ssettag $0x2  }
0x58: {  	s0 =	rddreg [dreg:$0x0];
	s2 =	stileid.u32  }
0x59: {  	s1 =	rddreg [dreg:$0x1];
	p0 =	sne.s32 s2, $0x0  }
0x5a: {  	s3 =	rddreg [dreg:$0x2];
	[bflag:$0x3] =	sbarrier.arrive $0xFFFF;
	s2 =	simm.s32 @!p0 $0x1C05  }
0x5b: {  	[timem:s3], [sflag:s2] =	dma.local @!p0 [hbm:s0], s1  }
0x5c: {  	s0 =	simm.s32 @!p0 $0x5  }
0x5d: {  	_ =	swait.ge @!p0 [sflag:s0], s1  }
0x5e: {  	s1 =	ssub.s32 @!p0 $0x0, s1;
	[sflag:s0] =	ssyncset.done @!p0 $0x0  }
0x5f: {  	[sflag:s0] =	ssyncadd.s32 @!p0 s1  }
0x60: {  	[bflag:$0x3] =	sbarrier.arrive $0xFFFF  }
0x61: {  	_ =	shalt  }

// kernel: kernel.17.cloned.1.call-start
scs
__scs_entry_jumppad:
0x0: {  	(pc) =	sbr.rel $0x88, $3  }
0x1: {  	(tag) =	ssettag $0x0;
	lr =	simm.s32 $0x1  }
0x2: {  	[smem:$0x3F9D] =	sst lr;
	_ =	strace $0xD0000000  }
0x3: {  	_ = 	snop  }
0x4: {  	_ = 	snop  }
0x5: {  	_ = 	snop  }
0x6: {  	_ = 	snop  }
0x7: {  	_ = 	snop  }
__scs_overlays_trampoline_lowered:
0x8: {  	[smem:$0x3FAC] =	sst s0  }
0x9: {  	[smem:$0x3FAD] =	sst s1  }
0xa: {  	[smem:$0x3FAE] =	sst s2  }
0xb: {  	[smem:$0x3FAF] =	sst s3  }
0xc: {  	[smem:$0x3FB0] =	sst s4  }
0xd: {  	[smem:$0x3FB1] =	sst s5  }
0xe: {  	[smem:$0x3FB2] =	sst s6  }
0xf: {  	[smem:$0x3FB3] =	sst s7  }
0x10: {  	[smem:$0x3FB4] =	sst s8  }
0x11: {  	[smem:$0x3FB5] =	sst s9;
	s0 =	simm.s32 @!p0 $0x0  }
0x12: {  	s1 =	sld [smem:$0x3F9B];
	s0 =	simm.s32 @p0 $0x1  }
0x13: {  	[smem:$0x3FB6] =	sst s0;
	s0 =	simm.s32 @!p1 $0x0  }
0x14: {  	s2 =	sld [smem:$0x3F9A];
	s0 =	simm.s32 @p1 $0x1  }
0x15: {  	[smem:$0x3FB7] =	sst s0;
	s0 =	simm.s32 @!p2 $0x0  }
0x16: {  	s3 =	sld [smem:$0x3FDB];
	s0 =	simm.s32 @p2 $0x1  }
0x17: {  	s4 =	simm.s32 $0x1BF5;
	[smem:$0x3FB9] =	sst s0  }
0x18: {  	s0 =	sld [smem:$0x3F9C];
	_ =	swait.ge [sflag:s4], $0x0  }
0x19: {  	s7 =	sld [smem:$0x3F9D]  }
0x1a: {  	s8 =	sadd.s32 $0xFFFFE003, lr  }
0x1b: {  	s9 =	sadd.s32 $0xFFFFFEF7, lr;
	s5 =	simm.s32 $0xFFFFFFFF;
	p2 =	slt.u32 s8, $0xFFFFF086  }
0x1c: {  	p1 =	slt.u32 s9, $0xF7A;
	s5 =	simm.s32 @!p2 $0x0  }
0x1d: {  	s5 =	simm.s32 @p1 $0x1;
	p0 =	seq.s32 s7, s2  }
0x1e: {  	s7 =	smul.u32 @!p0 $0xF7A, s2;
	p2 =	seq.s32 @!p0 s5, $0x0  }
0x1f: {  	s9 =	smul.u32 $0xF7A, s1;
	s8 =	simm.s32 @!p0 $0x1BF5;
	p2 =	por !p2, p0  }
0x20: {  	[sflag:s8] =	ssyncset.s32 @!p0 $0xFFFFF086;
	s6 =	sadd.s32 @!p0 s3, s7;
	s7 =	simm.s32 @!p0 $0x108  }
0x21: {  	s3 =	sadd.s32 s3, s9;
	s6 =	sadd.s32 @!p0 $0x88, s6;
	s7 =	simm.s32 @p2 $0x1082  }
0x22: {  	[simem:s7], [sflag:s8] =	dma.local @!p0 [hbm:s6], $0xF7A  }
0x23: {  	s9 =	sor.u32 $0xD0000000, s2;
	s6 =	simm.s32 $0x108;
	_ =	swait.ge @!p0 [sflag:s8], $0x0  }
0x24: {  	s3 =	sadd.s32 $0x88, s3;
	s6 =	simm.s32 @!p1 $0x1082;
	[sflag:s4] =	ssyncset.s32 $0xFFFFF086  }
0x25: {  	[simem:s6], [sflag:s4] =	dma.local [hbm:s3], $0xF7A  }
0x26: {  	[smem:$0x3F9D] =	sst s1;
	(tag) =	ssettag s2;
	_ =	strace s9  }
0x27: {  	s1 =	sld [smem:$0x3FAD]  }
0x28: {  	s2 =	sld [smem:$0x3FAE]  }
0x29: {  	s4 =	sld [smem:$0x3FB0]  }
0x2a: {  	p0 =	seq.s32 s5, $0x0;
	s5 =	sld [smem:$0x3FB1]  }
0x2b: {  	s6 =	sld [smem:$0x3FB2]  }
0x2c: {  	s7 =	sld [smem:$0x3FB3]  }
0x2d: {  	s3 =	simm.s32 $0x108;
	s8 =	sld [smem:$0x3FB4]  }
0x2e: {  	s3 =	simm.s32 @!p0 $0x1082;
	s9 =	sld [smem:$0x3FB5]  }
0x2f: {  	lr =	sadd.s32 s0, s3;
	s0 =	sld [smem:$0x3FAC]  }
0x30: {  	s3 =	sld [smem:$0x3FAF]  }
0x31: {  	[smem:$0x3FB8] =	sst s10  }
0x32: {  	s10 =	sld [smem:$0x3FB6];
	_ =	sdelay $0x3  }
0x33: {  	p0 =	seq.s32 s10, $0x1;
	s10 =	sld [smem:$0x3FB8];
	_ =	sdelay $0x3  }
0x34: {  	[smem:$0x3FB8] =	sst s10  }
0x35: {  	s10 =	sld [smem:$0x3FB7];
	_ =	sdelay $0x3  }
0x36: {  	p1 =	seq.s32 s10, $0x1;
	s10 =	sld [smem:$0x3FB8];
	_ =	sdelay $0x3  }
0x37: {  	[smem:$0x3FB8] =	sst s10  }
0x38: {  	s10 =	sld [smem:$0x3FB9]  }
0x39: {  	_ = 	snop;
	(pc) =	sbr.ind lr, $3  }
0x3a: {  	_ = 	snop  }
0x3b: {  	_ = 	snop  }
0x3c: {  	p2 =	seq.s32 s10, $0x1;
	s10 =	sld [smem:$0x3FB8]  }
0x3d: {  	_ =	shalt  }
0x3e: {  	_ =	shalt  }
0x3f: {  	_ =	shalt  }
0x40: {  	_ =	shalt  }
0x41: {  	_ =	shalt  }
0x42: {  	_ =	shalt  }
0x43: {  	_ =	shalt  }
0x44: {  	_ =	shalt  }
0x45: {  	_ =	shalt  }
0x46: {  	_ =	shalt  }
0x47: {  	_ =	shalt  }
0x48: {  	_ =	shalt  }
0x49: {  	_ =	shalt  }
0x4a: {  	_ =	shalt  }
0x4b: {  	_ =	shalt  }
0x4c: {  	_ =	shalt  }
0x4d: {  	_ =	shalt  }
0x4e: {  	_ =	shalt  }
0x4f: {  	_ =	shalt  }
0x50: {  	_ =	shalt  }
0x51: {  	_ =	shalt  }
0x52: {  	_ =	shalt  }
0x53: {  	_ =	shalt  }
0x54: {  	_ =	shalt  }
0x55: {  	_ =	shalt  }
0x56: {  	_ =	shalt  }
0x57: {  	_ =	shalt  }
0x58: {  	_ =	shalt  }
0x59: {  	_ =	shalt  }
0x5a: {  	_ =	shalt  }
0x5b: {  	_ =	shalt  }
0x5c: {  	_ =	shalt  }
0x5d: {  	_ =	shalt  }
0x5e: {  	_ =	shalt  }
0x5f: {  	_ =	shalt  }
0x60: {  	_ =	shalt  }
0x61: {  	_ =	shalt  }
0x62: {  	_ =	shalt  }
0x63: {  	_ =	shalt  }
0x64: {  	_ =	shalt  }
0x65: {  	_ =	shalt  }
0x66: {  	_ =	shalt  }
0x67: {  	_ =	shalt  }
0x68: {  	_ =	shalt  }
0x69: {  	_ =	shalt  }
0x6a: {  	_ =	shalt  }
0x6b: {  	_ =	shalt  }
0x6c: {  	_ =	shalt  }
0x6d: {  	_ =	shalt  }
0x6e: {  	_ =	shalt  }
0x6f: {  	_ =	shalt  }
0x70: {  	_ =	shalt  }
0x71: {  	_ =	shalt  }
0x72: {  	_ =	shalt  }
0x73: {  	_ =	shalt  }
0x74: {  	_ =	shalt  }
0x75: {  	_ =	shalt  }
0x76: {  	_ =	shalt  }
0x77: {  	_ =	shalt  }
0x78: {  	_ =	shalt  }
0x79: {  	_ =	shalt  }
0x7a: {  	_ =	shalt  }
0x7b: {  	_ =	shalt  }
0x7c: {  	_ =	shalt  }
0x7d: {  	_ =	shalt  }
0x7e: {  	_ =	shalt  }
0x7f: {  	_ =	shalt  }
0x80: {  	_ =	shalt  }
0x81: {  	_ =	shalt  }
0x82: {  	_ =	shalt  }
0x83: {  	_ =	shalt  }
0x84: {  	_ =	shalt  }
0x85: {  	_ =	shalt  }
0x86: {  	_ =	shalt  }
0x87: {  	_ =	shalt  }
.Lfunc_end0:
.L_simem_size_0:
called_computation.1_lowered:
.L_overlay_start_0:
0x88: {  	s2 =	sld [smem:$0x3FD9]  }
0x89: {  	s3 =	sld [smem:$0x3FFE];
	_ =	sdelay $0x1  }
0x8a: {  	s1 =	srdreg.scid  }
0x8b: {  	s0 =	sand.u32 $0x1, s1  }
0x8c: {  	s17 =	sshll.u32 s0, $0xA;
	s2 =	sadd.s32 s3, s2  }
0x8d: {  	s2 =	sadd.s32 s2, s17  }
0x8e: {  	[smem:$0x3FC4] =	sst s2  }
0x8f: {  	_ = 	snop  }
0x90: {  	(tm) =	ssettm $0x1  }
0x91: {  	s18 =	sld [smem:$0x3FFB];
	_ =	sdelay $0x3  }
0x92: {  	_ =	strace s18  }
0x93: {  	s2 =	sld [smem:$0x3FFC];
	_ =	sdelay $0x3  }
0x94: {  	_ =	strace s2  }
0x95: {  	s2 =	sld [smem:$0x3FFD];
	_ =	sdelay $0x3  }
0x96: {  	_ =	strace s2  }
0x97: {  	_ =	strace $0x8FFFFFFF  }
0x98: {  	s19 =	sld [smem:$0x3FDB];
	_ =	sdelay $0x1  }
0x99: {  	s20 =	simm.s32 $_scs_section_size  }
0x9a: {  	s4 =	simm.s32 $_size__tile_overlayer_lowered;
	s5 =	simm.s32 $_tile_overlayer_lowered  }
0x9b: {  	s6 =	simm.s32 $0x1BFF;
	s21 =	sshll.u32 s5, $0x1;
	s3 =	sadd.s32 s20, s19  }
0x9c: {  	s22 =	simm.s32 $0x0;
	s4 =	sshll.u32 s4, $0x1;
	s5 =	sadd.s32 s21, s3  }
0x9d: {  	[timem:s22], [sflag:s6] =	dma.local [hbm:s5], s4  }
0x9e: {  	_ =	swait.ge [sflag:s6], s4  }
0x9f: {  	s4 =	ssub.s32 $0x0, s4;
	[sflag:s6] =	ssyncset.done $0x0  }
0xa0: {  	[sflag:s6] =	ssyncadd.s32 s4;
	_ =	sdelay $0x1  }
0xa1: {  	s23 =	simm.s32 $0x1B8B  }
0xa2: {  	_ =	swait.ge [sflag:s23], $0x1  }
0xa3: {  	[sflag:s23] =	ssyncset.done $0x0  }
0xa4: {  	[sflag:s23] =	ssyncadd.s32 $0xFFFFFFFF  }
0xa5: {  	s4 =	sld [smem:$0x0]  }
0xa6: {  	s5 =	sand.u32 $0xFFFFFFFE, s1  }
0xa7: {  	p0 =	sne.s32 s1, s5  }
0xa8: {  	s5 =	sshll.u32 @p0 s5, $0xE  }
0xa9: {  	s5 =	sadd.s32 @p0 $0x11B8D, s5;
	s6 =	sshll.u32 @p0 s4, $0x11  }
0xaa: {  	s5 =	sor.u32 @p0 s6, s5  }
0xab: {  	[sflag:s5] =	ssyncadd.remote.s32 @p0 $0x1;
	_ =	sdelay $0x1  }
0xac: {  	s5 =	simm.s32 @p0 $0x1B8D  }
0xad: {  	_ =	swait.eq @p0 [sflag:s5], $0x1  }
0xae: {  	[sflag:s5] =	ssyncadd.s32 @p0 $0xFFFFFFFF  }
0xaf: {  	s6 =	sshll.u32 @!p0 s1, $0xE  }
0xb0: {  	s6 =	sor.u32 @!p0 $0x4000, s6;
	s5 =	simm.s32 @!p0 $0x1B8D  }
0xb1: {  	s4 =	sshll.u32 @!p0 s4, $0x11;
	s6 =	sadd.s32 @!p0 $0x11B8D, s6;
	_ =	swait.eq @!p0 [sflag:s5], $0x1  }
0xb2: {  	s4 =	sor.u32 @!p0 s4, s6;
	[sflag:s5] =	ssyncadd.s32 @!p0 $0xFFFFFFFF  }
0xb3: {  	s25 =	simm.s32 $0x1B8E;
	s24 =	sld [smem:$0x3FFE];
	[sflag:s4] =	ssyncadd.remote.s32 @!p0 $0x1  }
0xb4: {  	s26 =	simm.s32 $execute0_lowered;
	[smem:$0x3FD2] =	sst s25  }
0xb5: {  	s5 =	sshll.u32 s26, $0x1;
	_ =	strace $0x80000049;
	[dreg:$0x1] =	wrdreg $0xFFFFFFFF  }
0xb6: {  	s28 =	simm.s32 $_size_execute0_lowered;
	s3 =	sadd.s32 s3, s5;
	[dreg:$0x0] =	wrdreg $0x0  }
0xb7: {  	s5 =	sshll.u32 s28, $0x1;
	[dreg:$0x2] =	wrdreg s3  }
0xb8: {  	[dreg:$0x3] =	wrdreg s5  }
0xb9: {  	[dreg:$0x4] =	wrdreg $0xC0  }
0xba: {  	_ =	task [dreg:s22], $0x5FFFF  }
0xbb: {  	[dreg:$0x1] =	wrdreg $0xFFFFFFFF  }
0xbc: {  	[dreg:$0x0] =	wrdreg $0x60  }
0xbd: {  	[dreg:$0x2] =	wrdreg s24  }
0xbe: {  	[dreg:$0x3] =	wrdreg $0xA  }
0xbf: {  	_ =	task.clear_ibuf [dreg:s22], $0x4FFFF;
	_ =	strace $0x90000049  }
0xc0: {  	s29 =	simm.s32 $0xA;
	_ =	strace $0x8000004B  }
0xc1: {  	_ =	swait.ge [sflag:s29], $0x1  }
0xc2: {  	[sflag:s29] =	ssyncadd.s32 $0xFFFFFFFF  }
0xc3: {  	_ =	strace $0x9000004B  }
0xc4: {  	_ =	sfence  }
0xc5: {  	s30 =	sld [smem:$0x0];
	_ =	sdelay $0x2  }
0xc6: {  	s31 =	sshll.u32 s1, $0xD;
	s1 =	sshrl.u32 s1, $0x2  }
0xc7: {  	s4 =	sand.u32 $0x4000, s31;
	s1 =	sadd.s32 s1, s30  }
0xc8: {  	s0 =	sor.u32 s4, s0;
	s1 =	sshll.u32 s1, $0x11  }
0xc9: {  	s0 =	sor.u32 s1, s0  }
0xca: {  	s0 =	sadd.s32 $0x8F2B, s0  }
0xcb: {  	[sflag:s0] =	ssyncadd.remote.s32 $0x1  }
0xcc: {  	_ =	sfence.sel $0xFFFF  }
0xcd: {  	[dreg:$0x0] =	wrdreg $0xFFFFFFFF;
	(pc) =	sbr.abs _section_cstart, $3  }
0xce: {  	[dreg:$0x1] =	wrdreg $0xFFFFFFFF  }
0xcf: {  	_ =	task.clear_ibuf [dreg:s22], $0x2FFFF;
	_ =	strace $0x9FFFFFFF  }
0xd0: {  	(tm) =	ssettm $0x7FFFFFFF  }
0xd1: {  	_ =	shalt  }
tec
execute0_lowered:
.L_overlay_start_1:
0x0: {  	(tag) =	ssettag $0x1  }
0x1: {  	s1 =	srdreg.scid;
	s0 =	stileid.u32  }
0x2: {  	s22 =	sand.u32 $0x1, s1;
	s30 =	sshll.u32 s0, $0x1  }
0x3: {  	s10 =	sor.u32 s22, s30  }
0x4: {  	s3 =	smul.u32 $0x28, s10  }
0x5: {  	s9 =	rddreg [dreg:$0x0];
	s2 =	simm.s32 $0x0  }
0x6: {  	s4 =	simm.s32 $0x5;
	[smem:$0x7FF] =	sst s2;
	s3 =	sadd.s32 s3, s9  }
0x7: {  	s1 =	rddreg [dreg:$0x1];
	_ =	strace $0x8000004A;
	s3 =	sadd.s32 $0x2AE00, s3  }
0x8: {  	[tilespmem:s2], [sflag:$0x5] =	stream.linear.gather [hbm4b:s3+s2], $0x140, $0x38;
	[tilespmem:$0x5180] =	vst v63  }
0x9: {  	s6 =	simm.s32 $0x50;
	_ =	swait.ge [sflag:s4], $0x140  }
0xa: {  	s7 =	simm.s32 $0x180;
	s8 =	simm.s32 $0x1;
	[sflag:s4] =	ssyncset.done $0x0  }
0xb: {  	s5 =	sadd.s32 $0x3600, s9;
	s11 =	smul.u32 $0x1400, s10;
	[sflag:s4] =	ssyncadd.s32 $0xFFFFFEC0  }
0xc: {  	[tilespmem:s7], [sflag:$0x1] =	stream.indirect.gather [hbm4b:s5+s6], $0x80, s2, s6, $0xb8;
	[tilespmem:$0x5180] =	vst v63  }
0xd: {  	_ =	swait.ge [sflag:s8], $0x2800  }
0xe: {  	s23 =	sadd.s32 s11, s9;
	[sflag:s8] =	ssyncset.done $0x0  }
0xf: {  	p0 =	seq.s32 s10, $0x1F;
	s9 =	sadd.s32 $0x2C600, s23;
	[sflag:s8] =	ssyncadd.s32 $0xFFFFD800  }
0x10: {  	[hbm4b:s9+s2] =	stream.linear.scatter [tilespmem:s7], [sflag:$0x3], $0x2800, $0x38;
	[tilespmem:$0x5180] =	vst v63  }
0x11: {  	s10 =	simm.s32 @!p0 $0x50;
	s12 =	simm.s32 @!p0 $0x2;
	s11 =	simm.s32 @!p0 $0x2980  }
0x12: {  	[tilespmem:s11], [sflag:$0x2] =	stream.indirect.gather @!p0 [hbm4b:s5+s10], $0x80, s10, s10, $0xb8;
	[tilespmem:$0x5180] =	vst v63  }
0x13: {  	_ =	swait.ge @!p0 [sflag:s12], $0x2800  }
0x14: {  	s14 =	simm.s32 @!p0 $0x0;
	[sflag:s12] =	ssyncset.done @!p0 $0x0  }
0x15: {  	s15 =	simm.s32 @!p0 $0x3;
	s13 =	sadd.s32 $0x2CB00, s23;
	[sflag:s12] =	ssyncadd.s32 @!p0 $0xFFFFD800  }
0x16: {  	[hbm4b:s13+s14] =	stream.linear.scatter @!p0 [tilespmem:s11], [sflag:$0x4], $0x2800, $0x38;
	[tilespmem:$0x5180] =	vst v63  }
0x17: {  	_ =	swait.ge @!p0 [sflag:s15], $0x2800  }
0x18: {  	s16 =	simm.s32 @!p0 $0x1;
	[sflag:s15] =	ssyncset.done @!p0 $0x0  }
0x19: {  	s17 =	simm.s32 @!p0 $0xA0;
	s18 =	simm.s32 @!p0 $0x180;
	[sflag:s15] =	ssyncadd.s32 @!p0 $0xFFFFD800  }
0x1a: {  	[tilespmem:s18], [sflag:$0x1] =	stream.indirect.gather @!p0 [hbm4b:s5+s10], $0x80, s17, s10, $0xb8;
	[tilespmem:$0x5180] =	vst v63  }
0x1b: {  	_ =	swait.ge @!p0 [sflag:s16], $0x2800  }
0x1c: {  	[sflag:s16] =	ssyncset.done @!p0 $0x0  }
0x1d: {  	s20 =	simm.s32 @!p0 $0x4;
	s19 =	sadd.s32 $0x2D000, s23;
	[sflag:s16] =	ssyncadd.s32 @!p0 $0xFFFFD800  }
0x1e: {  	[hbm4b:s19+s14] =	stream.linear.scatter @!p0 [tilespmem:s18], [sflag:$0x3], $0x2800, $0x38;
	[tilespmem:$0x5180] =	vst v63  }
0x1f: {  	s24 =	ssub.s32 $0x2, s22;
	_ =	swait.ge @!p0 [sflag:s20], $0x2800  }
0x20: {  	s25 =	sshrl.u32 s24, $0x1;
	[sflag:s20] =	ssyncset.done @!p0 $0x0  }
0x21: {  	s21 =	simm.s32 @!p0 $0xF0;
	s31 =	ssub.s32 s24, s25;
	[sflag:s20] =	ssyncadd.s32 @!p0 $0xFFFFD800  }
0x22: {  	[tilespmem:s11], [sflag:$0x2] =	stream.indirect.gather @!p0 [hbm4b:s5+s10], $0x80, s21, s10, $0xb8;
	[tilespmem:$0x5180] =	vst v63  }
0x23: {  	s24 =	smax.u32 s31, $0x1;
	_ =	swait.ge @!p0 [sflag:s12], $0x2800  }
0x24: {  	s24 =	sadd.s32 $0xFFFFFFFF, s24;
	[sflag:s12] =	ssyncset.done @!p0 $0x0  }
0x25: {  	s22 =	sadd.s32 $0x2D500, s23;
	p1 =	sne.s32 s24, $0x0;
	[sflag:s12] =	ssyncadd.s32 @!p0 $0xFFFFD800  }
0x26: {  	[hbm4b:s22+s14] =	stream.linear.scatter @!p0 [tilespmem:s11], [sflag:$0x4], $0x2800, $0x38;
	[tilespmem:$0x5180] =	vst v63  }
.Ltmp0:
0x27: {  	_ =	swait.ge @!p0 [sflag:s15], $0x2800;
	(pc) =	sbr.rel @!p1 .LBB2_2-.Ltmp0, $4  }
0x28: {  	s23 =	simm.s32 @!p0 $0x4;
	[sflag:s15] =	ssyncset.done @!p0 $0x0  }
0x29: {  	s23 =	simm.s32 @p0 $0x3;
	[sflag:s15] =	ssyncadd.s32 @!p0 $0xFFFFD800  }
0x2a: {  	_ =	swait.ge [sflag:s23], $0x2800  }
0x2b: {  	[sflag:s23] =	ssyncset.done $0x0  }
.LBB2_1:
0x2c: {  	s24 =	sadd.s32 $0xFFFFFFFF, s24;
	[sflag:s23] =	ssyncadd.s32 $0xFFFFD800  }
0x2d: {  	[tilespmem:s2], [sflag:$0x5] =	stream.linear.gather [hbm4b:s3+s2], $0x140, $0x38;
	[tilespmem:$0x5180] =	vst v63  }
0x2e: {  	p1 =	sne.s32 s24, $0x0;
	_ =	swait.ge [sflag:s4], $0x140  }
0x2f: {  	[sflag:s4] =	ssyncset.done $0x0  }
0x30: {  	[sflag:s4] =	ssyncadd.s32 $0xFFFFFEC0  }
0x31: {  	[tilespmem:s7], [sflag:$0x1] =	stream.indirect.gather [hbm4b:s5+s6], $0x80, s2, s6, $0xb8;
	[tilespmem:$0x5180] =	vst v63  }
0x32: {  	_ =	swait.ge [sflag:s8], $0x2800  }
0x33: {  	[sflag:s8] =	ssyncset.done $0x0  }
0x34: {  	[sflag:s8] =	ssyncadd.s32 $0xFFFFD800  }
0x35: {  	[hbm4b:s9+s2] =	stream.linear.scatter [tilespmem:s7], [sflag:$0x3], $0x2800, $0x38;
	[tilespmem:$0x5180] =	vst v63  }
0x36: {  	_ = 	snop  }
0x37: {  	[tilespmem:s11], [sflag:$0x2] =	stream.indirect.gather @!p0 [hbm4b:s5+s10], $0x80, s10, s10, $0xb8;
	[tilespmem:$0x5180] =	vst v63  }
0x38: {  	_ =	swait.ge @!p0 [sflag:s12], $0x2800  }
0x39: {  	[sflag:s12] =	ssyncset.done @!p0 $0x0  }
0x3a: {  	[sflag:s12] =	ssyncadd.s32 @!p0 $0xFFFFD800  }
0x3b: {  	[hbm4b:s13+s14] =	stream.linear.scatter @!p0 [tilespmem:s11], [sflag:$0x4], $0x2800, $0x38;
	[tilespmem:$0x5180] =	vst v63  }
0x3c: {  	_ =	swait.ge @!p0 [sflag:s15], $0x2800  }
0x3d: {  	[sflag:s15] =	ssyncset.done @!p0 $0x0  }
0x3e: {  	[sflag:s15] =	ssyncadd.s32 @!p0 $0xFFFFD800  }
0x3f: {  	[tilespmem:s18], [sflag:$0x1] =	stream.indirect.gather @!p0 [hbm4b:s5+s10], $0x80, s17, s10, $0xb8;
	[tilespmem:$0x5180] =	vst v63  }
0x40: {  	_ =	swait.ge @!p0 [sflag:s16], $0x2800  }
0x41: {  	[sflag:s16] =	ssyncset.done @!p0 $0x0  }
0x42: {  	[sflag:s16] =	ssyncadd.s32 @!p0 $0xFFFFD800  }
0x43: {  	[hbm4b:s19+s14] =	stream.linear.scatter @!p0 [tilespmem:s18], [sflag:$0x3], $0x2800, $0x38;
	[tilespmem:$0x5180] =	vst v63  }
0x44: {  	_ =	swait.ge @!p0 [sflag:s20], $0x2800  }
0x45: {  	[sflag:s20] =	ssyncset.done @!p0 $0x0  }
0x46: {  	[sflag:s20] =	ssyncadd.s32 @!p0 $0xFFFFD800  }
0x47: {  	[tilespmem:s11], [sflag:$0x2] =	stream.indirect.gather @!p0 [hbm4b:s5+s10], $0x80, s21, s10, $0xb8;
	[tilespmem:$0x5180] =	vst v63  }
0x48: {  	_ =	swait.ge @!p0 [sflag:s12], $0x2800  }
0x49: {  	[sflag:s12] =	ssyncset.done @!p0 $0x0  }
0x4a: {  	[sflag:s12] =	ssyncadd.s32 @!p0 $0xFFFFD800  }
0x4b: {  	[hbm4b:s22+s14] =	stream.linear.scatter @!p0 [tilespmem:s11], [sflag:$0x4], $0x2800, $0x38;
	[tilespmem:$0x5180] =	vst v63  }
.Ltmp1:
0x4c: {  	_ =	swait.ge @!p0 [sflag:s15], $0x2800;
	(pc) =	sbr.rel @p1 .LBB2_1-.Ltmp1, $4  }
0x4d: {  	[sflag:s15] =	ssyncset.done @!p0 $0x0  }
0x4e: {  	[sflag:s15] =	ssyncadd.s32 @!p0 $0xFFFFD800  }
0x4f: {  	_ =	swait.ge [sflag:s23], $0x2800  }
0x50: {  	[sflag:s23] =	ssyncset.done $0x0  }
.LBB2_2:
0x51: {  	[sflag:s23] =	ssyncadd.s32 $0xFFFFD800  }
0x52: {  	_ =	sfence.sel $0x180000  }
0x53: {  	[bflag:$0x0] =	sbarrier.arrive $0xFFFF  }
0x54: {  	p0 =	sne.s32 s0, $0x0;
	_ =	strace $0x9000004A  }
0x55: {  	s0 =	sadd.s32 @!p0 $0x100000, s1;
	[bflag:$0x2] =	sbarrier.arrive $0xFFFF  }
0x56: {  	[sflag:s0] =	ssyncadd.tile.s32 @!p0 $0x1;
	_ =	shalt  }
.Lfunc_end2:
_tile_overlayer_lowered:
.L_overlay_start_2:
0x57: {  	(tag) =	ssettag $0x2  }
0x58: {  	s0 =	rddreg [dreg:$0x0];
	s2 =	stileid.u32  }
0x59: {  	s1 =	rddreg [dreg:$0x1];
	p0 =	sne.s32 s2, $0x0  }
0x5a: {  	s3 =	rddreg [dreg:$0x2];
	[bflag:$0x3] =	sbarrier.arrive $0xFFFF;
	s2 =	simm.s32 @!p0 $0x1C05  }
0x5b: {  	[timem:s3], [sflag:s2] =	dma.local @!p0 [hbm:s0], s1  }
0x5c: {  	s0 =	simm.s32 @!p0 $0x5  }
0x5d: {  	_ =	swait.ge @!p0 [sflag:s0], s1  }
0x5e: {  	s1 =	ssub.s32 @!p0 $0x0, s1;
	[sflag:s0] =	ssyncset.done @!p0 $0x0  }
0x5f: {  	[sflag:s0] =	ssyncadd.s32 @!p0 s1  }
0x60: {  	[bflag:$0x3] =	sbarrier.arrive $0xFFFF  }
0x61: {  	_ =	shalt  }

// kernel: kernel.20.cloned.1.call-start
scs
__scs_entry_jumppad:
0x0: {  	(pc) =	sbr.rel $0x88, $3  }
0x1: {  	(tag) =	ssettag $0x0;
	lr =	simm.s32 $0x1  }
0x2: {  	[smem:$0x3F9D] =	sst lr;
	_ =	strace $0xD0000000  }
0x3: {  	_ = 	snop  }
0x4: {  	_ = 	snop  }
0x5: {  	_ = 	snop  }
0x6: {  	_ = 	snop  }
0x7: {  	_ = 	snop  }
__scs_overlays_trampoline_lowered:
0x8: {  	[smem:$0x3FAC] =	sst s0  }
0x9: {  	[smem:$0x3FAD] =	sst s1  }
0xa: {  	[smem:$0x3FAE] =	sst s2  }
0xb: {  	[smem:$0x3FAF] =	sst s3  }
0xc: {  	[smem:$0x3FB0] =	sst s4  }
0xd: {  	[smem:$0x3FB1] =	sst s5  }
0xe: {  	[smem:$0x3FB2] =	sst s6  }
0xf: {  	[smem:$0x3FB3] =	sst s7  }
0x10: {  	[smem:$0x3FB4] =	sst s8  }
0x11: {  	[smem:$0x3FB5] =	sst s9;
	s0 =	simm.s32 @!p0 $0x0  }
0x12: {  	s1 =	sld [smem:$0x3F9B];
	s0 =	simm.s32 @p0 $0x1  }
0x13: {  	[smem:$0x3FB6] =	sst s0;
	s0 =	simm.s32 @!p1 $0x0  }
0x14: {  	s2 =	sld [smem:$0x3F9A];
	s0 =	simm.s32 @p1 $0x1  }
0x15: {  	[smem:$0x3FB7] =	sst s0;
	s0 =	simm.s32 @!p2 $0x0  }
0x16: {  	s3 =	sld [smem:$0x3FDB];
	s0 =	simm.s32 @p2 $0x1  }
0x17: {  	s4 =	simm.s32 $0x1BF5;
	[smem:$0x3FB9] =	sst s0  }
0x18: {  	s0 =	sld [smem:$0x3F9C];
	_ =	swait.ge [sflag:s4], $0x0  }
0x19: {  	s7 =	sld [smem:$0x3F9D]  }
0x1a: {  	s8 =	sadd.s32 $0xFFFFE003, lr  }
0x1b: {  	s9 =	sadd.s32 $0xFFFFFEF7, lr;
	s5 =	simm.s32 $0xFFFFFFFF;
	p2 =	slt.u32 s8, $0xFFFFF086  }
0x1c: {  	p1 =	slt.u32 s9, $0xF7A;
	s5 =	simm.s32 @!p2 $0x0  }
0x1d: {  	s5 =	simm.s32 @p1 $0x1;
	p0 =	seq.s32 s7, s2  }
0x1e: {  	s7 =	smul.u32 @!p0 $0xF7A, s2;
	p2 =	seq.s32 @!p0 s5, $0x0  }
0x1f: {  	s9 =	smul.u32 $0xF7A, s1;
	s8 =	simm.s32 @!p0 $0x1BF5;
	p2 =	por !p2, p0  }
0x20: {  	[sflag:s8] =	ssyncset.s32 @!p0 $0xFFFFF086;
	s6 =	sadd.s32 @!p0 s3, s7;
	s7 =	simm.s32 @!p0 $0x108  }
0x21: {  	s3 =	sadd.s32 s3, s9;
	s6 =	sadd.s32 @!p0 $0x88, s6;
	s7 =	simm.s32 @p2 $0x1082  }
0x22: {  	[simem:s7], [sflag:s8] =	dma.local @!p0 [hbm:s6], $0xF7A  }
0x23: {  	s9 =	sor.u32 $0xD0000000, s2;
	s6 =	simm.s32 $0x108;
	_ =	swait.ge @!p0 [sflag:s8], $0x0  }
0x24: {  	s3 =	sadd.s32 $0x88, s3;
	s6 =	simm.s32 @!p1 $0x1082;
	[sflag:s4] =	ssyncset.s32 $0xFFFFF086  }
0x25: {  	[simem:s6], [sflag:s4] =	dma.local [hbm:s3], $0xF7A  }
0x26: {  	[smem:$0x3F9D] =	sst s1;
	(tag) =	ssettag s2;
	_ =	strace s9  }
0x27: {  	s1 =	sld [smem:$0x3FAD]  }
0x28: {  	s2 =	sld [smem:$0x3FAE]  }
0x29: {  	s4 =	sld [smem:$0x3FB0]  }
0x2a: {  	p0 =	seq.s32 s5, $0x0;
	s5 =	sld [smem:$0x3FB1]  }
0x2b: {  	s6 =	sld [smem:$0x3FB2]  }
0x2c: {  	s7 =	sld [smem:$0x3FB3]  }
0x2d: {  	s3 =	simm.s32 $0x108;
	s8 =	sld [smem:$0x3FB4]  }
0x2e: {  	s3 =	simm.s32 @!p0 $0x1082;
	s9 =	sld [smem:$0x3FB5]  }
0x2f: {  	lr =	sadd.s32 s0, s3;
	s0 =	sld [smem:$0x3FAC]  }
0x30: {  	s3 =	sld [smem:$0x3FAF]  }
0x31: {  	[smem:$0x3FB8] =	sst s10  }
0x32: {  	s10 =	sld [smem:$0x3FB6];
	_ =	sdelay $0x3  }
0x33: {  	p0 =	seq.s32 s10, $0x1;
	s10 =	sld [smem:$0x3FB8];
	_ =	sdelay $0x3  }
0x34: {  	[smem:$0x3FB8] =	sst s10  }
0x35: {  	s10 =	sld [smem:$0x3FB7];
	_ =	sdelay $0x3  }
0x36: {  	p1 =	seq.s32 s10, $0x1;
	s10 =	sld [smem:$0x3FB8];
	_ =	sdelay $0x3  }
0x37: {  	[smem:$0x3FB8] =	sst s10  }
0x38: {  	s10 =	sld [smem:$0x3FB9]  }
0x39: {  	_ = 	snop;
	(pc) =	sbr.ind lr, $3  }
0x3a: {  	_ = 	snop  }
0x3b: {  	_ = 	snop  }
0x3c: {  	p2 =	seq.s32 s10, $0x1;
	s10 =	sld [smem:$0x3FB8]  }
0x3d: {  	_ =	shalt  }
0x3e: {  	_ =	shalt  }
0x3f: {  	_ =	shalt  }
0x40: {  	_ =	shalt  }
0x41: {  	_ =	shalt  }
0x42: {  	_ =	shalt  }
0x43: {  	_ =	shalt  }
0x44: {  	_ =	shalt  }
0x45: {  	_ =	shalt  }
0x46: {  	_ =	shalt  }
0x47: {  	_ =	shalt  }
0x48: {  	_ =	shalt  }
0x49: {  	_ =	shalt  }
0x4a: {  	_ =	shalt  }
0x4b: {  	_ =	shalt  }
0x4c: {  	_ =	shalt  }
0x4d: {  	_ =	shalt  }
0x4e: {  	_ =	shalt  }
0x4f: {  	_ =	shalt  }
0x50: {  	_ =	shalt  }
0x51: {  	_ =	shalt  }
0x52: {  	_ =	shalt  }
0x53: {  	_ =	shalt  }
0x54: {  	_ =	shalt  }
0x55: {  	_ =	shalt  }
0x56: {  	_ =	shalt  }
0x57: {  	_ =	shalt  }
0x58: {  	_ =	shalt  }
0x59: {  	_ =	shalt  }
0x5a: {  	_ =	shalt  }
0x5b: {  	_ =	shalt  }
0x5c: {  	_ =	shalt  }
0x5d: {  	_ =	shalt  }
0x5e: {  	_ =	shalt  }
0x5f: {  	_ =	shalt  }
0x60: {  	_ =	shalt  }
0x61: {  	_ =	shalt  }
0x62: {  	_ =	shalt  }
0x63: {  	_ =	shalt  }
0x64: {  	_ =	shalt  }
0x65: {  	_ =	shalt  }
0x66: {  	_ =	shalt  }
0x67: {  	_ =	shalt  }
0x68: {  	_ =	shalt  }
0x69: {  	_ =	shalt  }
0x6a: {  	_ =	shalt  }
0x6b: {  	_ =	shalt  }
0x6c: {  	_ =	shalt  }
0x6d: {  	_ =	shalt  }
0x6e: {  	_ =	shalt  }
0x6f: {  	_ =	shalt  }
0x70: {  	_ =	shalt  }
0x71: {  	_ =	shalt  }
0x72: {  	_ =	shalt  }
0x73: {  	_ =	shalt  }
0x74: {  	_ =	shalt  }
0x75: {  	_ =	shalt  }
0x76: {  	_ =	shalt  }
0x77: {  	_ =	shalt  }
0x78: {  	_ =	shalt  }
0x79: {  	_ =	shalt  }
0x7a: {  	_ =	shalt  }
0x7b: {  	_ =	shalt  }
0x7c: {  	_ =	shalt  }
0x7d: {  	_ =	shalt  }
0x7e: {  	_ =	shalt  }
0x7f: {  	_ =	shalt  }
0x80: {  	_ =	shalt  }
0x81: {  	_ =	shalt  }
0x82: {  	_ =	shalt  }
0x83: {  	_ =	shalt  }
0x84: {  	_ =	shalt  }
0x85: {  	_ =	shalt  }
0x86: {  	_ =	shalt  }
0x87: {  	_ =	shalt  }
.Lfunc_end0:
.L_simem_size_0:
called_computation.2_lowered:
.L_overlay_start_0:
0x88: {  	s2 =	sld [smem:$0x3FD9]  }
0x89: {  	s3 =	sld [smem:$0x3FFE];
	_ =	sdelay $0x1  }
0x8a: {  	s1 =	srdreg.scid  }
0x8b: {  	s0 =	sand.u32 $0x1, s1  }
0x8c: {  	s17 =	sshll.u32 s0, $0xA;
	s2 =	sadd.s32 s3, s2  }
0x8d: {  	s2 =	sadd.s32 s2, s17  }
0x8e: {  	[smem:$0x3FC4] =	sst s2  }
0x8f: {  	_ = 	snop  }
0x90: {  	(tm) =	ssettm $0x1  }
0x91: {  	s18 =	sld [smem:$0x3FFB];
	_ =	sdelay $0x3  }
0x92: {  	_ =	strace s18  }
0x93: {  	s2 =	sld [smem:$0x3FFC];
	_ =	sdelay $0x3  }
0x94: {  	_ =	strace s2  }
0x95: {  	s2 =	sld [smem:$0x3FFD];
	_ =	sdelay $0x3  }
0x96: {  	_ =	strace s2  }
0x97: {  	_ =	strace $0x8FFFFFFF  }
0x98: {  	s19 =	sld [smem:$0x3FDB];
	_ =	sdelay $0x1  }
0x99: {  	s20 =	simm.s32 $_scs_section_size  }
0x9a: {  	s4 =	simm.s32 $_size__tile_overlayer_lowered;
	s5 =	simm.s32 $_tile_overlayer_lowered  }
0x9b: {  	s6 =	simm.s32 $0x1BFF;
	s21 =	sshll.u32 s5, $0x1;
	s3 =	sadd.s32 s20, s19  }
0x9c: {  	s22 =	simm.s32 $0x0;
	s4 =	sshll.u32 s4, $0x1;
	s5 =	sadd.s32 s21, s3  }
0x9d: {  	[timem:s22], [sflag:s6] =	dma.local [hbm:s5], s4  }
0x9e: {  	_ =	swait.ge [sflag:s6], s4  }
0x9f: {  	s4 =	ssub.s32 $0x0, s4;
	[sflag:s6] =	ssyncset.done $0x0  }
0xa0: {  	[sflag:s6] =	ssyncadd.s32 s4;
	_ =	sdelay $0x1  }
0xa1: {  	s23 =	simm.s32 $0x1B8B  }
0xa2: {  	_ =	swait.ge [sflag:s23], $0x1  }
0xa3: {  	[sflag:s23] =	ssyncset.done $0x0  }
0xa4: {  	[sflag:s23] =	ssyncadd.s32 $0xFFFFFFFF  }
0xa5: {  	s4 =	sld [smem:$0x0]  }
0xa6: {  	s5 =	sand.u32 $0xFFFFFFFE, s1  }
0xa7: {  	p0 =	sne.s32 s1, s5  }
0xa8: {  	s5 =	sshll.u32 @p0 s5, $0xE  }
0xa9: {  	s5 =	sadd.s32 @p0 $0x11B8D, s5;
	s6 =	sshll.u32 @p0 s4, $0x11  }
0xaa: {  	s5 =	sor.u32 @p0 s6, s5  }
0xab: {  	[sflag:s5] =	ssyncadd.remote.s32 @p0 $0x1;
	_ =	sdelay $0x1  }
0xac: {  	s5 =	simm.s32 @p0 $0x1B8D  }
0xad: {  	_ =	swait.eq @p0 [sflag:s5], $0x1  }
0xae: {  	[sflag:s5] =	ssyncadd.s32 @p0 $0xFFFFFFFF  }
0xaf: {  	s6 =	sshll.u32 @!p0 s1, $0xE  }
0xb0: {  	s6 =	sor.u32 @!p0 $0x4000, s6;
	s5 =	simm.s32 @!p0 $0x1B8D  }
0xb1: {  	s4 =	sshll.u32 @!p0 s4, $0x11;
	s6 =	sadd.s32 @!p0 $0x11B8D, s6;
	_ =	swait.eq @!p0 [sflag:s5], $0x1  }
0xb2: {  	s4 =	sor.u32 @!p0 s4, s6;
	[sflag:s5] =	ssyncadd.s32 @!p0 $0xFFFFFFFF  }
0xb3: {  	s25 =	simm.s32 $0x1B8E;
	s24 =	sld [smem:$0x3FFE];
	[sflag:s4] =	ssyncadd.remote.s32 @!p0 $0x1  }
0xb4: {  	s26 =	simm.s32 $execute0_lowered;
	[smem:$0x3FD2] =	sst s25  }
0xb5: {  	s5 =	sshll.u32 s26, $0x1;
	_ =	strace $0x8000004C;
	[dreg:$0x1] =	wrdreg $0xFFFFFFFF  }
0xb6: {  	s28 =	simm.s32 $_size_execute0_lowered;
	s3 =	sadd.s32 s3, s5;
	[dreg:$0x0] =	wrdreg $0x0  }
0xb7: {  	s5 =	sshll.u32 s28, $0x1;
	[dreg:$0x2] =	wrdreg s3  }
0xb8: {  	[dreg:$0x3] =	wrdreg s5  }
0xb9: {  	[dreg:$0x4] =	wrdreg $0xC0  }
0xba: {  	_ =	task [dreg:s22], $0x5FFFF  }
0xbb: {  	[dreg:$0x1] =	wrdreg $0xFFFFFFFF  }
0xbc: {  	[dreg:$0x0] =	wrdreg $0x60  }
0xbd: {  	[dreg:$0x2] =	wrdreg s24  }
0xbe: {  	[dreg:$0x3] =	wrdreg $0xB  }
0xbf: {  	_ =	task.clear_ibuf [dreg:s22], $0x4FFFF;
	_ =	strace $0x9000004C  }
0xc0: {  	s29 =	simm.s32 $0xB;
	_ =	strace $0x8000004E  }
0xc1: {  	_ =	swait.ge [sflag:s29], $0x1  }
0xc2: {  	[sflag:s29] =	ssyncadd.s32 $0xFFFFFFFF  }
0xc3: {  	_ =	strace $0x9000004E  }
0xc4: {  	_ =	sfence  }
0xc5: {  	s30 =	sld [smem:$0x0];
	_ =	sdelay $0x2  }
0xc6: {  	s31 =	sshll.u32 s1, $0xD;
	s1 =	sshrl.u32 s1, $0x2  }
0xc7: {  	s4 =	sand.u32 $0x4000, s31;
	s1 =	sadd.s32 s1, s30  }
0xc8: {  	s0 =	sor.u32 s4, s0;
	s1 =	sshll.u32 s1, $0x11  }
0xc9: {  	s0 =	sor.u32 s1, s0  }
0xca: {  	s0 =	sadd.s32 $0x8F2B, s0  }
0xcb: {  	[sflag:s0] =	ssyncadd.remote.s32 $0x1  }
0xcc: {  	_ =	sfence.sel $0xFFFF  }
0xcd: {  	[dreg:$0x0] =	wrdreg $0xFFFFFFFF;
	(pc) =	sbr.abs _section_cstart, $3  }
0xce: {  	[dreg:$0x1] =	wrdreg $0xFFFFFFFF  }
0xcf: {  	_ =	task.clear_ibuf [dreg:s22], $0x2FFFF;
	_ =	strace $0x9FFFFFFF  }
0xd0: {  	(tm) =	ssettm $0x7FFFFFFF  }
0xd1: {  	_ =	shalt  }
tec
execute0_lowered:
.L_overlay_start_1:
0x0: {  	(tag) =	ssettag $0x1  }
0x1: {  	s1 =	srdreg.scid;
	s0 =	stileid.u32  }
0x2: {  	s22 =	sand.u32 $0x1, s1;
	s30 =	sshll.u32 s0, $0x1  }
0x3: {  	s10 =	sor.u32 s22, s30  }
0x4: {  	s3 =	smul.u32 $0x28, s10  }
0x5: {  	s9 =	rddreg [dreg:$0x0];
	s2 =	simm.s32 $0x0  }
0x6: {  	s4 =	simm.s32 $0x5;
	[smem:$0x7FF] =	sst s2;
	s3 =	sadd.s32 s3, s9  }
0x7: {  	s1 =	rddreg [dreg:$0x1];
	_ =	strace $0x8000004D;
	s3 =	sadd.s32 $0x2B400, s3  }
0x8: {  	[tilespmem:s2], [sflag:$0x5] =	stream.linear.gather [hbm4b:s3+s2], $0x140, $0x38;
	[tilespmem:$0x5180] =	vst v63  }
0x9: {  	s6 =	simm.s32 $0x50;
	_ =	swait.ge [sflag:s4], $0x140  }
0xa: {  	s7 =	simm.s32 $0x180;
	s8 =	simm.s32 $0x1;
	[sflag:s4] =	ssyncset.done $0x0  }
0xb: {  	s5 =	sadd.s32 $0x3600, s9;
	s11 =	smul.u32 $0x1400, s10;
	[sflag:s4] =	ssyncadd.s32 $0xFFFFFEC0  }
0xc: {  	[tilespmem:s7], [sflag:$0x1] =	stream.indirect.gather [hbm4b:s5+s6], $0x80, s2, s6, $0xb8;
	[tilespmem:$0x5180] =	vst v63  }
0xd: {  	_ =	swait.ge [sflag:s8], $0x2800  }
0xe: {  	s23 =	sadd.s32 s11, s9;
	[sflag:s8] =	ssyncset.done $0x0  }
0xf: {  	p0 =	seq.s32 s10, $0x1F;
	s9 =	sadd.s32 $0x53800, s23;
	[sflag:s8] =	ssyncadd.s32 $0xFFFFD800  }
0x10: {  	[hbm4b:s9+s2] =	stream.linear.scatter [tilespmem:s7], [sflag:$0x3], $0x2800, $0x38;
	[tilespmem:$0x5180] =	vst v63  }
0x11: {  	s10 =	simm.s32 @!p0 $0x50;
	s12 =	simm.s32 @!p0 $0x2;
	s11 =	simm.s32 @!p0 $0x2980  }
0x12: {  	[tilespmem:s11], [sflag:$0x2] =	stream.indirect.gather @!p0 [hbm4b:s5+s10], $0x80, s10, s10, $0xb8;
	[tilespmem:$0x5180] =	vst v63  }
0x13: {  	_ =	swait.ge @!p0 [sflag:s12], $0x2800  }
0x14: {  	s14 =	simm.s32 @!p0 $0x0;
	[sflag:s12] =	ssyncset.done @!p0 $0x0  }
0x15: {  	s15 =	simm.s32 @!p0 $0x3;
	s13 =	sadd.s32 $0x53D00, s23;
	[sflag:s12] =	ssyncadd.s32 @!p0 $0xFFFFD800  }
0x16: {  	[hbm4b:s13+s14] =	stream.linear.scatter @!p0 [tilespmem:s11], [sflag:$0x4], $0x2800, $0x38;
	[tilespmem:$0x5180] =	vst v63  }
0x17: {  	_ =	swait.ge @!p0 [sflag:s15], $0x2800  }
0x18: {  	s16 =	simm.s32 @!p0 $0x1;
	[sflag:s15] =	ssyncset.done @!p0 $0x0  }
0x19: {  	s17 =	simm.s32 @!p0 $0xA0;
	s18 =	simm.s32 @!p0 $0x180;
	[sflag:s15] =	ssyncadd.s32 @!p0 $0xFFFFD800  }
0x1a: {  	[tilespmem:s18], [sflag:$0x1] =	stream.indirect.gather @!p0 [hbm4b:s5+s10], $0x80, s17, s10, $0xb8;
	[tilespmem:$0x5180] =	vst v63  }
0x1b: {  	_ =	swait.ge @!p0 [sflag:s16], $0x2800  }
0x1c: {  	[sflag:s16] =	ssyncset.done @!p0 $0x0  }
0x1d: {  	s20 =	simm.s32 @!p0 $0x4;
	s19 =	sadd.s32 $0x54200, s23;
	[sflag:s16] =	ssyncadd.s32 @!p0 $0xFFFFD800  }
0x1e: {  	[hbm4b:s19+s14] =	stream.linear.scatter @!p0 [tilespmem:s18], [sflag:$0x3], $0x2800, $0x38;
	[tilespmem:$0x5180] =	vst v63  }
0x1f: {  	s24 =	ssub.s32 $0x2, s22;
	_ =	swait.ge @!p0 [sflag:s20], $0x2800  }
0x20: {  	s25 =	sshrl.u32 s24, $0x1;
	[sflag:s20] =	ssyncset.done @!p0 $0x0  }
0x21: {  	s21 =	simm.s32 @!p0 $0xF0;
	s31 =	ssub.s32 s24, s25;
	[sflag:s20] =	ssyncadd.s32 @!p0 $0xFFFFD800  }
0x22: {  	[tilespmem:s11], [sflag:$0x2] =	stream.indirect.gather @!p0 [hbm4b:s5+s10], $0x80, s21, s10, $0xb8;
	[tilespmem:$0x5180] =	vst v63  }
0x23: {  	s24 =	smax.u32 s31, $0x1;
	_ =	swait.ge @!p0 [sflag:s12], $0x2800  }
0x24: {  	s24 =	sadd.s32 $0xFFFFFFFF, s24;
	[sflag:s12] =	ssyncset.done @!p0 $0x0  }
0x25: {  	s22 =	sadd.s32 $0x54700, s23;
	p1 =	sne.s32 s24, $0x0;
	[sflag:s12] =	ssyncadd.s32 @!p0 $0xFFFFD800  }
0x26: {  	[hbm4b:s22+s14] =	stream.linear.scatter @!p0 [tilespmem:s11], [sflag:$0x4], $0x2800, $0x38;
	[tilespmem:$0x5180] =	vst v63  }
.Ltmp0:
0x27: {  	_ =	swait.ge @!p0 [sflag:s15], $0x2800;
	(pc) =	sbr.rel @!p1 .LBB2_2-.Ltmp0, $4  }
0x28: {  	s23 =	simm.s32 @!p0 $0x4;
	[sflag:s15] =	ssyncset.done @!p0 $0x0  }
0x29: {  	s23 =	simm.s32 @p0 $0x3;
	[sflag:s15] =	ssyncadd.s32 @!p0 $0xFFFFD800  }
0x2a: {  	_ =	swait.ge [sflag:s23], $0x2800  }
0x2b: {  	[sflag:s23] =	ssyncset.done $0x0  }
.LBB2_1:
0x2c: {  	s24 =	sadd.s32 $0xFFFFFFFF, s24;
	[sflag:s23] =	ssyncadd.s32 $0xFFFFD800  }
0x2d: {  	[tilespmem:s2], [sflag:$0x5] =	stream.linear.gather [hbm4b:s3+s2], $0x140, $0x38;
	[tilespmem:$0x5180] =	vst v63  }
0x2e: {  	p1 =	sne.s32 s24, $0x0;
	_ =	swait.ge [sflag:s4], $0x140  }
0x2f: {  	[sflag:s4] =	ssyncset.done $0x0  }
0x30: {  	[sflag:s4] =	ssyncadd.s32 $0xFFFFFEC0  }
0x31: {  	[tilespmem:s7], [sflag:$0x1] =	stream.indirect.gather [hbm4b:s5+s6], $0x80, s2, s6, $0xb8;
	[tilespmem:$0x5180] =	vst v63  }
0x32: {  	_ =	swait.ge [sflag:s8], $0x2800  }
0x33: {  	[sflag:s8] =	ssyncset.done $0x0  }
0x34: {  	[sflag:s8] =	ssyncadd.s32 $0xFFFFD800  }
0x35: {  	[hbm4b:s9+s2] =	stream.linear.scatter [tilespmem:s7], [sflag:$0x3], $0x2800, $0x38;
	[tilespmem:$0x5180] =	vst v63  }
0x36: {  	_ = 	snop  }
0x37: {  	[tilespmem:s11], [sflag:$0x2] =	stream.indirect.gather @!p0 [hbm4b:s5+s10], $0x80, s10, s10, $0xb8;
	[tilespmem:$0x5180] =	vst v63  }
0x38: {  	_ =	swait.ge @!p0 [sflag:s12], $0x2800  }
0x39: {  	[sflag:s12] =	ssyncset.done @!p0 $0x0  }
0x3a: {  	[sflag:s12] =	ssyncadd.s32 @!p0 $0xFFFFD800  }
0x3b: {  	[hbm4b:s13+s14] =	stream.linear.scatter @!p0 [tilespmem:s11], [sflag:$0x4], $0x2800, $0x38;
	[tilespmem:$0x5180] =	vst v63  }
0x3c: {  	_ =	swait.ge @!p0 [sflag:s15], $0x2800  }
0x3d: {  	[sflag:s15] =	ssyncset.done @!p0 $0x0  }
0x3e: {  	[sflag:s15] =	ssyncadd.s32 @!p0 $0xFFFFD800  }
0x3f: {  	[tilespmem:s18], [sflag:$0x1] =	stream.indirect.gather @!p0 [hbm4b:s5+s10], $0x80, s17, s10, $0xb8;
	[tilespmem:$0x5180] =	vst v63  }
0x40: {  	_ =	swait.ge @!p0 [sflag:s16], $0x2800  }
0x41: {  	[sflag:s16] =	ssyncset.done @!p0 $0x0  }
0x42: {  	[sflag:s16] =	ssyncadd.s32 @!p0 $0xFFFFD800  }
0x43: {  	[hbm4b:s19+s14] =	stream.linear.scatter @!p0 [tilespmem:s18], [sflag:$0x3], $0x2800, $0x38;
	[tilespmem:$0x5180] =	vst v63  }
0x44: {  	_ =	swait.ge @!p0 [sflag:s20], $0x2800  }
0x45: {  	[sflag:s20] =	ssyncset.done @!p0 $0x0  }
0x46: {  	[sflag:s20] =	ssyncadd.s32 @!p0 $0xFFFFD800  }
0x47: {  	[tilespmem:s11], [sflag:$0x2] =	stream.indirect.gather @!p0 [hbm4b:s5+s10], $0x80, s21, s10, $0xb8;
	[tilespmem:$0x5180] =	vst v63  }
0x48: {  	_ =	swait.ge @!p0 [sflag:s12], $0x2800  }
0x49: {  	[sflag:s12] =	ssyncset.done @!p0 $0x0  }
0x4a: {  	[sflag:s12] =	ssyncadd.s32 @!p0 $0xFFFFD800  }
0x4b: {  	[hbm4b:s22+s14] =	stream.linear.scatter @!p0 [tilespmem:s11], [sflag:$0x4], $0x2800, $0x38;
	[tilespmem:$0x5180] =	vst v63  }
.Ltmp1:
0x4c: {  	_ =	swait.ge @!p0 [sflag:s15], $0x2800;
	(pc) =	sbr.rel @p1 .LBB2_1-.Ltmp1, $4  }
0x4d: {  	[sflag:s15] =	ssyncset.done @!p0 $0x0  }
0x4e: {  	[sflag:s15] =	ssyncadd.s32 @!p0 $0xFFFFD800  }
0x4f: {  	_ =	swait.ge [sflag:s23], $0x2800  }
0x50: {  	[sflag:s23] =	ssyncset.done $0x0  }
.LBB2_2:
0x51: {  	[sflag:s23] =	ssyncadd.s32 $0xFFFFD800  }
0x52: {  	_ =	sfence.sel $0x180000  }
0x53: {  	[bflag:$0x0] =	sbarrier.arrive $0xFFFF  }
0x54: {  	p0 =	sne.s32 s0, $0x0;
	_ =	strace $0x9000004D  }
0x55: {  	s0 =	sadd.s32 @!p0 $0x100000, s1;
	[bflag:$0x2] =	sbarrier.arrive $0xFFFF  }
0x56: {  	[sflag:s0] =	ssyncadd.tile.s32 @!p0 $0x1;
	_ =	shalt  }
.Lfunc_end2:
_tile_overlayer_lowered:
.L_overlay_start_2:
0x57: {  	(tag) =	ssettag $0x2  }
0x58: {  	s0 =	rddreg [dreg:$0x0];
	s2 =	stileid.u32  }
0x59: {  	s1 =	rddreg [dreg:$0x1];
	p0 =	sne.s32 s2, $0x0  }
0x5a: {  	s3 =	rddreg [dreg:$0x2];
	[bflag:$0x3] =	sbarrier.arrive $0xFFFF;
	s2 =	simm.s32 @!p0 $0x1C05  }
0x5b: {  	[timem:s3], [sflag:s2] =	dma.local @!p0 [hbm:s0], s1  }
0x5c: {  	s0 =	simm.s32 @!p0 $0x5  }
0x5d: {  	_ =	swait.ge @!p0 [sflag:s0], s1  }
0x5e: {  	s1 =	ssub.s32 @!p0 $0x0, s1;
	[sflag:s0] =	ssyncset.done @!p0 $0x0  }
0x5f: {  	[sflag:s0] =	ssyncadd.s32 @!p0 s1  }
0x60: {  	[bflag:$0x3] =	sbarrier.arrive $0xFFFF  }
0x61: {  	_ =	shalt  }

// kernel: kernel.23.cloned.1.call-start
scs
__scs_entry_jumppad:
0x0: {  	(pc) =	sbr.rel $0x88, $3  }
0x1: {  	(tag) =	ssettag $0x0;
	lr =	simm.s32 $0x1  }
0x2: {  	[smem:$0x3F9D] =	sst lr;
	_ =	strace $0xD0000000  }
0x3: {  	_ = 	snop  }
0x4: {  	_ = 	snop  }
0x5: {  	_ = 	snop  }
0x6: {  	_ = 	snop  }
0x7: {  	_ = 	snop  }
__scs_overlays_trampoline_lowered:
0x8: {  	[smem:$0x3FAC] =	sst s0  }
0x9: {  	[smem:$0x3FAD] =	sst s1  }
0xa: {  	[smem:$0x3FAE] =	sst s2  }
0xb: {  	[smem:$0x3FAF] =	sst s3  }
0xc: {  	[smem:$0x3FB0] =	sst s4  }
0xd: {  	[smem:$0x3FB1] =	sst s5  }
0xe: {  	[smem:$0x3FB2] =	sst s6  }
0xf: {  	[smem:$0x3FB3] =	sst s7  }
0x10: {  	[smem:$0x3FB4] =	sst s8  }
0x11: {  	[smem:$0x3FB5] =	sst s9;
	s0 =	simm.s32 @!p0 $0x0  }
0x12: {  	s1 =	sld [smem:$0x3F9B];
	s0 =	simm.s32 @p0 $0x1  }
0x13: {  	[smem:$0x3FB6] =	sst s0;
	s0 =	simm.s32 @!p1 $0x0  }
0x14: {  	s2 =	sld [smem:$0x3F9A];
	s0 =	simm.s32 @p1 $0x1  }
0x15: {  	[smem:$0x3FB7] =	sst s0;
	s0 =	simm.s32 @!p2 $0x0  }
0x16: {  	s3 =	sld [smem:$0x3FDB];
	s0 =	simm.s32 @p2 $0x1  }
0x17: {  	s4 =	simm.s32 $0x1BF5;
	[smem:$0x3FB9] =	sst s0  }
0x18: {  	s0 =	sld [smem:$0x3F9C];
	_ =	swait.ge [sflag:s4], $0x0  }
0x19: {  	s7 =	sld [smem:$0x3F9D]  }
0x1a: {  	s8 =	sadd.s32 $0xFFFFE003, lr  }
0x1b: {  	s9 =	sadd.s32 $0xFFFFFEF7, lr;
	s5 =	simm.s32 $0xFFFFFFFF;
	p2 =	slt.u32 s8, $0xFFFFF086  }
0x1c: {  	p1 =	slt.u32 s9, $0xF7A;
	s5 =	simm.s32 @!p2 $0x0  }
0x1d: {  	s5 =	simm.s32 @p1 $0x1;
	p0 =	seq.s32 s7, s2  }
0x1e: {  	s7 =	smul.u32 @!p0 $0xF7A, s2;
	p2 =	seq.s32 @!p0 s5, $0x0  }
0x1f: {  	s9 =	smul.u32 $0xF7A, s1;
	s8 =	simm.s32 @!p0 $0x1BF5;
	p2 =	por !p2, p0  }
0x20: {  	[sflag:s8] =	ssyncset.s32 @!p0 $0xFFFFF086;
	s6 =	sadd.s32 @!p0 s3, s7;
	s7 =	simm.s32 @!p0 $0x108  }
0x21: {  	s3 =	sadd.s32 s3, s9;
	s6 =	sadd.s32 @!p0 $0x88, s6;
	s7 =	simm.s32 @p2 $0x1082  }
0x22: {  	[simem:s7], [sflag:s8] =	dma.local @!p0 [hbm:s6], $0xF7A  }
0x23: {  	s9 =	sor.u32 $0xD0000000, s2;
	s6 =	simm.s32 $0x108;
	_ =	swait.ge @!p0 [sflag:s8], $0x0  }
0x24: {  	s3 =	sadd.s32 $0x88, s3;
	s6 =	simm.s32 @!p1 $0x1082;
	[sflag:s4] =	ssyncset.s32 $0xFFFFF086  }
0x25: {  	[simem:s6], [sflag:s4] =	dma.local [hbm:s3], $0xF7A  }
0x26: {  	[smem:$0x3F9D] =	sst s1;
	(tag) =	ssettag s2;
	_ =	strace s9  }
0x27: {  	s1 =	sld [smem:$0x3FAD]  }
0x28: {  	s2 =	sld [smem:$0x3FAE]  }
0x29: {  	s4 =	sld [smem:$0x3FB0]  }
0x2a: {  	p0 =	seq.s32 s5, $0x0;
	s5 =	sld [smem:$0x3FB1]  }
0x2b: {  	s6 =	sld [smem:$0x3FB2]  }
0x2c: {  	s7 =	sld [smem:$0x3FB3]  }
0x2d: {  	s3 =	simm.s32 $0x108;
	s8 =	sld [smem:$0x3FB4]  }
0x2e: {  	s3 =	simm.s32 @!p0 $0x1082;
	s9 =	sld [smem:$0x3FB5]  }
0x2f: {  	lr =	sadd.s32 s0, s3;
	s0 =	sld [smem:$0x3FAC]  }
0x30: {  	s3 =	sld [smem:$0x3FAF]  }
0x31: {  	[smem:$0x3FB8] =	sst s10  }
0x32: {  	s10 =	sld [smem:$0x3FB6];
	_ =	sdelay $0x3  }
0x33: {  	p0 =	seq.s32 s10, $0x1;
	s10 =	sld [smem:$0x3FB8];
	_ =	sdelay $0x3  }
0x34: {  	[smem:$0x3FB8] =	sst s10  }
0x35: {  	s10 =	sld [smem:$0x3FB7];
	_ =	sdelay $0x3  }
0x36: {  	p1 =	seq.s32 s10, $0x1;
	s10 =	sld [smem:$0x3FB8];
	_ =	sdelay $0x3  }
0x37: {  	[smem:$0x3FB8] =	sst s10  }
0x38: {  	s10 =	sld [smem:$0x3FB9]  }
0x39: {  	_ = 	snop;
	(pc) =	sbr.ind lr, $3  }
0x3a: {  	_ = 	snop  }
0x3b: {  	_ = 	snop  }
0x3c: {  	p2 =	seq.s32 s10, $0x1;
	s10 =	sld [smem:$0x3FB8]  }
0x3d: {  	_ =	shalt  }
0x3e: {  	_ =	shalt  }
0x3f: {  	_ =	shalt  }
0x40: {  	_ =	shalt  }
0x41: {  	_ =	shalt  }
0x42: {  	_ =	shalt  }
0x43: {  	_ =	shalt  }
0x44: {  	_ =	shalt  }
0x45: {  	_ =	shalt  }
0x46: {  	_ =	shalt  }
0x47: {  	_ =	shalt  }
0x48: {  	_ =	shalt  }
0x49: {  	_ =	shalt  }
0x4a: {  	_ =	shalt  }
0x4b: {  	_ =	shalt  }
0x4c: {  	_ =	shalt  }
0x4d: {  	_ =	shalt  }
0x4e: {  	_ =	shalt  }
0x4f: {  	_ =	shalt  }
0x50: {  	_ =	shalt  }
0x51: {  	_ =	shalt  }
0x52: {  	_ =	shalt  }
0x53: {  	_ =	shalt  }
0x54: {  	_ =	shalt  }
0x55: {  	_ =	shalt  }
0x56: {  	_ =	shalt  }
0x57: {  	_ =	shalt  }
0x58: {  	_ =	shalt  }
0x59: {  	_ =	shalt  }
0x5a: {  	_ =	shalt  }
0x5b: {  	_ =	shalt  }
0x5c: {  	_ =	shalt  }
0x5d: {  	_ =	shalt  }
0x5e: {  	_ =	shalt  }
0x5f: {  	_ =	shalt  }
0x60: {  	_ =	shalt  }
0x61: {  	_ =	shalt  }
0x62: {  	_ =	shalt  }
0x63: {  	_ =	shalt  }
0x64: {  	_ =	shalt  }
0x65: {  	_ =	shalt  }
0x66: {  	_ =	shalt  }
0x67: {  	_ =	shalt  }
0x68: {  	_ =	shalt  }
0x69: {  	_ =	shalt  }
0x6a: {  	_ =	shalt  }
0x6b: {  	_ =	shalt  }
0x6c: {  	_ =	shalt  }
0x6d: {  	_ =	shalt  }
0x6e: {  	_ =	shalt  }
0x6f: {  	_ =	shalt  }
0x70: {  	_ =	shalt  }
0x71: {  	_ =	shalt  }
0x72: {  	_ =	shalt  }
0x73: {  	_ =	shalt  }
0x74: {  	_ =	shalt  }
0x75: {  	_ =	shalt  }
0x76: {  	_ =	shalt  }
0x77: {  	_ =	shalt  }
0x78: {  	_ =	shalt  }
0x79: {  	_ =	shalt  }
0x7a: {  	_ =	shalt  }
0x7b: {  	_ =	shalt  }
0x7c: {  	_ =	shalt  }
0x7d: {  	_ =	shalt  }
0x7e: {  	_ =	shalt  }
0x7f: {  	_ =	shalt  }
0x80: {  	_ =	shalt  }
0x81: {  	_ =	shalt  }
0x82: {  	_ =	shalt  }
0x83: {  	_ =	shalt  }
0x84: {  	_ =	shalt  }
0x85: {  	_ =	shalt  }
0x86: {  	_ =	shalt  }
0x87: {  	_ =	shalt  }
.Lfunc_end0:
.L_simem_size_0:
called_computation.3_lowered:
.L_overlay_start_0:
0x88: {  	s2 =	sld [smem:$0x3FD9]  }
0x89: {  	s3 =	sld [smem:$0x3FFE];
	_ =	sdelay $0x1  }
0x8a: {  	s1 =	srdreg.scid  }
0x8b: {  	s0 =	sand.u32 $0x1, s1  }
0x8c: {  	s17 =	sshll.u32 s0, $0xA;
	s2 =	sadd.s32 s3, s2  }
0x8d: {  	s2 =	sadd.s32 s2, s17  }
0x8e: {  	[smem:$0x3FC4] =	sst s2  }
0x8f: {  	_ = 	snop  }
0x90: {  	(tm) =	ssettm $0x1  }
0x91: {  	s18 =	sld [smem:$0x3FFB];
	_ =	sdelay $0x3  }
0x92: {  	_ =	strace s18  }
0x93: {  	s2 =	sld [smem:$0x3FFC];
	_ =	sdelay $0x3  }
0x94: {  	_ =	strace s2  }
0x95: {  	s2 =	sld [smem:$0x3FFD];
	_ =	sdelay $0x3  }
0x96: {  	_ =	strace s2  }
0x97: {  	_ =	strace $0x8FFFFFFF  }
0x98: {  	s19 =	sld [smem:$0x3FDB];
	_ =	sdelay $0x1  }
0x99: {  	s20 =	simm.s32 $_scs_section_size  }
0x9a: {  	s4 =	simm.s32 $_size__tile_overlayer_lowered;
	s5 =	simm.s32 $_tile_overlayer_lowered  }
0x9b: {  	s6 =	simm.s32 $0x1BFF;
	s21 =	sshll.u32 s5, $0x1;
	s3 =	sadd.s32 s20, s19  }
0x9c: {  	s22 =	simm.s32 $0x0;
	s4 =	sshll.u32 s4, $0x1;
	s5 =	sadd.s32 s21, s3  }
0x9d: {  	[timem:s22], [sflag:s6] =	dma.local [hbm:s5], s4  }
0x9e: {  	_ =	swait.ge [sflag:s6], s4  }
0x9f: {  	s4 =	ssub.s32 $0x0, s4;
	[sflag:s6] =	ssyncset.done $0x0  }
0xa0: {  	[sflag:s6] =	ssyncadd.s32 s4;
	_ =	sdelay $0x1  }
0xa1: {  	s23 =	simm.s32 $0x1B8B  }
0xa2: {  	_ =	swait.ge [sflag:s23], $0x1  }
0xa3: {  	[sflag:s23] =	ssyncset.done $0x0  }
0xa4: {  	[sflag:s23] =	ssyncadd.s32 $0xFFFFFFFF  }
0xa5: {  	s4 =	sld [smem:$0x0]  }
0xa6: {  	s5 =	sand.u32 $0xFFFFFFFE, s1  }
0xa7: {  	p0 =	sne.s32 s1, s5  }
0xa8: {  	s5 =	sshll.u32 @p0 s5, $0xE  }
0xa9: {  	s5 =	sadd.s32 @p0 $0x11B8D, s5;
	s6 =	sshll.u32 @p0 s4, $0x11  }
0xaa: {  	s5 =	sor.u32 @p0 s6, s5  }
0xab: {  	[sflag:s5] =	ssyncadd.remote.s32 @p0 $0x1;
	_ =	sdelay $0x1  }
0xac: {  	s5 =	simm.s32 @p0 $0x1B8D  }
0xad: {  	_ =	swait.eq @p0 [sflag:s5], $0x1  }
0xae: {  	[sflag:s5] =	ssyncadd.s32 @p0 $0xFFFFFFFF  }
0xaf: {  	s6 =	sshll.u32 @!p0 s1, $0xE  }
0xb0: {  	s6 =	sor.u32 @!p0 $0x4000, s6;
	s5 =	simm.s32 @!p0 $0x1B8D  }
0xb1: {  	s4 =	sshll.u32 @!p0 s4, $0x11;
	s6 =	sadd.s32 @!p0 $0x11B8D, s6;
	_ =	swait.eq @!p0 [sflag:s5], $0x1  }
0xb2: {  	s4 =	sor.u32 @!p0 s4, s6;
	[sflag:s5] =	ssyncadd.s32 @!p0 $0xFFFFFFFF  }
0xb3: {  	s25 =	simm.s32 $0x1B8E;
	s24 =	sld [smem:$0x3FFE];
	[sflag:s4] =	ssyncadd.remote.s32 @!p0 $0x1  }
0xb4: {  	s26 =	simm.s32 $execute0_lowered;
	[smem:$0x3FD2] =	sst s25  }
0xb5: {  	s5 =	sshll.u32 s26, $0x1;
	_ =	strace $0x8000004F;
	[dreg:$0x1] =	wrdreg $0xFFFFFFFF  }
0xb6: {  	s28 =	simm.s32 $_size_execute0_lowered;
	s3 =	sadd.s32 s3, s5;
	[dreg:$0x0] =	wrdreg $0x0  }
0xb7: {  	s5 =	sshll.u32 s28, $0x1;
	[dreg:$0x2] =	wrdreg s3  }
0xb8: {  	[dreg:$0x3] =	wrdreg s5  }
0xb9: {  	[dreg:$0x4] =	wrdreg $0xC0  }
0xba: {  	_ =	task [dreg:s22], $0x5FFFF  }
0xbb: {  	[dreg:$0x1] =	wrdreg $0xFFFFFFFF  }
0xbc: {  	[dreg:$0x0] =	wrdreg $0x60  }
0xbd: {  	[dreg:$0x2] =	wrdreg s24  }
0xbe: {  	[dreg:$0x3] =	wrdreg $0xC  }
0xbf: {  	_ =	task.clear_ibuf [dreg:s22], $0x4FFFF;
	_ =	strace $0x9000004F  }
0xc0: {  	s29 =	simm.s32 $0xC;
	_ =	strace $0x80000051  }
0xc1: {  	_ =	swait.ge [sflag:s29], $0x1  }
0xc2: {  	[sflag:s29] =	ssyncadd.s32 $0xFFFFFFFF  }
0xc3: {  	_ =	strace $0x90000051  }
0xc4: {  	_ =	sfence  }
0xc5: {  	s30 =	sld [smem:$0x0];
	_ =	sdelay $0x2  }
0xc6: {  	s31 =	sshll.u32 s1, $0xD;
	s1 =	sshrl.u32 s1, $0x2  }
0xc7: {  	s4 =	sand.u32 $0x4000, s31;
	s1 =	sadd.s32 s1, s30  }
0xc8: {  	s0 =	sor.u32 s4, s0;
	s1 =	sshll.u32 s1, $0x11  }
0xc9: {  	s0 =	sor.u32 s1, s0  }
0xca: {  	s0 =	sadd.s32 $0x8F2B, s0  }
0xcb: {  	[sflag:s0] =	ssyncadd.remote.s32 $0x1  }
0xcc: {  	_ =	sfence.sel $0xFFFF  }
0xcd: {  	[dreg:$0x0] =	wrdreg $0xFFFFFFFF;
	(pc) =	sbr.abs _section_cstart, $3  }
0xce: {  	[dreg:$0x1] =	wrdreg $0xFFFFFFFF  }
0xcf: {  	_ =	task.clear_ibuf [dreg:s22], $0x2FFFF;
	_ =	strace $0x9FFFFFFF  }
0xd0: {  	(tm) =	ssettm $0x7FFFFFFF  }
0xd1: {  	_ =	shalt  }
tec
execute0_lowered:
.L_overlay_start_1:
0x0: {  	(tag) =	ssettag $0x1  }
0x1: {  	s1 =	srdreg.scid;
	s0 =	stileid.u32  }
0x2: {  	s22 =	sand.u32 $0x1, s1;
	s30 =	sshll.u32 s0, $0x1  }
0x3: {  	s10 =	sor.u32 s22, s30  }
0x4: {  	s3 =	smul.u32 $0x28, s10  }
0x5: {  	s9 =	rddreg [dreg:$0x0];
	s2 =	simm.s32 $0x0  }
0x6: {  	s4 =	simm.s32 $0x5;
	[smem:$0x7FF] =	sst s2;
	s3 =	sadd.s32 s3, s9  }
0x7: {  	s1 =	rddreg [dreg:$0x1];
	_ =	strace $0x80000050;
	s3 =	sadd.s32 $0x2BA00, s3  }
0x8: {  	[tilespmem:s2], [sflag:$0x5] =	stream.linear.gather [hbm4b:s3+s2], $0x140, $0x38;
	[tilespmem:$0x5180] =	vst v63  }
0x9: {  	s6 =	simm.s32 $0x50;
	_ =	swait.ge [sflag:s4], $0x140  }
0xa: {  	s7 =	simm.s32 $0x180;
	s8 =	simm.s32 $0x1;
	[sflag:s4] =	ssyncset.done $0x0  }
0xb: {  	s5 =	sadd.s32 $0x3600, s9;
	s11 =	smul.u32 $0x1400, s10;
	[sflag:s4] =	ssyncadd.s32 $0xFFFFFEC0  }
0xc: {  	[tilespmem:s7], [sflag:$0x1] =	stream.indirect.gather [hbm4b:s5+s6], $0x80, s2, s6, $0xb8;
	[tilespmem:$0x5180] =	vst v63  }
0xd: {  	_ =	swait.ge [sflag:s8], $0x2800  }
0xe: {  	s23 =	sadd.s32 s11, s9;
	[sflag:s8] =	ssyncset.done $0x0  }
0xf: {  	p0 =	seq.s32 s10, $0x1F;
	s9 =	sadd.s32 $0x7AA00, s23;
	[sflag:s8] =	ssyncadd.s32 $0xFFFFD800  }
0x10: {  	[hbm4b:s9+s2] =	stream.linear.scatter [tilespmem:s7], [sflag:$0x3], $0x2800, $0x38;
	[tilespmem:$0x5180] =	vst v63  }
0x11: {  	s10 =	simm.s32 @!p0 $0x50;
	s12 =	simm.s32 @!p0 $0x2;
	s11 =	simm.s32 @!p0 $0x2980  }
0x12: {  	[tilespmem:s11], [sflag:$0x2] =	stream.indirect.gather @!p0 [hbm4b:s5+s10], $0x80, s10, s10, $0xb8;
	[tilespmem:$0x5180] =	vst v63  }
0x13: {  	_ =	swait.ge @!p0 [sflag:s12], $0x2800  }
0x14: {  	s14 =	simm.s32 @!p0 $0x0;
	[sflag:s12] =	ssyncset.done @!p0 $0x0  }
0x15: {  	s15 =	simm.s32 @!p0 $0x3;
	s13 =	sadd.s32 $0x7AF00, s23;
	[sflag:s12] =	ssyncadd.s32 @!p0 $0xFFFFD800  }
0x16: {  	[hbm4b:s13+s14] =	stream.linear.scatter @!p0 [tilespmem:s11], [sflag:$0x4], $0x2800, $0x38;
	[tilespmem:$0x5180] =	vst v63  }
0x17: {  	_ =	swait.ge @!p0 [sflag:s15], $0x2800  }
0x18: {  	s16 =	simm.s32 @!p0 $0x1;
	[sflag:s15] =	ssyncset.done @!p0 $0x0  }
0x19: {  	s17 =	simm.s32 @!p0 $0xA0;
	s18 =	simm.s32 @!p0 $0x180;
	[sflag:s15] =	ssyncadd.s32 @!p0 $0xFFFFD800  }
0x1a: {  	[tilespmem:s18], [sflag:$0x1] =	stream.indirect.gather @!p0 [hbm4b:s5+s10], $0x80, s17, s10, $0xb8;
	[tilespmem:$0x5180] =	vst v63  }
0x1b: {  	_ =	swait.ge @!p0 [sflag:s16], $0x2800  }
0x1c: {  	[sflag:s16] =	ssyncset.done @!p0 $0x0  }
0x1d: {  	s20 =	simm.s32 @!p0 $0x4;
	s19 =	sadd.s32 $0x7B400, s23;
	[sflag:s16] =	ssyncadd.s32 @!p0 $0xFFFFD800  }
0x1e: {  	[hbm4b:s19+s14] =	stream.linear.scatter @!p0 [tilespmem:s18], [sflag:$0x3], $0x2800, $0x38;
	[tilespmem:$0x5180] =	vst v63  }
0x1f: {  	s24 =	ssub.s32 $0x2, s22;
	_ =	swait.ge @!p0 [sflag:s20], $0x2800  }
0x20: {  	s25 =	sshrl.u32 s24, $0x1;
	[sflag:s20] =	ssyncset.done @!p0 $0x0  }
0x21: {  	s21 =	simm.s32 @!p0 $0xF0;
	s31 =	ssub.s32 s24, s25;
	[sflag:s20] =	ssyncadd.s32 @!p0 $0xFFFFD800  }
0x22: {  	[tilespmem:s11], [sflag:$0x2] =	stream.indirect.gather @!p0 [hbm4b:s5+s10], $0x80, s21, s10, $0xb8;
	[tilespmem:$0x5180] =	vst v63  }
0x23: {  	s24 =	smax.u32 s31, $0x1;
	_ =	swait.ge @!p0 [sflag:s12], $0x2800  }
0x24: {  	s24 =	sadd.s32 $0xFFFFFFFF, s24;
	[sflag:s12] =	ssyncset.done @!p0 $0x0  }
0x25: {  	s22 =	sadd.s32 $0x7B900, s23;
	p1 =	sne.s32 s24, $0x0;
	[sflag:s12] =	ssyncadd.s32 @!p0 $0xFFFFD800  }
0x26: {  	[hbm4b:s22+s14] =	stream.linear.scatter @!p0 [tilespmem:s11], [sflag:$0x4], $0x2800, $0x38;
	[tilespmem:$0x5180] =	vst v63  }
.Ltmp0:
0x27: {  	_ =	swait.ge @!p0 [sflag:s15], $0x2800;
	(pc) =	sbr.rel @!p1 .LBB2_2-.Ltmp0, $4  }
0x28: {  	s23 =	simm.s32 @!p0 $0x4;
	[sflag:s15] =	ssyncset.done @!p0 $0x0  }
0x29: {  	s23 =	simm.s32 @p0 $0x3;
	[sflag:s15] =	ssyncadd.s32 @!p0 $0xFFFFD800  }
0x2a: {  	_ =	swait.ge [sflag:s23], $0x2800  }
0x2b: {  	[sflag:s23] =	ssyncset.done $0x0  }
.LBB2_1:
0x2c: {  	s24 =	sadd.s32 $0xFFFFFFFF, s24;
	[sflag:s23] =	ssyncadd.s32 $0xFFFFD800  }
0x2d: {  	[tilespmem:s2], [sflag:$0x5] =	stream.linear.gather [hbm4b:s3+s2], $0x140, $0x38;
	[tilespmem:$0x5180] =	vst v63  }
0x2e: {  	p1 =	sne.s32 s24, $0x0;
	_ =	swait.ge [sflag:s4], $0x140  }
0x2f: {  	[sflag:s4] =	ssyncset.done $0x0  }
0x30: {  	[sflag:s4] =	ssyncadd.s32 $0xFFFFFEC0  }
0x31: {  	[tilespmem:s7], [sflag:$0x1] =	stream.indirect.gather [hbm4b:s5+s6], $0x80, s2, s6, $0xb8;
	[tilespmem:$0x5180] =	vst v63  }
0x32: {  	_ =	swait.ge [sflag:s8], $0x2800  }
0x33: {  	[sflag:s8] =	ssyncset.done $0x0  }
0x34: {  	[sflag:s8] =	ssyncadd.s32 $0xFFFFD800  }
0x35: {  	[hbm4b:s9+s2] =	stream.linear.scatter [tilespmem:s7], [sflag:$0x3], $0x2800, $0x38;
	[tilespmem:$0x5180] =	vst v63  }
0x36: {  	_ = 	snop  }
0x37: {  	[tilespmem:s11], [sflag:$0x2] =	stream.indirect.gather @!p0 [hbm4b:s5+s10], $0x80, s10, s10, $0xb8;
	[tilespmem:$0x5180] =	vst v63  }
0x38: {  	_ =	swait.ge @!p0 [sflag:s12], $0x2800  }
0x39: {  	[sflag:s12] =	ssyncset.done @!p0 $0x0  }
0x3a: {  	[sflag:s12] =	ssyncadd.s32 @!p0 $0xFFFFD800  }
0x3b: {  	[hbm4b:s13+s14] =	stream.linear.scatter @!p0 [tilespmem:s11], [sflag:$0x4], $0x2800, $0x38;
	[tilespmem:$0x5180] =	vst v63  }
0x3c: {  	_ =	swait.ge @!p0 [sflag:s15], $0x2800  }
0x3d: {  	[sflag:s15] =	ssyncset.done @!p0 $0x0  }
0x3e: {  	[sflag:s15] =	ssyncadd.s32 @!p0 $0xFFFFD800  }
0x3f: {  	[tilespmem:s18], [sflag:$0x1] =	stream.indirect.gather @!p0 [hbm4b:s5+s10], $0x80, s17, s10, $0xb8;
	[tilespmem:$0x5180] =	vst v63  }
0x40: {  	_ =	swait.ge @!p0 [sflag:s16], $0x2800  }
0x41: {  	[sflag:s16] =	ssyncset.done @!p0 $0x0  }
0x42: {  	[sflag:s16] =	ssyncadd.s32 @!p0 $0xFFFFD800  }
0x43: {  	[hbm4b:s19+s14] =	stream.linear.scatter @!p0 [tilespmem:s18], [sflag:$0x3], $0x2800, $0x38;
	[tilespmem:$0x5180] =	vst v63  }
0x44: {  	_ =	swait.ge @!p0 [sflag:s20], $0x2800  }
0x45: {  	[sflag:s20] =	ssyncset.done @!p0 $0x0  }
0x46: {  	[sflag:s20] =	ssyncadd.s32 @!p0 $0xFFFFD800  }
0x47: {  	[tilespmem:s11], [sflag:$0x2] =	stream.indirect.gather @!p0 [hbm4b:s5+s10], $0x80, s21, s10, $0xb8;
	[tilespmem:$0x5180] =	vst v63  }
0x48: {  	_ =	swait.ge @!p0 [sflag:s12], $0x2800  }
0x49: {  	[sflag:s12] =	ssyncset.done @!p0 $0x0  }
0x4a: {  	[sflag:s12] =	ssyncadd.s32 @!p0 $0xFFFFD800  }
0x4b: {  	[hbm4b:s22+s14] =	stream.linear.scatter @!p0 [tilespmem:s11], [sflag:$0x4], $0x2800, $0x38;
	[tilespmem:$0x5180] =	vst v63  }
.Ltmp1:
0x4c: {  	_ =	swait.ge @!p0 [sflag:s15], $0x2800;
	(pc) =	sbr.rel @p1 .LBB2_1-.Ltmp1, $4  }
0x4d: {  	[sflag:s15] =	ssyncset.done @!p0 $0x0  }
0x4e: {  	[sflag:s15] =	ssyncadd.s32 @!p0 $0xFFFFD800  }
0x4f: {  	_ =	swait.ge [sflag:s23], $0x2800  }
0x50: {  	[sflag:s23] =	ssyncset.done $0x0  }
.LBB2_2:
0x51: {  	[sflag:s23] =	ssyncadd.s32 $0xFFFFD800  }
0x52: {  	_ =	sfence.sel $0x180000  }
0x53: {  	[bflag:$0x0] =	sbarrier.arrive $0xFFFF  }
0x54: {  	p0 =	sne.s32 s0, $0x0;
	_ =	strace $0x90000050  }
0x55: {  	s0 =	sadd.s32 @!p0 $0x100000, s1;
	[bflag:$0x2] =	sbarrier.arrive $0xFFFF  }
0x56: {  	[sflag:s0] =	ssyncadd.tile.s32 @!p0 $0x1;
	_ =	shalt  }
.Lfunc_end2:
_tile_overlayer_lowered:
.L_overlay_start_2:
0x57: {  	(tag) =	ssettag $0x2  }
0x58: {  	s0 =	rddreg [dreg:$0x0];
	s2 =	stileid.u32  }
0x59: {  	s1 =	rddreg [dreg:$0x1];
	p0 =	sne.s32 s2, $0x0  }
0x5a: {  	s3 =	rddreg [dreg:$0x2];
	[bflag:$0x3] =	sbarrier.arrive $0xFFFF;
	s2 =	simm.s32 @!p0 $0x1C05  }
0x5b: {  	[timem:s3], [sflag:s2] =	dma.local @!p0 [hbm:s0], s1  }
0x5c: {  	s0 =	simm.s32 @!p0 $0x5  }
0x5d: {  	_ =	swait.ge @!p0 [sflag:s0], s1  }
0x5e: {  	s1 =	ssub.s32 @!p0 $0x0, s1;
	[sflag:s0] =	ssyncset.done @!p0 $0x0  }
0x5f: {  	[sflag:s0] =	ssyncadd.s32 @!p0 s1  }
0x60: {  	[bflag:$0x3] =	sbarrier.arrive $0xFFFF  }
0x61: {  	_ =	shalt  }

// kernel: kernel.26.cloned.1.call-start
scs
__scs_entry_jumppad:
0x0: {  	(pc) =	sbr.rel $0x88, $3  }
0x1: {  	(tag) =	ssettag $0x0;
	lr =	simm.s32 $0x1  }
0x2: {  	[smem:$0x3F9D] =	sst lr;
	_ =	strace $0xD0000000  }
0x3: {  	_ = 	snop  }
0x4: {  	_ = 	snop  }
0x5: {  	_ = 	snop  }
0x6: {  	_ = 	snop  }
0x7: {  	_ = 	snop  }
__scs_overlays_trampoline_lowered:
0x8: {  	[smem:$0x3FAC] =	sst s0  }
0x9: {  	[smem:$0x3FAD] =	sst s1  }
0xa: {  	[smem:$0x3FAE] =	sst s2  }
0xb: {  	[smem:$0x3FAF] =	sst s3  }
0xc: {  	[smem:$0x3FB0] =	sst s4  }
0xd: {  	[smem:$0x3FB1] =	sst s5  }
0xe: {  	[smem:$0x3FB2] =	sst s6  }
0xf: {  	[smem:$0x3FB3] =	sst s7  }
0x10: {  	[smem:$0x3FB4] =	sst s8  }
0x11: {  	[smem:$0x3FB5] =	sst s9;
	s0 =	simm.s32 @!p0 $0x0  }
0x12: {  	s1 =	sld [smem:$0x3F9B];
	s0 =	simm.s32 @p0 $0x1  }
0x13: {  	[smem:$0x3FB6] =	sst s0;
	s0 =	simm.s32 @!p1 $0x0  }
0x14: {  	s2 =	sld [smem:$0x3F9A];
	s0 =	simm.s32 @p1 $0x1  }
0x15: {  	[smem:$0x3FB7] =	sst s0;
	s0 =	simm.s32 @!p2 $0x0  }
0x16: {  	s3 =	sld [smem:$0x3FDB];
	s0 =	simm.s32 @p2 $0x1  }
0x17: {  	s4 =	simm.s32 $0x1BF5;
	[smem:$0x3FB9] =	sst s0  }
0x18: {  	s0 =	sld [smem:$0x3F9C];
	_ =	swait.ge [sflag:s4], $0x0  }
0x19: {  	s7 =	sld [smem:$0x3F9D]  }
0x1a: {  	s8 =	sadd.s32 $0xFFFFE003, lr  }
0x1b: {  	s9 =	sadd.s32 $0xFFFFFEF7, lr;
	s5 =	simm.s32 $0xFFFFFFFF;
	p2 =	slt.u32 s8, $0xFFFFF086  }
0x1c: {  	p1 =	slt.u32 s9, $0xF7A;
	s5 =	simm.s32 @!p2 $0x0  }
0x1d: {  	s5 =	simm.s32 @p1 $0x1;
	p0 =	seq.s32 s7, s2  }
0x1e: {  	s7 =	smul.u32 @!p0 $0xF7A, s2;
	p2 =	seq.s32 @!p0 s5, $0x0  }
0x1f: {  	s9 =	smul.u32 $0xF7A, s1;
	s8 =	simm.s32 @!p0 $0x1BF5;
	p2 =	por !p2, p0  }
0x20: {  	[sflag:s8] =	ssyncset.s32 @!p0 $0xFFFFF086;
	s6 =	sadd.s32 @!p0 s3, s7;
	s7 =	simm.s32 @!p0 $0x108  }
0x21: {  	s3 =	sadd.s32 s3, s9;
	s6 =	sadd.s32 @!p0 $0x88, s6;
	s7 =	simm.s32 @p2 $0x1082  }
0x22: {  	[simem:s7], [sflag:s8] =	dma.local @!p0 [hbm:s6], $0xF7A  }
0x23: {  	s9 =	sor.u32 $0xD0000000, s2;
	s6 =	simm.s32 $0x108;
	_ =	swait.ge @!p0 [sflag:s8], $0x0  }
0x24: {  	s3 =	sadd.s32 $0x88, s3;
	s6 =	simm.s32 @!p1 $0x1082;
	[sflag:s4] =	ssyncset.s32 $0xFFFFF086  }
0x25: {  	[simem:s6], [sflag:s4] =	dma.local [hbm:s3], $0xF7A  }
0x26: {  	[smem:$0x3F9D] =	sst s1;
	(tag) =	ssettag s2;
	_ =	strace s9  }
0x27: {  	s1 =	sld [smem:$0x3FAD]  }
0x28: {  	s2 =	sld [smem:$0x3FAE]  }
0x29: {  	s4 =	sld [smem:$0x3FB0]  }
0x2a: {  	p0 =	seq.s32 s5, $0x0;
	s5 =	sld [smem:$0x3FB1]  }
0x2b: {  	s6 =	sld [smem:$0x3FB2]  }
0x2c: {  	s7 =	sld [smem:$0x3FB3]  }
0x2d: {  	s3 =	simm.s32 $0x108;
	s8 =	sld [smem:$0x3FB4]  }
0x2e: {  	s3 =	simm.s32 @!p0 $0x1082;
	s9 =	sld [smem:$0x3FB5]  }
0x2f: {  	lr =	sadd.s32 s0, s3;
	s0 =	sld [smem:$0x3FAC]  }
0x30: {  	s3 =	sld [smem:$0x3FAF]  }
0x31: {  	[smem:$0x3FB8] =	sst s10  }
0x32: {  	s10 =	sld [smem:$0x3FB6];
	_ =	sdelay $0x3  }
0x33: {  	p0 =	seq.s32 s10, $0x1;
	s10 =	sld [smem:$0x3FB8];
	_ =	sdelay $0x3  }
0x34: {  	[smem:$0x3FB8] =	sst s10  }
0x35: {  	s10 =	sld [smem:$0x3FB7];
	_ =	sdelay $0x3  }
0x36: {  	p1 =	seq.s32 s10, $0x1;
	s10 =	sld [smem:$0x3FB8];
	_ =	sdelay $0x3  }
0x37: {  	[smem:$0x3FB8] =	sst s10  }
0x38: {  	s10 =	sld [smem:$0x3FB9]  }
0x39: {  	_ = 	snop;
	(pc) =	sbr.ind lr, $3  }
0x3a: {  	_ = 	snop  }
0x3b: {  	_ = 	snop  }
0x3c: {  	p2 =	seq.s32 s10, $0x1;
	s10 =	sld [smem:$0x3FB8]  }
0x3d: {  	_ =	shalt  }
0x3e: {  	_ =	shalt  }
0x3f: {  	_ =	shalt  }
0x40: {  	_ =	shalt  }
0x41: {  	_ =	shalt  }
0x42: {  	_ =	shalt  }
0x43: {  	_ =	shalt  }
0x44: {  	_ =	shalt  }
0x45: {  	_ =	shalt  }
0x46: {  	_ =	shalt  }
0x47: {  	_ =	shalt  }
0x48: {  	_ =	shalt  }
0x49: {  	_ =	shalt  }
0x4a: {  	_ =	shalt  }
0x4b: {  	_ =	shalt  }
0x4c: {  	_ =	shalt  }
0x4d: {  	_ =	shalt  }
0x4e: {  	_ =	shalt  }
0x4f: {  	_ =	shalt  }
0x50: {  	_ =	shalt  }
0x51: {  	_ =	shalt  }
0x52: {  	_ =	shalt  }
0x53: {  	_ =	shalt  }
0x54: {  	_ =	shalt  }
0x55: {  	_ =	shalt  }
0x56: {  	_ =	shalt  }
0x57: {  	_ =	shalt  }
0x58: {  	_ =	shalt  }
0x59: {  	_ =	shalt  }
0x5a: {  	_ =	shalt  }
0x5b: {  	_ =	shalt  }
0x5c: {  	_ =	shalt  }
0x5d: {  	_ =	shalt  }
0x5e: {  	_ =	shalt  }
0x5f: {  	_ =	shalt  }
0x60: {  	_ =	shalt  }
0x61: {  	_ =	shalt  }
0x62: {  	_ =	shalt  }
0x63: {  	_ =	shalt  }
0x64: {  	_ =	shalt  }
0x65: {  	_ =	shalt  }
0x66: {  	_ =	shalt  }
0x67: {  	_ =	shalt  }
0x68: {  	_ =	shalt  }
0x69: {  	_ =	shalt  }
0x6a: {  	_ =	shalt  }
0x6b: {  	_ =	shalt  }
0x6c: {  	_ =	shalt  }
0x6d: {  	_ =	shalt  }
0x6e: {  	_ =	shalt  }
0x6f: {  	_ =	shalt  }
0x70: {  	_ =	shalt  }
0x71: {  	_ =	shalt  }
0x72: {  	_ =	shalt  }
0x73: {  	_ =	shalt  }
0x74: {  	_ =	shalt  }
0x75: {  	_ =	shalt  }
0x76: {  	_ =	shalt  }
0x77: {  	_ =	shalt  }
0x78: {  	_ =	shalt  }
0x79: {  	_ =	shalt  }
0x7a: {  	_ =	shalt  }
0x7b: {  	_ =	shalt  }
0x7c: {  	_ =	shalt  }
0x7d: {  	_ =	shalt  }
0x7e: {  	_ =	shalt  }
0x7f: {  	_ =	shalt  }
0x80: {  	_ =	shalt  }
0x81: {  	_ =	shalt  }
0x82: {  	_ =	shalt  }
0x83: {  	_ =	shalt  }
0x84: {  	_ =	shalt  }
0x85: {  	_ =	shalt  }
0x86: {  	_ =	shalt  }
0x87: {  	_ =	shalt  }
.Lfunc_end0:
.L_simem_size_0:
called_computation.4_lowered:
.L_overlay_start_0:
0x88: {  	s2 =	sld [smem:$0x3FD9]  }
0x89: {  	s3 =	sld [smem:$0x3FFE];
	_ =	sdelay $0x1  }
0x8a: {  	s1 =	srdreg.scid  }
0x8b: {  	s0 =	sand.u32 $0x1, s1  }
0x8c: {  	s17 =	sshll.u32 s0, $0xA;
	s2 =	sadd.s32 s3, s2  }
0x8d: {  	s2 =	sadd.s32 s2, s17  }
0x8e: {  	[smem:$0x3FC4] =	sst s2  }
0x8f: {  	_ = 	snop  }
0x90: {  	(tm) =	ssettm $0x1  }
0x91: {  	s18 =	sld [smem:$0x3FFB];
	_ =	sdelay $0x3  }
0x92: {  	_ =	strace s18  }
0x93: {  	s2 =	sld [smem:$0x3FFC];
	_ =	sdelay $0x3  }
0x94: {  	_ =	strace s2  }
0x95: {  	s2 =	sld [smem:$0x3FFD];
	_ =	sdelay $0x3  }
0x96: {  	_ =	strace s2  }
0x97: {  	_ =	strace $0x8FFFFFFF  }
0x98: {  	s19 =	sld [smem:$0x3FDB];
	_ =	sdelay $0x1  }
0x99: {  	s20 =	simm.s32 $_scs_section_size  }
0x9a: {  	s4 =	simm.s32 $_size__tile_overlayer_lowered;
	s5 =	simm.s32 $_tile_overlayer_lowered  }
0x9b: {  	s6 =	simm.s32 $0x1BFF;
	s21 =	sshll.u32 s5, $0x1;
	s3 =	sadd.s32 s20, s19  }
0x9c: {  	s22 =	simm.s32 $0x0;
	s4 =	sshll.u32 s4, $0x1;
	s5 =	sadd.s32 s21, s3  }
0x9d: {  	[timem:s22], [sflag:s6] =	dma.local [hbm:s5], s4  }
0x9e: {  	_ =	swait.ge [sflag:s6], s4  }
0x9f: {  	s4 =	ssub.s32 $0x0, s4;
	[sflag:s6] =	ssyncset.done $0x0  }
0xa0: {  	[sflag:s6] =	ssyncadd.s32 s4;
	_ =	sdelay $0x1  }
0xa1: {  	s23 =	simm.s32 $0x1B8B  }
0xa2: {  	_ =	swait.ge [sflag:s23], $0x1  }
0xa3: {  	[sflag:s23] =	ssyncset.done $0x0  }
0xa4: {  	[sflag:s23] =	ssyncadd.s32 $0xFFFFFFFF  }
0xa5: {  	s4 =	sld [smem:$0x0]  }
0xa6: {  	s5 =	sand.u32 $0xFFFFFFFE, s1  }
0xa7: {  	p0 =	sne.s32 s1, s5  }
0xa8: {  	s5 =	sshll.u32 @p0 s5, $0xE  }
0xa9: {  	s5 =	sadd.s32 @p0 $0x11B8D, s5;
	s6 =	sshll.u32 @p0 s4, $0x11  }
0xaa: {  	s5 =	sor.u32 @p0 s6, s5  }
0xab: {  	[sflag:s5] =	ssyncadd.remote.s32 @p0 $0x1;
	_ =	sdelay $0x1  }
0xac: {  	s5 =	simm.s32 @p0 $0x1B8D  }
0xad: {  	_ =	swait.eq @p0 [sflag:s5], $0x1  }
0xae: {  	[sflag:s5] =	ssyncadd.s32 @p0 $0xFFFFFFFF  }
0xaf: {  	s6 =	sshll.u32 @!p0 s1, $0xE  }
0xb0: {  	s6 =	sor.u32 @!p0 $0x4000, s6;
	s5 =	simm.s32 @!p0 $0x1B8D  }
0xb1: {  	s4 =	sshll.u32 @!p0 s4, $0x11;
	s6 =	sadd.s32 @!p0 $0x11B8D, s6;
	_ =	swait.eq @!p0 [sflag:s5], $0x1  }
0xb2: {  	s4 =	sor.u32 @!p0 s4, s6;
	[sflag:s5] =	ssyncadd.s32 @!p0 $0xFFFFFFFF  }
0xb3: {  	s25 =	simm.s32 $0x1B8E;
	s24 =	sld [smem:$0x3FFE];
	[sflag:s4] =	ssyncadd.remote.s32 @!p0 $0x1  }
0xb4: {  	s26 =	simm.s32 $execute0_lowered;
	[smem:$0x3FD2] =	sst s25  }
0xb5: {  	s5 =	sshll.u32 s26, $0x1;
	_ =	strace $0x80000052;
	[dreg:$0x1] =	wrdreg $0xFFFFFFFF  }
0xb6: {  	s28 =	simm.s32 $_size_execute0_lowered;
	s3 =	sadd.s32 s3, s5;
	[dreg:$0x0] =	wrdreg $0x0  }
0xb7: {  	s5 =	sshll.u32 s28, $0x1;
	[dreg:$0x2] =	wrdreg s3  }
0xb8: {  	[dreg:$0x3] =	wrdreg s5  }
0xb9: {  	[dreg:$0x4] =	wrdreg $0xC0  }
0xba: {  	_ =	task [dreg:s22], $0x5FFFF  }
0xbb: {  	[dreg:$0x1] =	wrdreg $0xFFFFFFFF  }
0xbc: {  	[dreg:$0x0] =	wrdreg $0x60  }
0xbd: {  	[dreg:$0x2] =	wrdreg s24  }
0xbe: {  	[dreg:$0x3] =	wrdreg $0xD  }
0xbf: {  	_ =	task.clear_ibuf [dreg:s22], $0x4FFFF;
	_ =	strace $0x90000052  }
0xc0: {  	s29 =	simm.s32 $0xD;
	_ =	strace $0x80000054  }
0xc1: {  	_ =	swait.ge [sflag:s29], $0x1  }
0xc2: {  	[sflag:s29] =	ssyncadd.s32 $0xFFFFFFFF  }
0xc3: {  	_ =	strace $0x90000054  }
0xc4: {  	_ =	sfence  }
0xc5: {  	s30 =	sld [smem:$0x0];
	_ =	sdelay $0x2  }
0xc6: {  	s31 =	sshll.u32 s1, $0xD;
	s1 =	sshrl.u32 s1, $0x2  }
0xc7: {  	s4 =	sand.u32 $0x4000, s31;
	s1 =	sadd.s32 s1, s30  }
0xc8: {  	s0 =	sor.u32 s4, s0;
	s1 =	sshll.u32 s1, $0x11  }
0xc9: {  	s0 =	sor.u32 s1, s0  }
0xca: {  	s0 =	sadd.s32 $0x8F2B, s0  }
0xcb: {  	[sflag:s0] =	ssyncadd.remote.s32 $0x1  }
0xcc: {  	_ =	sfence.sel $0xFFFF  }
0xcd: {  	[dreg:$0x0] =	wrdreg $0xFFFFFFFF;
	(pc) =	sbr.abs _section_cstart, $3  }
0xce: {  	[dreg:$0x1] =	wrdreg $0xFFFFFFFF  }
0xcf: {  	_ =	task.clear_ibuf [dreg:s22], $0x2FFFF;
	_ =	strace $0x9FFFFFFF  }
0xd0: {  	(tm) =	ssettm $0x7FFFFFFF  }
0xd1: {  	_ =	shalt  }
tec
execute0_lowered:
.L_overlay_start_1:
0x0: {  	(tag) =	ssettag $0x1  }
0x1: {  	s1 =	srdreg.scid;
	s0 =	stileid.u32  }
0x2: {  	s22 =	sand.u32 $0x1, s1;
	s30 =	sshll.u32 s0, $0x1  }
0x3: {  	s10 =	sor.u32 s22, s30  }
0x4: {  	s3 =	smul.u32 $0x28, s10  }
0x5: {  	s9 =	rddreg [dreg:$0x0];
	s2 =	simm.s32 $0x0  }
0x6: {  	s4 =	simm.s32 $0x5;
	[smem:$0x7FF] =	sst s2;
	s3 =	sadd.s32 s3, s9  }
0x7: {  	s1 =	rddreg [dreg:$0x1];
	_ =	strace $0x80000053;
	s3 =	sadd.s32 $0x2C000, s3  }
0x8: {  	[tilespmem:s2], [sflag:$0x5] =	stream.linear.gather [hbm4b:s3+s2], $0x140, $0x38;
	[tilespmem:$0x5180] =	vst v63  }
0x9: {  	s6 =	simm.s32 $0x50;
	_ =	swait.ge [sflag:s4], $0x140  }
0xa: {  	s7 =	simm.s32 $0x180;
	s8 =	simm.s32 $0x1;
	[sflag:s4] =	ssyncset.done $0x0  }
0xb: {  	s5 =	sadd.s32 $0x3600, s9;
	s11 =	smul.u32 $0x1400, s10;
	[sflag:s4] =	ssyncadd.s32 $0xFFFFFEC0  }
0xc: {  	[tilespmem:s7], [sflag:$0x1] =	stream.indirect.gather [hbm4b:s5+s6], $0x80, s2, s6, $0xb8;
	[tilespmem:$0x5180] =	vst v63  }
0xd: {  	_ =	swait.ge [sflag:s8], $0x2800  }
0xe: {  	s23 =	sadd.s32 s11, s9;
	[sflag:s8] =	ssyncset.done $0x0  }
0xf: {  	p0 =	seq.s32 s10, $0x1F;
	s9 =	sadd.s32 $0xA1C00, s23;
	[sflag:s8] =	ssyncadd.s32 $0xFFFFD800  }
0x10: {  	[hbm4b:s9+s2] =	stream.linear.scatter [tilespmem:s7], [sflag:$0x3], $0x2800, $0x38;
	[tilespmem:$0x5180] =	vst v63  }
0x11: {  	s10 =	simm.s32 @!p0 $0x50;
	s12 =	simm.s32 @!p0 $0x2;
	s11 =	simm.s32 @!p0 $0x2980  }
0x12: {  	[tilespmem:s11], [sflag:$0x2] =	stream.indirect.gather @!p0 [hbm4b:s5+s10], $0x80, s10, s10, $0xb8;
	[tilespmem:$0x5180] =	vst v63  }
0x13: {  	_ =	swait.ge @!p0 [sflag:s12], $0x2800  }
0x14: {  	s14 =	simm.s32 @!p0 $0x0;
	[sflag:s12] =	ssyncset.done @!p0 $0x0  }
0x15: {  	s15 =	simm.s32 @!p0 $0x3;
	s13 =	sadd.s32 $0xA2100, s23;
	[sflag:s12] =	ssyncadd.s32 @!p0 $0xFFFFD800  }
0x16: {  	[hbm4b:s13+s14] =	stream.linear.scatter @!p0 [tilespmem:s11], [sflag:$0x4], $0x2800, $0x38;
	[tilespmem:$0x5180] =	vst v63  }
0x17: {  	_ =	swait.ge @!p0 [sflag:s15], $0x2800  }
0x18: {  	s16 =	simm.s32 @!p0 $0x1;
	[sflag:s15] =	ssyncset.done @!p0 $0x0  }
0x19: {  	s17 =	simm.s32 @!p0 $0xA0;
	s18 =	simm.s32 @!p0 $0x180;
	[sflag:s15] =	ssyncadd.s32 @!p0 $0xFFFFD800  }
0x1a: {  	[tilespmem:s18], [sflag:$0x1] =	stream.indirect.gather @!p0 [hbm4b:s5+s10], $0x80, s17, s10, $0xb8;
	[tilespmem:$0x5180] =	vst v63  }
0x1b: {  	_ =	swait.ge @!p0 [sflag:s16], $0x2800  }
0x1c: {  	[sflag:s16] =	ssyncset.done @!p0 $0x0  }
0x1d: {  	s20 =	simm.s32 @!p0 $0x4;
	s19 =	sadd.s32 $0xA2600, s23;
	[sflag:s16] =	ssyncadd.s32 @!p0 $0xFFFFD800  }
0x1e: {  	[hbm4b:s19+s14] =	stream.linear.scatter @!p0 [tilespmem:s18], [sflag:$0x3], $0x2800, $0x38;
	[tilespmem:$0x5180] =	vst v63  }
0x1f: {  	s24 =	ssub.s32 $0x2, s22;
	_ =	swait.ge @!p0 [sflag:s20], $0x2800  }
0x20: {  	s25 =	sshrl.u32 s24, $0x1;
	[sflag:s20] =	ssyncset.done @!p0 $0x0  }
0x21: {  	s21 =	simm.s32 @!p0 $0xF0;
	s31 =	ssub.s32 s24, s25;
	[sflag:s20] =	ssyncadd.s32 @!p0 $0xFFFFD800  }
0x22: {  	[tilespmem:s11], [sflag:$0x2] =	stream.indirect.gather @!p0 [hbm4b:s5+s10], $0x80, s21, s10, $0xb8;
	[tilespmem:$0x5180] =	vst v63  }
0x23: {  	s24 =	smax.u32 s31, $0x1;
	_ =	swait.ge @!p0 [sflag:s12], $0x2800  }
0x24: {  	s24 =	sadd.s32 $0xFFFFFFFF, s24;
	[sflag:s12] =	ssyncset.done @!p0 $0x0  }
0x25: {  	s22 =	sadd.s32 $0xA2B00, s23;
	p1 =	sne.s32 s24, $0x0;
	[sflag:s12] =	ssyncadd.s32 @!p0 $0xFFFFD800  }
0x26: {  	[hbm4b:s22+s14] =	stream.linear.scatter @!p0 [tilespmem:s11], [sflag:$0x4], $0x2800, $0x38;
	[tilespmem:$0x5180] =	vst v63  }
.Ltmp0:
0x27: {  	_ =	swait.ge @!p0 [sflag:s15], $0x2800;
	(pc) =	sbr.rel @!p1 .LBB2_2-.Ltmp0, $4  }
0x28: {  	s23 =	simm.s32 @!p0 $0x4;
	[sflag:s15] =	ssyncset.done @!p0 $0x0  }
0x29: {  	s23 =	simm.s32 @p0 $0x3;
	[sflag:s15] =	ssyncadd.s32 @!p0 $0xFFFFD800  }
0x2a: {  	_ =	swait.ge [sflag:s23], $0x2800  }
0x2b: {  	[sflag:s23] =	ssyncset.done $0x0  }
.LBB2_1:
0x2c: {  	s24 =	sadd.s32 $0xFFFFFFFF, s24;
	[sflag:s23] =	ssyncadd.s32 $0xFFFFD800  }
0x2d: {  	[tilespmem:s2], [sflag:$0x5] =	stream.linear.gather [hbm4b:s3+s2], $0x140, $0x38;
	[tilespmem:$0x5180] =	vst v63  }
0x2e: {  	p1 =	sne.s32 s24, $0x0;
	_ =	swait.ge [sflag:s4], $0x140  }
0x2f: {  	[sflag:s4] =	ssyncset.done $0x0  }
0x30: {  	[sflag:s4] =	ssyncadd.s32 $0xFFFFFEC0  }
0x31: {  	[tilespmem:s7], [sflag:$0x1] =	stream.indirect.gather [hbm4b:s5+s6], $0x80, s2, s6, $0xb8;
	[tilespmem:$0x5180] =	vst v63  }
0x32: {  	_ =	swait.ge [sflag:s8], $0x2800  }
0x33: {  	[sflag:s8] =	ssyncset.done $0x0  }
0x34: {  	[sflag:s8] =	ssyncadd.s32 $0xFFFFD800  }
0x35: {  	[hbm4b:s9+s2] =	stream.linear.scatter [tilespmem:s7], [sflag:$0x3], $0x2800, $0x38;
	[tilespmem:$0x5180] =	vst v63  }
0x36: {  	_ = 	snop  }
0x37: {  	[tilespmem:s11], [sflag:$0x2] =	stream.indirect.gather @!p0 [hbm4b:s5+s10], $0x80, s10, s10, $0xb8;
	[tilespmem:$0x5180] =	vst v63  }
0x38: {  	_ =	swait.ge @!p0 [sflag:s12], $0x2800  }
0x39: {  	[sflag:s12] =	ssyncset.done @!p0 $0x0  }
0x3a: {  	[sflag:s12] =	ssyncadd.s32 @!p0 $0xFFFFD800  }
0x3b: {  	[hbm4b:s13+s14] =	stream.linear.scatter @!p0 [tilespmem:s11], [sflag:$0x4], $0x2800, $0x38;
	[tilespmem:$0x5180] =	vst v63  }
0x3c: {  	_ =	swait.ge @!p0 [sflag:s15], $0x2800  }
0x3d: {  	[sflag:s15] =	ssyncset.done @!p0 $0x0  }
0x3e: {  	[sflag:s15] =	ssyncadd.s32 @!p0 $0xFFFFD800  }
0x3f: {  	[tilespmem:s18], [sflag:$0x1] =	stream.indirect.gather @!p0 [hbm4b:s5+s10], $0x80, s17, s10, $0xb8;
	[tilespmem:$0x5180] =	vst v63  }
0x40: {  	_ =	swait.ge @!p0 [sflag:s16], $0x2800  }
0x41: {  	[sflag:s16] =	ssyncset.done @!p0 $0x0  }
0x42: {  	[sflag:s16] =	ssyncadd.s32 @!p0 $0xFFFFD800  }
0x43: {  	[hbm4b:s19+s14] =	stream.linear.scatter @!p0 [tilespmem:s18], [sflag:$0x3], $0x2800, $0x38;
	[tilespmem:$0x5180] =	vst v63  }
0x44: {  	_ =	swait.ge @!p0 [sflag:s20], $0x2800  }
0x45: {  	[sflag:s20] =	ssyncset.done @!p0 $0x0  }
0x46: {  	[sflag:s20] =	ssyncadd.s32 @!p0 $0xFFFFD800  }
0x47: {  	[tilespmem:s11], [sflag:$0x2] =	stream.indirect.gather @!p0 [hbm4b:s5+s10], $0x80, s21, s10, $0xb8;
	[tilespmem:$0x5180] =	vst v63  }
0x48: {  	_ =	swait.ge @!p0 [sflag:s12], $0x2800  }
0x49: {  	[sflag:s12] =	ssyncset.done @!p0 $0x0  }
0x4a: {  	[sflag:s12] =	ssyncadd.s32 @!p0 $0xFFFFD800  }
0x4b: {  	[hbm4b:s22+s14] =	stream.linear.scatter @!p0 [tilespmem:s11], [sflag:$0x4], $0x2800, $0x38;
	[tilespmem:$0x5180] =	vst v63  }
.Ltmp1:
0x4c: {  	_ =	swait.ge @!p0 [sflag:s15], $0x2800;
	(pc) =	sbr.rel @p1 .LBB2_1-.Ltmp1, $4  }
0x4d: {  	[sflag:s15] =	ssyncset.done @!p0 $0x0  }
0x4e: {  	[sflag:s15] =	ssyncadd.s32 @!p0 $0xFFFFD800  }
0x4f: {  	_ =	swait.ge [sflag:s23], $0x2800  }
0x50: {  	[sflag:s23] =	ssyncset.done $0x0  }
.LBB2_2:
0x51: {  	[sflag:s23] =	ssyncadd.s32 $0xFFFFD800  }
0x52: {  	_ =	sfence.sel $0x180000  }
0x53: {  	[bflag:$0x0] =	sbarrier.arrive $0xFFFF  }
0x54: {  	p0 =	sne.s32 s0, $0x0;
	_ =	strace $0x90000053  }
0x55: {  	s0 =	sadd.s32 @!p0 $0x100000, s1;
	[bflag:$0x2] =	sbarrier.arrive $0xFFFF  }
0x56: {  	[sflag:s0] =	ssyncadd.tile.s32 @!p0 $0x1;
	_ =	shalt  }
.Lfunc_end2:
_tile_overlayer_lowered:
.L_overlay_start_2:
0x57: {  	(tag) =	ssettag $0x2  }
0x58: {  	s0 =	rddreg [dreg:$0x0];
	s2 =	stileid.u32  }
0x59: {  	s1 =	rddreg [dreg:$0x1];
	p0 =	sne.s32 s2, $0x0  }
0x5a: {  	s3 =	rddreg [dreg:$0x2];
	[bflag:$0x3] =	sbarrier.arrive $0xFFFF;
	s2 =	simm.s32 @!p0 $0x1C05  }
0x5b: {  	[timem:s3], [sflag:s2] =	dma.local @!p0 [hbm:s0], s1  }
0x5c: {  	s0 =	simm.s32 @!p0 $0x5  }
0x5d: {  	_ =	swait.ge @!p0 [sflag:s0], s1  }
0x5e: {  	s1 =	ssub.s32 @!p0 $0x0, s1;
	[sflag:s0] =	ssyncset.done @!p0 $0x0  }
0x5f: {  	[sflag:s0] =	ssyncadd.s32 @!p0 s1  }
0x60: {  	[bflag:$0x3] =	sbarrier.arrive $0xFFFF  }
0x61: {  	_ =	shalt  }

</sc_bundles>
